<compile_context>
chip_gen: v7x
topology: tpu7x:2x2x1
jax: 0.10.2.dev20260603
libtpu: 0.0.44.dev20260713+nightly
codegen_flags: <defaults>
</compile_context>

<pallas_src>
import functools

import jax
import jax.numpy as jnp
from jax import lax
from jax.experimental import pallas as pl
from jax.experimental.pallas import tpu as pltpu
from jax.experimental.pallas import tpu_sc as plsc

_G = 32
_NP = 111
_N = _G * _NP
_D1 = 128
_PB = 1024
_NEG = -3.0e38


def _pae_body(ea_ref, w1_ref, w2_ref, e_ref, mx_ref, run_ref):
    i = pl.program_id(0)
    h = jnp.maximum(jnp.dot(ea_ref[...], w1_ref[...],
                            preferred_element_type=jnp.float32,
                 precision=lax.Precision.HIGHEST), 0.0)
    e = jnp.sum(h * w2_ref[...], axis=1)
    e_ref[...] = e
    m = jnp.max(e)

    @pl.when(i == 0)
    def _():
        run_ref[0, 0] = m

    @pl.when(i > 0)
    def _():
        run_ref[0, 0] = jnp.maximum(run_ref[0, 0], m)

    @pl.when(i == pl.num_programs(0) - 1)
    def _():
        mx_ref[...] = jnp.full((8, 128), run_ref[0, 0], jnp.float32)


def _pae(edge_attr, W1, w2row):
    E = edge_attr.shape[0]
    nb = E // _PB
    return pl.pallas_call(
        _pae_body,
        grid=(nb,),
        in_specs=[
            pl.BlockSpec((_PB, _D1), lambda i: (i, 0)),
            pl.BlockSpec((_D1, 64), lambda i: (0, 0)),
            pl.BlockSpec((1, 64), lambda i: (0, 0)),
        ],
        out_specs=[
            pl.BlockSpec((_PB,), lambda i: (i,)),
            pl.BlockSpec((8, 128), lambda i: (0, 0)),
        ],
        out_shape=[
            jax.ShapeDtypeStruct((E,), jnp.float32),
            jax.ShapeDtypeStruct((8, 128), jnp.float32),
        ],
        scratch_shapes=[pltpu.SMEM((1, 1), jnp.float32)],
    )(edge_attr, W1, w2row)


_E = 113664
_EP = 114688
_EPT = 7168
_VPT = 448
_CN = 32 * 128 * 128
_DUM = _CN
_ND = 3584
_SLC = _CN // 16
_ROUNDS = 8


def _spmid_body(e1, row1, col1, mx, a_out,
                win_sh, den_sh,
                ev, rowv, colv, exv, cellv, cqv, wv, dnv, scv,
                eav, oav, idf, zbuf, nbuf, mxv, sem):
    s = lax.axis_index("s")
    iota = lax.iota(jnp.int32, 16)
    base_edge = s * _EPT

    pltpu.sync_copy(e1.at[pl.ds(base_edge, _EPT)], ev)
    pltpu.sync_copy(row1.at[pl.ds(base_edge, _EPT)], rowv)
    pltpu.sync_copy(col1.at[pl.ds(base_edge, _EPT)], colv)
    pltpu.sync_copy(mx.at[pl.ds(0, 16)], mxv)
    mx16 = mxv[...]

    @plsc.parallel_loop(0, 128, unroll=8)
    def zb(i):
        zbuf[pl.ds(i * 16, 16)] = jnp.zeros((16,), jnp.float32)
        nbuf[pl.ds(i * 16, 16)] = jnp.full((16,), -1.0, jnp.float32)

    def init_sh(i, _):
        off = s * _SLC + i * 2048
        pltpu.sync_copy(nbuf, win_sh.at[pl.ds(off, 2048)])
        return 0
    lax.fori_loop(0, _SLC // 2048, init_sh, 0)

    @pl.when(s == 0)
    def _():
        pltpu.sync_copy(nbuf.at[pl.ds(0, 128)], win_sh.at[pl.ds(_CN, 128)])
        pltpu.sync_copy(zbuf, den_sh.at[pl.ds(0, 2048)])
        pltpu.sync_copy(zbuf.at[pl.ds(0, _ND - 2048)],
                        den_sh.at[pl.ds(2048, _ND - 2048)])

    @plsc.parallel_loop(0, _VPT, unroll=8)
    def p1(v):
        sl = pl.ds(v * 16, 16)
        exx = jnp.exp(ev[sl] - mx16)
        rr = rowv[sl]
        cc = colv[sl]
        eid = base_edge + v * 16 + iota
        valid = eid < _E
        g = lax.div(rr, 111)
        cell = g * 16384 + (rr - g * 111) * 128 + (cc - g * 111)
        idq = jnp.where(valid, eid, -1)
        exv[sl] = exx
        cellv[sl] = jnp.where(valid, cell, _DUM + iota)
        idf[sl] = idq.astype(jnp.float32)
        cqv[sl] = jnp.where(valid, cc, 3552 + iota)
    plsc.subcore_barrier()

    pltpu.sync_copy(exv, den_sh.at[cqv], add=True)
    pltpu.async_copy(idf, win_sh.at[cellv], sem).wait()
    plsc.subcore_barrier()

    for _r in range(_ROUNDS - 1):
        pltpu.async_copy(win_sh.at[cellv], wv, sem).wait()
        plsc.subcore_barrier()

        @plsc.parallel_loop(0, _VPT, unroll=8)
        def upd(v):
            sl = pl.ds(v * 16, 16)
            m = idf[sl] > wv[sl]
            scv[sl] = jnp.where(m, cellv[sl], _DUM + iota)
        pltpu.async_copy(idf, win_sh.at[scv], sem).wait()
        plsc.subcore_barrier()

    d1 = pltpu.async_copy(win_sh.at[cellv], wv, sem)
    d2 = pltpu.async_copy(den_sh.at[cqv], dnv, sem)
    d1.wait()
    d2.wait()

    @plsc.parallel_loop(0, _VPT, unroll=8)
    def p4(v):
        sl = pl.ds(v * 16, 16)
        ea = exv[sl] / (dnv[sl] + 1e-9)
        m = wv[sl] == idf[sl]
        eav[sl] = ea
        oav[sl] = jnp.where(m, cellv[sl], _DUM + iota)
    plsc.subcore_barrier()

    def rz(i, _):
        off = s * _SLC + i * 2048
        pltpu.sync_copy(zbuf, win_sh.at[pl.ds(off, 2048)])
        return 0
    lax.fori_loop(0, _SLC // 2048, rz, 0)

    @pl.when(s == 0)
    def _():
        pltpu.sync_copy(zbuf.at[pl.ds(0, 128)], win_sh.at[pl.ds(_CN, 128)])
    plsc.subcore_barrier()
    pltpu.async_copy(eav, win_sh.at[oav], sem).wait()
    plsc.subcore_barrier()
    pltpu.sync_copy(win_sh.at[pl.ds(s * _SLC, _SLC)],
                    a_out.at[pl.ds(s * _SLC, _SLC)])


def _sparse_mid(e, row, col, mxflat):
    pad = _EP - _E
    e1 = jnp.concatenate([e, jnp.full((pad,), -1e30, jnp.float32)])
    r1 = jnp.concatenate([row, jnp.zeros((pad,), jnp.int32)])
    c1 = jnp.concatenate([col, jnp.zeros((pad,), jnp.int32)])
    f = pl.kernel(
        _spmid_body,
        out_type=jax.ShapeDtypeStruct((_CN,), jnp.float32),
        mesh=plsc.VectorSubcoreMesh(core_axis_name="c", subcore_axis_name="s",
                                    num_cores=1),
        scratch_types=[
            pltpu.MemorySpace.VMEM_SHARED((_CN + 128,), jnp.float32),
            pltpu.MemorySpace.VMEM_SHARED((_ND,), jnp.float32),
            pltpu.VMEM((_EPT,), jnp.float32),
            pltpu.VMEM((_EPT,), jnp.int32),
            pltpu.VMEM((_EPT,), jnp.int32),
            pltpu.VMEM((_EPT,), jnp.float32),
            pltpu.VMEM((_EPT,), jnp.int32),
            pltpu.VMEM((_EPT,), jnp.int32),
            pltpu.VMEM((_EPT,), jnp.float32),
            pltpu.VMEM((_EPT,), jnp.float32),
            pltpu.VMEM((_EPT,), jnp.int32),
            pltpu.VMEM((_EPT,), jnp.float32),
            pltpu.VMEM((_EPT,), jnp.int32),
            pltpu.VMEM((_EPT,), jnp.float32),
            pltpu.VMEM((2048,), jnp.float32),
            pltpu.VMEM((2048,), jnp.float32),
            pltpu.VMEM((16,), jnp.float32),
            pltpu.SemaphoreType.DMA,
        ],
    )
    return f(e1, r1, c1, mxflat)


def _iota2(n, axis):
    return lax.broadcasted_iota(jnp.int32, (n, n), axis)


def _norm128(A, nvalid, ii, jj):
    eye = jnp.where((ii == jj) & (ii < nvalid), 1.0, 0.0)
    d = jnp.sum(A, axis=1, keepdims=True) + 1.0
    dinv = lax.rsqrt(d + 1e-9)
    B = (A + eye) * dinv
    diagm = jnp.where(ii == jj, 1.0, 0.0) * dinv
    return jnp.dot(B, diagm, preferred_element_type=jnp.float32,
                 precision=lax.Precision.HIGHEST)


def _topk_mats(scores_col, nvalid, k, ii, jj):
    rowi = lax.broadcasted_iota(jnp.int32, (128, 1), 0)
    sc = jnp.where(rowi < nvalid, scores_col, _NEG)
    eye = jnp.where(ii == jj, 1.0, 0.0)
    s_row = jnp.dot(jnp.ones((1, 128), jnp.float32), eye * sc,
                    preferred_element_type=jnp.float32,
                 precision=lax.Precision.HIGHEST)
    s_j = jnp.broadcast_to(s_row, (128, 128))
    s_i = jnp.broadcast_to(sc, (128, 128))
    more = (s_j > s_i) | ((s_j == s_i) & (jj < ii))
    rank = jnp.sum(more.astype(jnp.float32), axis=1, keepdims=True)
    rank_row = jnp.dot(jnp.ones((1, 128), jnp.float32), eye * rank,
                       preferred_element_type=jnp.float32,
                 precision=lax.Precision.HIGHEST)
    rank_cols = jnp.broadcast_to(rank_row, (128, 128))
    rank_rows = jnp.broadcast_to(rank, (128, 128))
    iif = ii.astype(jnp.float32)
    jjf = jj.astype(jnp.float32)
    R = jnp.where((iif == rank_cols) & (ii < k), 1.0, 0.0)
    RT = jnp.where((rank_rows == jjf) & (jj < k), 1.0, 0.0)
    vals = jnp.dot(R, sc, preferred_element_type=jnp.float32,
                 precision=lax.Precision.HIGHEST)
    return R, RT, vals


def _stage_c_body(a_ref, x_ref, wg1_ref, wsp1_ref, wg2_ref, wsp2_ref,
                  wp1_ref, wp2_ref, out_ref):
    ii = _iota2(128, 0)
    jj = _iota2(128, 1)
    A = a_ref[0]
    X = x_ref[0]
    An = _norm128(A, _NP, ii, jj)
    AX = jnp.dot(An, X, preferred_element_type=jnp.float32,
                 precision=lax.Precision.HIGHEST)
    xm = jnp.maximum(jnp.dot(AX, wg1_ref[...],
                             preferred_element_type=jnp.float32,
                 precision=lax.Precision.HIGHEST), 0.0)
    xp = jnp.maximum(jnp.dot(AX, wsp1_ref[...],
                             preferred_element_type=jnp.float32,
                 precision=lax.Precision.HIGHEST), 0.0)
    X1 = jnp.concatenate([xm, xp], axis=1)
    s1 = jnp.dot(X1, wp1_ref[...], preferred_element_type=jnp.float32,
                 precision=lax.Precision.HIGHEST)
    R1, RT1, v1 = _topk_mats(s1, _NP, 56, ii, jj)
    Xp = jnp.dot(R1, X1, preferred_element_type=jnp.float32,
                 precision=lax.Precision.HIGHEST) * jnp.tanh(v1)
    Ap = jnp.dot(jnp.dot(R1, An, preferred_element_type=jnp.float32,
                 precision=lax.Precision.HIGHEST), RT1,
                 preferred_element_type=jnp.float32,
                 precision=lax.Precision.HIGHEST)
    row_i = lax.broadcasted_iota(jnp.int32, (128, 1), 0)
    Xp_m = jnp.where(row_i < 56, Xp, _NEG)
    max1 = jnp.max(Xp_m, axis=0, keepdims=True)
    mean1 = jnp.sum(Xp, axis=0, keepdims=True) * (1.0 / 56.0)

    An2 = _norm128(Ap, 56, ii, jj)
    AX2 = jnp.dot(An2, Xp, preferred_element_type=jnp.float32,
                 precision=lax.Precision.HIGHEST)
    xm2 = jnp.maximum(jnp.dot(AX2, wg2_ref[...],
                              preferred_element_type=jnp.float32,
                 precision=lax.Precision.HIGHEST), 0.0)
    xp2 = jnp.maximum(jnp.dot(AX2, wsp2_ref[...],
                              preferred_element_type=jnp.float32,
                 precision=lax.Precision.HIGHEST), 0.0)
    X2 = jnp.concatenate([xm2, xp2], axis=1)
    s2 = jnp.dot(X2, wp2_ref[...], preferred_element_type=jnp.float32,
                 precision=lax.Precision.HIGHEST)
    R2, _, v2 = _topk_mats(s2, 56, 28, ii, jj)
    Xq = jnp.dot(R2, X2, preferred_element_type=jnp.float32,
                 precision=lax.Precision.HIGHEST) * jnp.tanh(v2)
    Xq_m = jnp.where(row_i < 28, Xq, _NEG)
    max2 = jnp.max(Xq_m, axis=0, keepdims=True)
    mean2 = jnp.sum(Xq, axis=0, keepdims=True) * (1.0 / 28.0)

    out = jnp.concatenate([Xq[:28], max1, mean1, max2, mean2], axis=0)
    out_ref[0] = out


def _stage_c(A3, X3, Wg1, Wsp1, Wg2, Wsp2, wp1c, wp2c):
    return pl.pallas_call(
        _stage_c_body,
        grid=(_G,),
        in_specs=[
            pl.BlockSpec((1, 128, 128), lambda i: (i, 0, 0)),
            pl.BlockSpec((1, 128, 128), lambda i: (i, 0, 0)),
            pl.BlockSpec((128, 64), lambda i: (0, 0)),
            pl.BlockSpec((128, 64), lambda i: (0, 0)),
            pl.BlockSpec((128, 64), lambda i: (0, 0)),
            pl.BlockSpec((128, 64), lambda i: (0, 0)),
            pl.BlockSpec((128, 1), lambda i: (0, 0)),
            pl.BlockSpec((128, 1), lambda i: (0, 0)),
        ],
        out_specs=pl.BlockSpec((1, 32, 128), lambda i: (i, 0, 0)),
        out_shape=jax.ShapeDtypeStruct((_G, 32, 128), jnp.float32),
    )(A3, X3, Wg1, Wsp1, Wg2, Wsp2, wp1c, wp2c)


def _head_body(xc_ref, w1_ref, b1_ref, w2_ref, b2_ref, lo_ref, ft_ref):
    f = jnp.maximum(jnp.dot(xc_ref[...], w1_ref[...],
                            preferred_element_type=jnp.float32,
                 precision=lax.Precision.HIGHEST)
                    + b1_ref[...], 0.0)
    f = jnp.maximum(jnp.dot(f, w2_ref[...],
                            preferred_element_type=jnp.float32,
                 precision=lax.Precision.HIGHEST)
                    + b2_ref[...], 0.0)
    ft_ref[...] = f
    z = jnp.exp(f - jnp.max(f, axis=1, keepdims=True))
    lo_ref[...] = z / jnp.sum(z, axis=1, keepdims=True)


def _head(xcat, W1, b1r, W2, b2r):
    return pl.pallas_call(
        _head_body,
        out_shape=[
            jax.ShapeDtypeStruct((_G, 128), jnp.float32),
            jax.ShapeDtypeStruct((_G, 128), jnp.float32),
        ],
    )(xcat, W1, b1r, W2, b2r)


def kernel(x, edge_index, edge_attr, batch, num_graphs,
           W_pae1, W_pae2, W_g1, W_sp1, W_g2, W_sp2,
           w_p1, w_p2, W_lin1, b1, W_lin2, b2):
    E = edge_index.shape[1]
    row, col = edge_index[0], edge_index[1]

    e, mx = _pae(edge_attr, W_pae1, W_pae2.reshape(1, 64))
    A3 = _sparse_mid(e, row, col, mx.reshape(1024)).reshape(_G, 128, 128)

    X3 = jnp.zeros((_G, 128, 128), jnp.float32).at[:, :_NP, :].set(
        x.reshape(_G, _NP, _D1))
    out = _stage_c(A3, X3, W_g1, W_sp1, W_g2, W_sp2,
                   w_p1.reshape(128, 1), w_p2.reshape(128, 1))
    xcat = out.reshape(_G, 4096)
    x_lo, features = _head(xcat, W_lin1, b1.reshape(1, 256),
                           W_lin2, b2.reshape(1, 128))
    return (x_lo, features)

# --- scband reference (transcript-rebuilt; emitter-appended) ---
"""Pipeline reference for scband-psdbraingnn-68771016344264 (READ-ONLY COPY).

The authoritative reference and input builder live on the scoring server;
editing this copy changes nothing except your own understanding.
"""

import jax, jax.numpy as jnp
import numpy as np
import math

G = 32
N_PER = 111
N = G * N_PER
E = N * 32
D1 = 128   # dim1 (node / edge feature dim)
D2 = 64    # dim2 (gcn out dim)
NHID = 256
RATIO = 0.5


def _norm_adj(A):
    # add self loops + symmetric normalization D^-1/2 (A+I) D^-1/2
    n = A.shape[-1]
    A = A + jnp.eye(n, dtype=A.dtype)
    d = jnp.sum(A, axis=-1)
    dinv = 1.0 / jnp.sqrt(d + 1e-9)
    return A * dinv[..., :, None] * dinv[..., None, :]


def _gcn(A, X, W):
    return jax.nn.relu(jnp.matmul(jnp.matmul(A, X), W))


def _pool(X, A, w, ratio):
    # HGPSL-style top-k pooling (structure-learning term simplified away)
    n = X.shape[1]
    k = math.ceil(ratio * n)
    scores = jnp.squeeze(jnp.matmul(X, w[:, None]), -1)  # [G, n]
    vals, idx = jax.lax.top_k(scores, k)
    Xp = jnp.take_along_axis(X, idx[:, :, None], axis=1) * jnp.tanh(vals)[:, :, None]
    A1 = jnp.take_along_axis(A, idx[:, :, None], axis=1)
    Ap = jnp.take_along_axis(A1, idx[:, None, :], axis=2)
    return Xp, Ap


def setup_inputs(seed: int = 0) -> dict:
    key = jax.random.key(seed)
    ks = jax.random.split(key, 20)
    x = jax.random.normal(ks[0], (N, D1), dtype=jnp.float32)
    # within-graph random edges (nodes of graph g occupy [g*111, (g+1)*111))
    src = jax.random.randint(ks[1], (E,), 0, N)
    off = jax.random.randint(ks[2], (E,), 0, N_PER)
    dst = (src // N_PER) * N_PER + off
    edge_index = jnp.stack([src, dst]).astype(jnp.int32)
    edge_attr = jax.random.normal(ks[3], (E, D1), dtype=jnp.float32)
    batch = jnp.repeat(jnp.arange(G), N_PER).astype(jnp.int32)
    s = 0.05
    params = {
        'W_pae1': jax.random.normal(ks[4], (D1, 64), dtype=jnp.float32) * s,
        'W_pae2': jax.random.normal(ks[5], (64, 1), dtype=jnp.float32) * s,
        'W_g1': jax.random.normal(ks[6], (D1, D2), dtype=jnp.float32) * s,
        'W_sp1': jax.random.normal(ks[7], (D1, D2), dtype=jnp.float32) * s,
        'W_g2': jax.random.normal(ks[8], (2 * D2, D2), dtype=jnp.float32) * s,
        'W_sp2': jax.random.normal(ks[9], (2 * D2, D2), dtype=jnp.float32) * s,
        'w_p1': jax.random.normal(ks[10], (2 * D2,), dtype=jnp.float32) * s,
        'w_p2': jax.random.normal(ks[11], (2 * D2,), dtype=jnp.float32) * s,
        'W_lin1': jax.random.normal(ks[12], (28 * 2 * D2 + 4 * D2 + 4 * D2, NHID), dtype=jnp.float32) * s,
        'b1': jnp.zeros((NHID,), dtype=jnp.float32),
        'W_lin2': jax.random.normal(ks[13], (NHID, NHID // 2), dtype=jnp.float32) * s,
        'b2': jnp.zeros((NHID // 2,), dtype=jnp.float32),
    }
    inp = {'x': x, 'edge_index': edge_index, 'edge_attr': edge_attr, 'batch': batch, 'num_graphs': G}
    inp.update(params)
    return inp


def reference(x, edge_index, edge_attr, batch, num_graphs,
              W_pae1, W_pae2, W_g1, W_sp1, W_g2, W_sp2,
              w_p1, w_p2, W_lin1, b1, W_lin2, b2):
    row, col = edge_index[0], edge_index[1]
    # PAE edge network -> scalar edge weights
    h = jax.nn.relu(jnp.matmul(edge_attr, W_pae1))
    e = jnp.squeeze(jnp.matmul(h, W_pae2), -1)  # [E]
    # dknn: sparse per-dst-node softmax normalization of edge weights
    ex = jnp.exp(e - jax.lax.stop_gradient(jnp.max(e)))
    denom = jax.ops.segment_sum(ex, col, num_segments=N)
    ea = ex / (denom[col] + 1e-9)
    # dense adjacency scatter (adj[row, col] = ea), then per-graph blocks
    A_full = jnp.zeros((N, N), dtype=jnp.float32).at[row, col].set(ea)
    A = A_full.reshape(G, N_PER, G, N_PER)[jnp.arange(G), :, jnp.arange(G), :]  # [G,111,111]
    An = _norm_adj(A)
    X = x.reshape(G, N_PER, D1)
    xm = _gcn(An, X, W_g1)
    xp = _gcn(An, X, W_sp1)
    X = jnp.concatenate([xm, xp], axis=-1)  # [G,111,128]
    X, A = _pool(X, An, w_p1, RATIO)  # [G,56,128]
    x1 = jnp.concatenate([jnp.max(X, axis=1), jnp.mean(X, axis=1)], axis=-1)  # [G,256]
    An2 = _norm_adj(A)
    xm = _gcn(An2, X, W_g2)
    xp = _gcn(An2, X, W_sp2)
    X = jnp.concatenate([xm, xp], axis=-1)  # [G,56,128]
    X, A = _pool(X, An2, w_p2, RATIO)  # [G,28,128]
    x2 = jnp.concatenate([jnp.max(X, axis=1), jnp.mean(X, axis=1)], axis=-1)  # [G,256]
    xflat = X.reshape(G, 28 * 2 * D2)  # [G,3584]
    xcat = jnp.concatenate([xflat, x1, x2], axis=-1)  # [G,4096]
    features = jax.nn.relu(jnp.matmul(xcat, W_lin1) + b1)
    features = jax.nn.relu(jnp.matmul(features, W_lin2) + b2)
    x_lo = jax.nn.softmax(features, axis=-1)
    return (x_lo, features)

if __name__ == "__main__":
    import jax
    _d = setup_inputs()
    print(jax.jit(kernel)(*tuple(_d.values())))

</pallas_src>

<mosaic_0001>
#map = affine_map<(d0, d1) -> (0)>
module attributes {stable_mosaic.version = 14 : i64} {
  func.func @_spmid_body(%arg0: i32, %arg1: i32, %arg2: memref<114688xf32, #tpu.memory_space<hbm>>, %arg3: memref<114688xi32, #tpu.memory_space<hbm>>, %arg4: memref<114688xi32, #tpu.memory_space<hbm>>, %arg5: memref<1024xf32, #tpu.memory_space<hbm>>, %arg6: memref<524288xf32, #tpu.memory_space<hbm>>, %arg7: memref<524416xf32, #tpu.memory_space<vmem_shared>>, %arg8: memref<3584xf32, #tpu.memory_space<vmem_shared>>, %arg9: memref<7168xf32, #tpu.memory_space<vmem>>, %arg10: memref<7168xi32, #tpu.memory_space<vmem>>, %arg11: memref<7168xi32, #tpu.memory_space<vmem>>, %arg12: memref<7168xf32, #tpu.memory_space<vmem>>, %arg13: memref<7168xi32, #tpu.memory_space<vmem>>, %arg14: memref<7168xi32, #tpu.memory_space<vmem>>, %arg15: memref<7168xf32, #tpu.memory_space<vmem>>, %arg16: memref<7168xf32, #tpu.memory_space<vmem>>, %arg17: memref<7168xi32, #tpu.memory_space<vmem>>, %arg18: memref<7168xf32, #tpu.memory_space<vmem>>, %arg19: memref<7168xi32, #tpu.memory_space<vmem>>, %arg20: memref<7168xf32, #tpu.memory_space<vmem>>, %arg21: memref<2048xf32, #tpu.memory_space<vmem>>, %arg22: memref<2048xf32, #tpu.memory_space<vmem>>, %arg23: memref<16xf32, #tpu.memory_space<vmem>>, %arg24: memref<!tpu.dma_semaphore, #tpu.memory_space<semaphore_mem>>) attributes {dimension_semantics = [#tpu.dimension_semantics<core_parallel>, #tpu.dimension_semantics<subcore_parallel>], iteration_bounds = array<i64: 1, 16>, scalar_prefetch = 0 : i64, scratch_operands = 18 : i64, tpu.core_type = #tpu.core_type<sc_vector_subcore>, window_params = [{transform_indices = #map}, {transform_indices = #map}, {transform_indices = #map}, {transform_indices = #map}, {transform_indices = #map}]} {
    %iota3A = tpu.iota {dimensions = array<i32: 0>} : vector<16xi32>
    %mul3A = arith.constant 7168 : i32
    %mul3A_0 = arith.muli %arg1, %mul3A : i32
    "tpu.region"() ({
      %run_scoped3A = tpu.sem_alloc : memref<!tpu.dma_semaphore, #tpu.memory_space<semaphore_mem>>
      %dma_start3A_144 = tpu.memref_slice %arg2[%mul3A_0] : memref<114688xf32, #tpu.memory_space<hbm>> -> memref<7168xf32, #tpu.memory_space<hbm>>
      %dma_start3A_145 = tpu.memref_slice %arg2[%mul3A_0] : memref<114688xf32, #tpu.memory_space<hbm>> -> memref<7168xf32, #tpu.memory_space<hbm>>
      tpu.enqueue_dma source(%dma_start3A_145 : memref<7168xf32, #tpu.memory_space<hbm>>) target(%arg9 : memref<7168xf32, #tpu.memory_space<vmem>>) target_semaphore(%run_scoped3A : memref<!tpu.dma_semaphore, #tpu.memory_space<semaphore_mem>>)
      %dma_wait3A_146 = tpu.memref_slice %arg2[%mul3A_0] : memref<114688xf32, #tpu.memory_space<hbm>> -> memref<7168xf32, #tpu.memory_space<hbm>>
      %dma_wait3A_147 = tpu.memref_slice %arg2[%mul3A_0] : memref<114688xf32, #tpu.memory_space<hbm>> -> memref<7168xf32, #tpu.memory_space<hbm>>
      tpu.wait_dma2 semaphore(%run_scoped3A : memref<!tpu.dma_semaphore, #tpu.memory_space<semaphore_mem>>) src(%dma_wait3A_147 : memref<7168xf32, #tpu.memory_space<hbm>>) dst(%arg9 : memref<7168xf32, #tpu.memory_space<vmem>>)
      tpu.yield
    }) : () -> ()
    "tpu.region"() ({
      %run_scoped3A = tpu.sem_alloc : memref<!tpu.dma_semaphore, #tpu.memory_space<semaphore_mem>>
      %dma_start3A_144 = tpu.memref_slice %arg3[%mul3A_0] : memref<114688xi32, #tpu.memory_space<hbm>> -> memref<7168xi32, #tpu.memory_space<hbm>>
      %dma_start3A_145 = tpu.memref_slice %arg3[%mul3A_0] : memref<114688xi32, #tpu.memory_space<hbm>> -> memref<7168xi32, #tpu.memory_space<hbm>>
      tpu.enqueue_dma source(%dma_start3A_145 : memref<7168xi32, #tpu.memory_space<hbm>>) target(%arg10 : memref<7168xi32, #tpu.memory_space<vmem>>) target_semaphore(%run_scoped3A : memref<!tpu.dma_semaphore, #tpu.memory_space<semaphore_mem>>)
      %dma_wait3A_146 = tpu.memref_slice %arg3[%mul3A_0] : memref<114688xi32, #tpu.memory_space<hbm>> -> memref<7168xi32, #tpu.memory_space<hbm>>
      %dma_wait3A_147 = tpu.memref_slice %arg3[%mul3A_0] : memref<114688xi32, #tpu.memory_space<hbm>> -> memref<7168xi32, #tpu.memory_space<hbm>>
      tpu.wait_dma2 semaphore(%run_scoped3A : memref<!tpu.dma_semaphore, #tpu.memory_space<semaphore_mem>>) src(%dma_wait3A_147 : memref<7168xi32, #tpu.memory_space<hbm>>) dst(%arg10 : memref<7168xi32, #tpu.memory_space<vmem>>)
      tpu.yield
    }) : () -> ()
    "tpu.region"() ({
      %run_scoped3A = tpu.sem_alloc : memref<!tpu.dma_semaphore, #tpu.memory_space<semaphore_mem>>
      %dma_start3A_144 = tpu.memref_slice %arg4[%mul3A_0] : memref<114688xi32, #tpu.memory_space<hbm>> -> memref<7168xi32, #tpu.memory_space<hbm>>
      %dma_start3A_145 = tpu.memref_slice %arg4[%mul3A_0] : memref<114688xi32, #tpu.memory_space<hbm>> -> memref<7168xi32, #tpu.memory_space<hbm>>
      tpu.enqueue_dma source(%dma_start3A_145 : memref<7168xi32, #tpu.memory_space<hbm>>) target(%arg11 : memref<7168xi32, #tpu.memory_space<vmem>>) target_semaphore(%run_scoped3A : memref<!tpu.dma_semaphore, #tpu.memory_space<semaphore_mem>>)
      %dma_wait3A_146 = tpu.memref_slice %arg4[%mul3A_0] : memref<114688xi32, #tpu.memory_space<hbm>> -> memref<7168xi32, #tpu.memory_space<hbm>>
      %dma_wait3A_147 = tpu.memref_slice %arg4[%mul3A_0] : memref<114688xi32, #tpu.memory_space<hbm>> -> memref<7168xi32, #tpu.memory_space<hbm>>
      tpu.wait_dma2 semaphore(%run_scoped3A : memref<!tpu.dma_semaphore, #tpu.memory_space<semaphore_mem>>) src(%dma_wait3A_147 : memref<7168xi32, #tpu.memory_space<hbm>>) dst(%arg11 : memref<7168xi32, #tpu.memory_space<vmem>>)
      tpu.yield
    }) : () -> ()
    "tpu.region"() ({
      %run_scoped3A = tpu.sem_alloc : memref<!tpu.dma_semaphore, #tpu.memory_space<semaphore_mem>>
      %dma_start3A_144 = arith.constant 0 : i32
      %dma_start3A_145 = tpu.memref_slice %arg5[%dma_start3A_144] : memref<1024xf32, #tpu.memory_space<hbm>> -> memref<16xf32, #tpu.memory_space<hbm>>
      %dma_start3A_146 = arith.constant 0 : i32
      %dma_start3A_147 = tpu.memref_slice %arg5[%dma_start3A_146] : memref<1024xf32, #tpu.memory_space<hbm>> -> memref<16xf32, #tpu.memory_space<hbm>>
      tpu.enqueue_dma source(%dma_start3A_147 : memref<16xf32, #tpu.memory_space<hbm>>) target(%arg23 : memref<16xf32, #tpu.memory_space<vmem>>) target_semaphore(%run_scoped3A : memref<!tpu.dma_semaphore, #tpu.memory_space<semaphore_mem>>)
      %dma_wait3A_148 = arith.constant 0 : i32
      %dma_wait3A_149 = tpu.memref_slice %arg5[%dma_wait3A_148] : memref<1024xf32, #tpu.memory_space<hbm>> -> memref<16xf32, #tpu.memory_space<hbm>>
      %dma_wait3A_150 = arith.constant 0 : i32
      %dma_wait3A_151 = tpu.memref_slice %arg5[%dma_wait3A_150] : memref<1024xf32, #tpu.memory_space<hbm>> -> memref<16xf32, #tpu.memory_space<hbm>>
      tpu.wait_dma2 semaphore(%run_scoped3A : memref<!tpu.dma_semaphore, #tpu.memory_space<semaphore_mem>>) src(%dma_wait3A_151 : memref<16xf32, #tpu.memory_space<hbm>>) dst(%arg23 : memref<16xf32, #tpu.memory_space<vmem>>)
      tpu.yield
    }) : () -> ()
    %get3A = arith.constant 0 : index
    %get3A_1 = tpu.vector_load %arg23[%get3A] {strides = array<i32>} : memref<16xf32, #tpu.memory_space<vmem>>, vector<16xf32>,
    %get3A_2 = vector.shape_cast %get3A_1 : vector<16xf32> to vector<16xf32>
    %parallel_loop3A = arith.constant 0 : i32
    %parallel_loop3A_3 = arith.constant 128 : i32
    %parallel_loop3A_4 = arith.constant 1 : i32
    scf.for %parallel_loop3A_144 = %parallel_loop3A to %parallel_loop3A_3 step %parallel_loop3A_4  : i32 {
      %parallel_loop3A_145 = arith.constant 0.000000e+00 : f32
      %parallel_loop3A_146 = vector.broadcast %parallel_loop3A_145 : f32 to vector<16xf32>
      %parallel_loop3A_147 = arith.constant 16 : i32
      %parallel_loop3A_148 = arith.muli %parallel_loop3A_144, %parallel_loop3A_147 : i32
      %parallel_loop3A_149 = arith.index_cast %parallel_loop3A_148 : i32 to index
      %parallel_loop3A_150 = tpu.vector_load %arg21[%parallel_loop3A_149] {strides = array<i32>} : memref<2048xf32, #tpu.memory_space<vmem>>, vector<16xf32>,
      %parallel_loop3A_151 = vector.shape_cast %parallel_loop3A_150 : vector<16xf32> to vector<16xf32>
      %parallel_loop3A_152 = vector.shape_cast %parallel_loop3A_146 : vector<16xf32> to vector<16xf32>
      tpu.vector_store %arg21[%parallel_loop3A_149], %parallel_loop3A_152 {strides = array<i32>} : memref<2048xf32, #tpu.memory_space<vmem>>, vector<16xf32>,
      %parallel_loop3A_153 = arith.constant -1.000000e+00 : f32
      %parallel_loop3A_154 = vector.broadcast %parallel_loop3A_153 : f32 to vector<16xf32>
      %parallel_loop3A_155 = arith.constant 16 : i32
      %parallel_loop3A_156 = arith.muli %parallel_loop3A_144, %parallel_loop3A_155 : i32
      %parallel_loop3A_157 = arith.index_cast %parallel_loop3A_156 : i32 to index
      %parallel_loop3A_158 = tpu.vector_load %arg22[%parallel_loop3A_157] {strides = array<i32>} : memref<2048xf32, #tpu.memory_space<vmem>>, vector<16xf32>,
      %parallel_loop3A_159 = vector.shape_cast %parallel_loop3A_158 : vector<16xf32> to vector<16xf32>
      %parallel_loop3A_160 = vector.shape_cast %parallel_loop3A_154 : vector<16xf32> to vector<16xf32>
      tpu.vector_store %arg22[%parallel_loop3A_157], %parallel_loop3A_160 {strides = array<i32>} : memref<2048xf32, #tpu.memory_space<vmem>>, vector<16xf32>,
    } {sc.loop_unroll_factor = 8 : i64, sc.parallel_access}
    %scan3A = arith.constant 0 : i32
    %scan3A_5 = arith.constant 0 : i32
    %scan3A_6 = arith.constant 16 : i32
    %scan3A_7 = arith.addi %scan3A_5, %scan3A_6 : i32
    %scan3A_8 = arith.constant 1 : i32
    %scan3A_9 = scf.for %scan3A_144 = %scan3A_5 to %scan3A_7 step %scan3A_8 iter_args(%scan3A_145 = %scan3A) -> (i32)  : i32 {
      %mul3A_146 = arith.constant 32768 : i32
      %mul3A_147 = arith.muli %arg1, %mul3A_146 : i32
      %mul3A_148 = arith.constant 2048 : i32
      %mul3A_149 = arith.muli %scan3A_144, %mul3A_148 : i32
      %add3A = arith.addi %mul3A_147, %mul3A_149 : i32
      "tpu.region"() ({
        %run_scoped3A = tpu.sem_alloc : memref<!tpu.dma_semaphore, #tpu.memory_space<semaphore_mem>>
        %dma_start3A_151 = tpu.memref_slice %arg7[%add3A] : memref<524416xf32, #tpu.memory_space<vmem_shared>> -> memref<2048xf32, #tpu.memory_space<vmem_shared>>
        %dma_start3A_152 = tpu.memref_slice %arg7[%add3A] : memref<524416xf32, #tpu.memory_space<vmem_shared>> -> memref<2048xf32, #tpu.memory_space<vmem_shared>>
        tpu.enqueue_dma source(%arg22 : memref<2048xf32, #tpu.memory_space<vmem>>) target(%dma_start3A_152 : memref<2048xf32, #tpu.memory_space<vmem_shared>>) target_semaphore(%run_scoped3A : memref<!tpu.dma_semaphore, #tpu.memory_space<semaphore_mem>>)
        %dma_wait3A_153 = tpu.memref_slice %arg7[%add3A] : memref<524416xf32, #tpu.memory_space<vmem_shared>> -> memref<2048xf32, #tpu.memory_space<vmem_shared>>
        %dma_wait3A_154 = tpu.memref_slice %arg7[%add3A] : memref<524416xf32, #tpu.memory_space<vmem_shared>> -> memref<2048xf32, #tpu.memory_space<vmem_shared>>
        tpu.wait_dma2 semaphore(%run_scoped3A : memref<!tpu.dma_semaphore, #tpu.memory_space<semaphore_mem>>) src(%arg22 : memref<2048xf32, #tpu.memory_space<vmem>>) dst(%dma_wait3A_154 : memref<2048xf32, #tpu.memory_space<vmem_shared>>)
        tpu.yield
      }) : () -> ()
      %scan3A_150 = arith.constant 0 : i32
      scf.yield %scan3A_150 : i32
    }
    %scan3A_10 = arith.constant 16 : i32
    %eq3A = arith.constant 0 : i32
    %eq3A_11 = arith.cmpi eq, %arg1, %eq3A : i32
    %convert_element_type3A = arith.extui %eq3A_11 : i1 to i32
    %cond3A = arith.constant 0 : i32
    %cond3A_12 = arith.cmpi ne, %convert_element_type3A, %cond3A : i32
    scf.if %cond3A_12 {
      "tpu.region"() ({
        %run_scoped3A = tpu.sem_alloc : memref<!tpu.dma_semaphore, #tpu.memory_space<semaphore_mem>>
        %dma_start3A_144 = arith.constant 0 : i32
        %dma_start3A_145 = tpu.memref_slice %arg22[%dma_start3A_144] : memref<2048xf32, #tpu.memory_space<vmem>> -> memref<128xf32, #tpu.memory_space<vmem>>
        %dma_start3A_146 = arith.constant 524288 : i32
        %dma_start3A_147 = tpu.memref_slice %arg7[%dma_start3A_146] : memref<524416xf32, #tpu.memory_space<vmem_shared>> -> memref<128xf32, #tpu.memory_space<vmem_shared>>
        %dma_start3A_148 = arith.constant 524288 : i32
        %dma_start3A_149 = tpu.memref_slice %arg7[%dma_start3A_148] : memref<524416xf32, #tpu.memory_space<vmem_shared>> -> memref<128xf32, #tpu.memory_space<vmem_shared>>
        %dma_start3A_150 = arith.constant 0 : i32
        %dma_start3A_151 = tpu.memref_slice %arg22[%dma_start3A_150] : memref<2048xf32, #tpu.memory_space<vmem>> -> memref<128xf32, #tpu.memory_space<vmem>>
        tpu.enqueue_dma source(%dma_start3A_151 : memref<128xf32, #tpu.memory_space<vmem>>) target(%dma_start3A_149 : memref<128xf32, #tpu.memory_space<vmem_shared>>) target_semaphore(%run_scoped3A : memref<!tpu.dma_semaphore, #tpu.memory_space<semaphore_mem>>)
        %dma_wait3A_152 = arith.constant 0 : i32
        %dma_wait3A_153 = tpu.memref_slice %arg22[%dma_wait3A_152] : memref<2048xf32, #tpu.memory_space<vmem>> -> memref<128xf32, #tpu.memory_space<vmem>>
        %dma_wait3A_154 = arith.constant 524288 : i32
        %dma_wait3A_155 = tpu.memref_slice %arg7[%dma_wait3A_154] : memref<524416xf32, #tpu.memory_space<vmem_shared>> -> memref<128xf32, #tpu.memory_space<vmem_shared>>
        %dma_wait3A_156 = arith.constant 524288 : i32
        %dma_wait3A_157 = tpu.memref_slice %arg7[%dma_wait3A_156] : memref<524416xf32, #tpu.memory_space<vmem_shared>> -> memref<128xf32, #tpu.memory_space<vmem_shared>>
        %dma_wait3A_158 = arith.constant 0 : i32
        %dma_wait3A_159 = tpu.memref_slice %arg22[%dma_wait3A_158] : memref<2048xf32, #tpu.memory_space<vmem>> -> memref<128xf32, #tpu.memory_space<vmem>>
        tpu.wait_dma2 semaphore(%run_scoped3A : memref<!tpu.dma_semaphore, #tpu.memory_space<semaphore_mem>>) src(%dma_wait3A_159 : memref<128xf32, #tpu.memory_space<vmem>>) dst(%dma_wait3A_157 : memref<128xf32, #tpu.memory_space<vmem_shared>>)
        tpu.yield
      }) : () -> ()
      "tpu.region"() ({
        %run_scoped3A = tpu.sem_alloc : memref<!tpu.dma_semaphore, #tpu.memory_space<semaphore_mem>>
        %dma_start3A_144 = arith.constant 0 : i32
        %dma_start3A_145 = tpu.memref_slice %arg8[%dma_start3A_144] : memref<3584xf32, #tpu.memory_space<vmem_shared>> -> memref<2048xf32, #tpu.memory_space<vmem_shared>>
        %dma_start3A_146 = arith.constant 0 : i32
        %dma_start3A_147 = tpu.memref_slice %arg8[%dma_start3A_146] : memref<3584xf32, #tpu.memory_space<vmem_shared>> -> memref<2048xf32, #tpu.memory_space<vmem_shared>>
        tpu.enqueue_dma source(%arg21 : memref<2048xf32, #tpu.memory_space<vmem>>) target(%dma_start3A_147 : memref<2048xf32, #tpu.memory_space<vmem_shared>>) target_semaphore(%run_scoped3A : memref<!tpu.dma_semaphore, #tpu.memory_space<semaphore_mem>>)
        %dma_wait3A_148 = arith.constant 0 : i32
        %dma_wait3A_149 = tpu.memref_slice %arg8[%dma_wait3A_148] : memref<3584xf32, #tpu.memory_space<vmem_shared>> -> memref<2048xf32, #tpu.memory_space<vmem_shared>>
        %dma_wait3A_150 = arith.constant 0 : i32
        %dma_wait3A_151 = tpu.memref_slice %arg8[%dma_wait3A_150] : memref<3584xf32, #tpu.memory_space<vmem_shared>> -> memref<2048xf32, #tpu.memory_space<vmem_shared>>
        tpu.wait_dma2 semaphore(%run_scoped3A : memref<!tpu.dma_semaphore, #tpu.memory_space<semaphore_mem>>) src(%arg21 : memref<2048xf32, #tpu.memory_space<vmem>>) dst(%dma_wait3A_151 : memref<2048xf32, #tpu.memory_space<vmem_shared>>)
        tpu.yield
      }) : () -> ()
      "tpu.region"() ({
        %run_scoped3A = tpu.sem_alloc : memref<!tpu.dma_semaphore, #tpu.memory_space<semaphore_mem>>
        %dma_start3A_144 = arith.constant 0 : i32
        %dma_start3A_145 = tpu.memref_slice %arg21[%dma_start3A_144] : memref<2048xf32, #tpu.memory_space<vmem>> -> memref<1536xf32, #tpu.memory_space<vmem>>
        %dma_start3A_146 = arith.constant 2048 : i32
        %dma_start3A_147 = tpu.memref_slice %arg8[%dma_start3A_146] : memref<3584xf32, #tpu.memory_space<vmem_shared>> -> memref<1536xf32, #tpu.memory_space<vmem_shared>>
        %dma_start3A_148 = arith.constant 2048 : i32
        %dma_start3A_149 = tpu.memref_slice %arg8[%dma_start3A_148] : memref<3584xf32, #tpu.memory_space<vmem_shared>> -> memref<1536xf32, #tpu.memory_space<vmem_shared>>
        %dma_start3A_150 = arith.constant 0 : i32
        %dma_start3A_151 = tpu.memref_slice %arg21[%dma_start3A_150] : memref<2048xf32, #tpu.memory_space<vmem>> -> memref<1536xf32, #tpu.memory_space<vmem>>
        tpu.enqueue_dma source(%dma_start3A_151 : memref<1536xf32, #tpu.memory_space<vmem>>) target(%dma_start3A_149 : memref<1536xf32, #tpu.memory_space<vmem_shared>>) target_semaphore(%run_scoped3A : memref<!tpu.dma_semaphore, #tpu.memory_space<semaphore_mem>>)
        %dma_wait3A_152 = arith.constant 0 : i32
        %dma_wait3A_153 = tpu.memref_slice %arg21[%dma_wait3A_152] : memref<2048xf32, #tpu.memory_space<vmem>> -> memref<1536xf32, #tpu.memory_space<vmem>>
        %dma_wait3A_154 = arith.constant 2048 : i32
        %dma_wait3A_155 = tpu.memref_slice %arg8[%dma_wait3A_154] : memref<3584xf32, #tpu.memory_space<vmem_shared>> -> memref<1536xf32, #tpu.memory_space<vmem_shared>>
        %dma_wait3A_156 = arith.constant 2048 : i32
        %dma_wait3A_157 = tpu.memref_slice %arg8[%dma_wait3A_156] : memref<3584xf32, #tpu.memory_space<vmem_shared>> -> memref<1536xf32, #tpu.memory_space<vmem_shared>>
        %dma_wait3A_158 = arith.constant 0 : i32
        %dma_wait3A_159 = tpu.memref_slice %arg21[%dma_wait3A_158] : memref<2048xf32, #tpu.memory_space<vmem>> -> memref<1536xf32, #tpu.memory_space<vmem>>
        tpu.wait_dma2 semaphore(%run_scoped3A : memref<!tpu.dma_semaphore, #tpu.memory_space<semaphore_mem>>) src(%dma_wait3A_159 : memref<1536xf32, #tpu.memory_space<vmem>>) dst(%dma_wait3A_157 : memref<1536xf32, #tpu.memory_space<vmem_shared>>)
        tpu.yield
      }) : () -> ()
    } else {
    }
    %parallel_loop3A_13 = arith.constant 0 : i32
    %parallel_loop3A_14 = arith.constant 448 : i32
    %parallel_loop3A_15 = arith.constant 1 : i32
    scf.for %parallel_loop3A_144 = %parallel_loop3A_13 to %parallel_loop3A_14 step %parallel_loop3A_15  : i32 {
      %parallel_loop3A_145 = arith.constant 16 : i32
      %parallel_loop3A_146 = arith.muli %parallel_loop3A_144, %parallel_loop3A_145 : i32
      %parallel_loop3A_147 = arith.index_cast %parallel_loop3A_146 : i32 to index
      %parallel_loop3A_148 = tpu.vector_load %arg9[%parallel_loop3A_147] {strides = array<i32>} : memref<7168xf32, #tpu.memory_space<vmem>>, vector<16xf32>,
      %parallel_loop3A_149 = vector.shape_cast %parallel_loop3A_148 : vector<16xf32> to vector<16xf32>
      %parallel_loop3A_150 = arith.subf %parallel_loop3A_149, %get3A_2 : vector<16xf32>
      %parallel_loop3A_151 = math.exp %parallel_loop3A_150 : vector<16xf32>
      %parallel_loop3A_152 = arith.index_cast %parallel_loop3A_146 : i32 to index
      %parallel_loop3A_153 = tpu.vector_load %arg10[%parallel_loop3A_152] {strides = array<i32>} : memref<7168xi32, #tpu.memory_space<vmem>>, vector<16xi32>,
      %parallel_loop3A_154 = vector.shape_cast %parallel_loop3A_153 : vector<16xi32> to vector<16xi32>
      %parallel_loop3A_155 = arith.index_cast %parallel_loop3A_146 : i32 to index
      %parallel_loop3A_156 = tpu.vector_load %arg11[%parallel_loop3A_155] {strides = array<i32>} : memref<7168xi32, #tpu.memory_space<vmem>>, vector<16xi32>,
      %parallel_loop3A_157 = vector.shape_cast %parallel_loop3A_156 : vector<16xi32> to vector<16xi32>
      %parallel_loop3A_158 = arith.constant 16 : i32
      %parallel_loop3A_159 = arith.muli %parallel_loop3A_144, %parallel_loop3A_158 : i32
      %parallel_loop3A_160 = arith.addi %mul3A_0, %parallel_loop3A_159 : i32
      %parallel_loop3A_161 = vector.broadcast %parallel_loop3A_160 : i32 to vector<16xi32>
      %parallel_loop3A_162 = arith.addi %parallel_loop3A_161, %iota3A : vector<16xi32>
      %parallel_loop3A_163 = arith.constant 113664 : i32
      %parallel_loop3A_164 = vector.broadcast %parallel_loop3A_163 : i32 to vector<16xi32>
      %parallel_loop3A_165 = arith.cmpi slt, %parallel_loop3A_162, %parallel_loop3A_164 : vector<16xi32>
      %parallel_loop3A_166 = arith.constant 111 : i32
      %parallel_loop3A_167 = vector.broadcast %parallel_loop3A_166 : i32 to vector<16xi32>
      %parallel_loop3A_168 = arith.divsi %parallel_loop3A_154, %parallel_loop3A_167 : vector<16xi32>
      %parallel_loop3A_169 = arith.constant 16384 : i32
      %parallel_loop3A_170 = vector.broadcast %parallel_loop3A_169 : i32 to vector<16xi32>
      %parallel_loop3A_171 = arith.muli %parallel_loop3A_168, %parallel_loop3A_170 : vector<16xi32>
      %parallel_loop3A_172 = arith.constant 111 : i32
      %parallel_loop3A_173 = vector.broadcast %parallel_loop3A_172 : i32 to vector<16xi32>
      %parallel_loop3A_174 = arith.muli %parallel_loop3A_168, %parallel_loop3A_173 : vector<16xi32>
      %parallel_loop3A_175 = arith.subi %parallel_loop3A_154, %parallel_loop3A_174 : vector<16xi32>
      %parallel_loop3A_176 = arith.constant 128 : i32
      %parallel_loop3A_177 = vector.broadcast %parallel_loop3A_176 : i32 to vector<16xi32>
      %parallel_loop3A_178 = arith.muli %parallel_loop3A_175, %parallel_loop3A_177 : vector<16xi32>
      %parallel_loop3A_179 = arith.addi %parallel_loop3A_171, %parallel_loop3A_178 : vector<16xi32>
      %parallel_loop3A_180 = arith.constant 111 : i32
      %parallel_loop3A_181 = vector.broadcast %parallel_loop3A_180 : i32 to vector<16xi32>
      %parallel_loop3A_182 = arith.muli %parallel_loop3A_168, %parallel_loop3A_181 : vector<16xi32>
      %parallel_loop3A_183 = arith.subi %parallel_loop3A_157, %parallel_loop3A_182 : vector<16xi32>
      %parallel_loop3A_184 = arith.addi %parallel_loop3A_179, %parallel_loop3A_183 : vector<16xi32>
      %parallel_loop3A_185 = arith.constant -1 : i32
      %parallel_loop3A_186 = vector.broadcast %parallel_loop3A_185 : i32 to vector<16xi32>
      %parallel_loop3A_187 = arith.select %parallel_loop3A_165, %parallel_loop3A_162, %parallel_loop3A_186 : vector<16xi1>, vector<16xi32>
      %parallel_loop3A_188 = arith.index_cast %parallel_loop3A_146 : i32 to index
      %parallel_loop3A_189 = tpu.vector_load %arg12[%parallel_loop3A_188] {strides = array<i32>} : memref<7168xf32, #tpu.memory_space<vmem>>, vector<16xf32>,
      %parallel_loop3A_190 = vector.shape_cast %parallel_loop3A_189 : vector<16xf32> to vector<16xf32>
      %parallel_loop3A_191 = vector.shape_cast %parallel_loop3A_151 : vector<16xf32> to vector<16xf32>
      tpu.vector_store %arg12[%parallel_loop3A_188], %parallel_loop3A_191 {strides = array<i32>} : memref<7168xf32, #tpu.memory_space<vmem>>, vector<16xf32>,
      %parallel_loop3A_192 = arith.constant 524288 : i32
      %parallel_loop3A_193 = vector.broadcast %parallel_loop3A_192 : i32 to vector<16xi32>
      %parallel_loop3A_194 = arith.addi %parallel_loop3A_193, %iota3A : vector<16xi32>
      %parallel_loop3A_195 = arith.select %parallel_loop3A_165, %parallel_loop3A_184, %parallel_loop3A_194 : vector<16xi1>, vector<16xi32>
      %parallel_loop3A_196 = arith.index_cast %parallel_loop3A_146 : i32 to index
      %parallel_loop3A_197 = tpu.vector_load %arg13[%parallel_loop3A_196] {strides = array<i32>} : memref<7168xi32, #tpu.memory_space<vmem>>, vector<16xi32>,
      %parallel_loop3A_198 = vector.shape_cast %parallel_loop3A_197 : vector<16xi32> to vector<16xi32>
      %parallel_loop3A_199 = vector.shape_cast %parallel_loop3A_195 : vector<16xi32> to vector<16xi32>
      tpu.vector_store %arg13[%parallel_loop3A_196], %parallel_loop3A_199 {strides = array<i32>} : memref<7168xi32, #tpu.memory_space<vmem>>, vector<16xi32>,
      %parallel_loop3A_200 = arith.sitofp %parallel_loop3A_187 : vector<16xi32> to vector<16xf32>
      %parallel_loop3A_201 = arith.index_cast %parallel_loop3A_146 : i32 to index
      %parallel_loop3A_202 = tpu.vector_load %arg20[%parallel_loop3A_201] {strides = array<i32>} : memref<7168xf32, #tpu.memory_space<vmem>>, vector<16xf32>,
      %parallel_loop3A_203 = vector.shape_cast %parallel_loop3A_202 : vector<16xf32> to vector<16xf32>
      %parallel_loop3A_204 = vector.shape_cast %parallel_loop3A_200 : vector<16xf32> to vector<16xf32>
      tpu.vector_store %arg20[%parallel_loop3A_201], %parallel_loop3A_204 {strides = array<i32>} : memref<7168xf32, #tpu.memory_space<vmem>>, vector<16xf32>,
      %parallel_loop3A_205 = arith.constant 3552 : i32
      %parallel_loop3A_206 = vector.broadcast %parallel_loop3A_205 : i32 to vector<16xi32>
      %parallel_loop3A_207 = arith.addi %parallel_loop3A_206, %iota3A : vector<16xi32>
      %parallel_loop3A_208 = arith.select %parallel_loop3A_165, %parallel_loop3A_157, %parallel_loop3A_207 : vector<16xi1>, vector<16xi32>
      %parallel_loop3A_209 = arith.index_cast %parallel_loop3A_146 : i32 to index
      %parallel_loop3A_210 = tpu.vector_load %arg14[%parallel_loop3A_209] {strides = array<i32>} : memref<7168xi32, #tpu.memory_space<vmem>>, vector<16xi32>,
      %parallel_loop3A_211 = vector.shape_cast %parallel_loop3A_210 : vector<16xi32> to vector<16xi32>
      %parallel_loop3A_212 = vector.shape_cast %parallel_loop3A_208 : vector<16xi32> to vector<16xi32>
      tpu.vector_store %arg14[%parallel_loop3A_209], %parallel_loop3A_212 {strides = array<i32>} : memref<7168xi32, #tpu.memory_space<vmem>>, vector<16xi32>,
    } {sc.loop_unroll_factor = 8 : i64, sc.parallel_access}
    %barrier3A = arith.constant 0 : index
    tpu.barrier barrier_id(%barrier3A)
    "tpu.region"() ({
      %run_scoped3A = tpu.sem_alloc : memref<!tpu.dma_semaphore, #tpu.memory_space<semaphore_mem>>
      %dma_start3A_144 = arith.constant 0 : i32
      %dma_start3A_145 = tpu.memref_slice %arg8[%dma_start3A_144] : memref<3584xf32, #tpu.memory_space<vmem_shared>> -> memref<3584xf32, #tpu.memory_space<vmem_shared>>
      tpu.enqueue_indirect_dma source(%arg12 : memref<7168xf32, #tpu.memory_space<vmem>>) target(%dma_start3A_145 : memref<3584xf32, #tpu.memory_space<vmem_shared>>) offsets(%arg14 : memref<7168xi32, #tpu.memory_space<vmem>>) semaphore(%run_scoped3A : memref<!tpu.dma_semaphore, #tpu.memory_space<semaphore_mem>>) {add = true}
      %dma_wait3A_146 = arith.constant 0 : i32
      %dma_wait3A_147 = tpu.memref_slice %arg8[%dma_wait3A_146] : memref<3584xf32, #tpu.memory_space<vmem_shared>> -> memref<3584xf32, #tpu.memory_space<vmem_shared>>
      tpu.wait_indirect_dma semaphore(%run_scoped3A : memref<!tpu.dma_semaphore, #tpu.memory_space<semaphore_mem>>) src(%arg12 : memref<7168xf32, #tpu.memory_space<vmem>>) dst(%dma_wait3A_147 : memref<3584xf32, #tpu.memory_space<vmem_shared>>)
      tpu.yield
    }) : () -> ()
    %dma_start3A = arith.constant 0 : i32
    %dma_start3A_16 = tpu.memref_slice %arg7[%dma_start3A] : memref<524416xf32, #tpu.memory_space<vmem_shared>> -> memref<524416xf32, #tpu.memory_space<vmem_shared>>
    tpu.enqueue_indirect_dma source(%arg20 : memref<7168xf32, #tpu.memory_space<vmem>>) target(%dma_start3A_16 : memref<524416xf32, #tpu.memory_space<vmem_shared>>) offsets(%arg13 : memref<7168xi32, #tpu.memory_space<vmem>>) semaphore(%arg24 : memref<!tpu.dma_semaphore, #tpu.memory_space<semaphore_mem>>)
    %dma_wait3A = arith.constant 0 : i32
    %dma_wait3A_17 = tpu.memref_slice %arg7[%dma_wait3A] : memref<524416xf32, #tpu.memory_space<vmem_shared>> -> memref<524416xf32, #tpu.memory_space<vmem_shared>>
    tpu.wait_indirect_dma semaphore(%arg24 : memref<!tpu.dma_semaphore, #tpu.memory_space<semaphore_mem>>) src(%arg20 : memref<7168xf32, #tpu.memory_space<vmem>>) dst(%dma_wait3A_17 : memref<524416xf32, #tpu.memory_space<vmem_shared>>)
    %barrier3A_18 = arith.constant 0 : index
    tpu.barrier barrier_id(%barrier3A_18)
    %dma_start3A_19 = arith.constant 0 : i32
    %dma_start3A_20 = tpu.memref_slice %arg7[%dma_start3A_19] : memref<524416xf32, #tpu.memory_space<vmem_shared>> -> memref<524416xf32, #tpu.memory_space<vmem_shared>>
    tpu.enqueue_indirect_dma source(%dma_start3A_20 : memref<524416xf32, #tpu.memory_space<vmem_shared>>) target(%arg15 : memref<7168xf32, #tpu.memory_space<vmem>>) offsets(%arg13 : memref<7168xi32, #tpu.memory_space<vmem>>) semaphore(%arg24 : memref<!tpu.dma_semaphore, #tpu.memory_space<semaphore_mem>>)
    %dma_wait3A_21 = arith.constant 0 : i32
    %dma_wait3A_22 = tpu.memref_slice %arg7[%dma_wait3A_21] : memref<524416xf32, #tpu.memory_space<vmem_shared>> -> memref<524416xf32, #tpu.memory_space<vmem_shared>>
    tpu.wait_indirect_dma semaphore(%arg24 : memref<!tpu.dma_semaphore, #tpu.memory_space<semaphore_mem>>) src(%dma_wait3A_22 : memref<524416xf32, #tpu.memory_space<vmem_shared>>) dst(%arg15 : memref<7168xf32, #tpu.memory_space<vmem>>)
    %barrier3A_23 = arith.constant 0 : index
    tpu.barrier barrier_id(%barrier3A_23)
    %parallel_loop3A_24 = arith.constant 0 : i32
    %parallel_loop3A_25 = arith.constant 448 : i32
    %parallel_loop3A_26 = arith.constant 1 : i32
    scf.for %parallel_loop3A_144 = %parallel_loop3A_24 to %parallel_loop3A_25 step %parallel_loop3A_26  : i32 {
      %parallel_loop3A_145 = arith.constant 16 : i32
      %parallel_loop3A_146 = arith.muli %parallel_loop3A_144, %parallel_loop3A_145 : i32
      %parallel_loop3A_147 = arith.index_cast %parallel_loop3A_146 : i32 to index
      %parallel_loop3A_148 = tpu.vector_load %arg20[%parallel_loop3A_147] {strides = array<i32>} : memref<7168xf32, #tpu.memory_space<vmem>>, vector<16xf32>,
      %parallel_loop3A_149 = vector.shape_cast %parallel_loop3A_148 : vector<16xf32> to vector<16xf32>
      %parallel_loop3A_150 = arith.index_cast %parallel_loop3A_146 : i32 to index
      %parallel_loop3A_151 = tpu.vector_load %arg15[%parallel_loop3A_150] {strides = array<i32>} : memref<7168xf32, #tpu.memory_space<vmem>>, vector<16xf32>,
      %parallel_loop3A_152 = vector.shape_cast %parallel_loop3A_151 : vector<16xf32> to vector<16xf32>
      %parallel_loop3A_153 = arith.cmpf ogt, %parallel_loop3A_149, %parallel_loop3A_152 : vector<16xf32>
      %parallel_loop3A_154 = arith.index_cast %parallel_loop3A_146 : i32 to index
      %parallel_loop3A_155 = tpu.vector_load %arg13[%parallel_loop3A_154] {strides = array<i32>} : memref<7168xi32, #tpu.memory_space<vmem>>, vector<16xi32>,
      %parallel_loop3A_156 = vector.shape_cast %parallel_loop3A_155 : vector<16xi32> to vector<16xi32>
      %parallel_loop3A_157 = arith.constant 524288 : i32
      %parallel_loop3A_158 = vector.broadcast %parallel_loop3A_157 : i32 to vector<16xi32>
      %parallel_loop3A_159 = arith.addi %parallel_loop3A_158, %iota3A : vector<16xi32>
      %parallel_loop3A_160 = arith.select %parallel_loop3A_153, %parallel_loop3A_156, %parallel_loop3A_159 : vector<16xi1>, vector<16xi32>
      %parallel_loop3A_161 = arith.index_cast %parallel_loop3A_146 : i32 to index
      %parallel_loop3A_162 = tpu.vector_load %arg17[%parallel_loop3A_161] {strides = array<i32>} : memref<7168xi32, #tpu.memory_space<vmem>>, vector<16xi32>,
      %parallel_loop3A_163 = vector.shape_cast %parallel_loop3A_162 : vector<16xi32> to vector<16xi32>
      %parallel_loop3A_164 = vector.shape_cast %parallel_loop3A_160 : vector<16xi32> to vector<16xi32>
      tpu.vector_store %arg17[%parallel_loop3A_161], %parallel_loop3A_164 {strides = array<i32>} : memref<7168xi32, #tpu.memory_space<vmem>>, vector<16xi32>,
    } {sc.loop_unroll_factor = 8 : i64, sc.parallel_access}
    %dma_start3A_27 = arith.constant 0 : i32
    %dma_start3A_28 = tpu.memref_slice %arg7[%dma_start3A_27] : memref<524416xf32, #tpu.memory_space<vmem_shared>> -> memref<524416xf32, #tpu.memory_space<vmem_shared>>
    tpu.enqueue_indirect_dma source(%arg20 : memref<7168xf32, #tpu.memory_space<vmem>>) target(%dma_start3A_28 : memref<524416xf32, #tpu.memory_space<vmem_shared>>) offsets(%arg17 : memref<7168xi32, #tpu.memory_space<vmem>>) semaphore(%arg24 : memref<!tpu.dma_semaphore, #tpu.memory_space<semaphore_mem>>)
    %dma_wait3A_29 = arith.constant 0 : i32
    %dma_wait3A_30 = tpu.memref_slice %arg7[%dma_wait3A_29] : memref<524416xf32, #tpu.memory_space<vmem_shared>> -> memref<524416xf32, #tpu.memory_space<vmem_shared>>
    tpu.wait_indirect_dma semaphore(%arg24 : memref<!tpu.dma_semaphore, #tpu.memory_space<semaphore_mem>>) src(%arg20 : memref<7168xf32, #tpu.memory_space<vmem>>) dst(%dma_wait3A_30 : memref<524416xf32, #tpu.memory_space<vmem_shared>>)
    %barrier3A_31 = arith.constant 0 : index
    tpu.barrier barrier_id(%barrier3A_31)
    %dma_start3A_32 = arith.constant 0 : i32
    %dma_start3A_33 = tpu.memref_slice %arg7[%dma_start3A_32] : memref<524416xf32, #tpu.memory_space<vmem_shared>> -> memref<524416xf32, #tpu.memory_space<vmem_shared>>
    tpu.enqueue_indirect_dma source(%dma_start3A_33 : memref<524416xf32, #tpu.memory_space<vmem_shared>>) target(%arg15 : memref<7168xf32, #tpu.memory_space<vmem>>) offsets(%arg13 : memref<7168xi32, #tpu.memory_space<vmem>>) semaphore(%arg24 : memref<!tpu.dma_semaphore, #tpu.memory_space<semaphore_mem>>)
    %dma_wait3A_34 = arith.constant 0 : i32
    %dma_wait3A_35 = tpu.memref_slice %arg7[%dma_wait3A_34] : memref<524416xf32, #tpu.memory_space<vmem_shared>> -> memref<524416xf32, #tpu.memory_space<vmem_shared>>
    tpu.wait_indirect_dma semaphore(%arg24 : memref<!tpu.dma_semaphore, #tpu.memory_space<semaphore_mem>>) src(%dma_wait3A_35 : memref<524416xf32, #tpu.memory_space<vmem_shared>>) dst(%arg15 : memref<7168xf32, #tpu.memory_space<vmem>>)
    %barrier3A_36 = arith.constant 0 : index
    tpu.barrier barrier_id(%barrier3A_36)
    %parallel_loop3A_37 = arith.constant 0 : i32
    %parallel_loop3A_38 = arith.constant 448 : i32
    %parallel_loop3A_39 = arith.constant 1 : i32
    scf.for %parallel_loop3A_144 = %parallel_loop3A_37 to %parallel_loop3A_38 step %parallel_loop3A_39  : i32 {
      %parallel_loop3A_145 = arith.constant 16 : i32
      %parallel_loop3A_146 = arith.muli %parallel_loop3A_144, %parallel_loop3A_145 : i32
      %parallel_loop3A_147 = arith.index_cast %parallel_loop3A_146 : i32 to index
      %parallel_loop3A_148 = tpu.vector_load %arg20[%parallel_loop3A_147] {strides = array<i32>} : memref<7168xf32, #tpu.memory_space<vmem>>, vector<16xf32>,
      %parallel_loop3A_149 = vector.shape_cast %parallel_loop3A_148 : vector<16xf32> to vector<16xf32>
      %parallel_loop3A_150 = arith.index_cast %parallel_loop3A_146 : i32 to index
      %parallel_loop3A_151 = tpu.vector_load %arg15[%parallel_loop3A_150] {strides = array<i32>} : memref<7168xf32, #tpu.memory_space<vmem>>, vector<16xf32>,
      %parallel_loop3A_152 = vector.shape_cast %parallel_loop3A_151 : vector<16xf32> to vector<16xf32>
      %parallel_loop3A_153 = arith.cmpf ogt, %parallel_loop3A_149, %parallel_loop3A_152 : vector<16xf32>
      %parallel_loop3A_154 = arith.index_cast %parallel_loop3A_146 : i32 to index
      %parallel_loop3A_155 = tpu.vector_load %arg13[%parallel_loop3A_154] {strides = array<i32>} : memref<7168xi32, #tpu.memory_space<vmem>>, vector<16xi32>,
      %parallel_loop3A_156 = vector.shape_cast %parallel_loop3A_155 : vector<16xi32> to vector<16xi32>
      %parallel_loop3A_157 = arith.constant 524288 : i32
      %parallel_loop3A_158 = vector.broadcast %parallel_loop3A_157 : i32 to vector<16xi32>
      %parallel_loop3A_159 = arith.addi %parallel_loop3A_158, %iota3A : vector<16xi32>
      %parallel_loop3A_160 = arith.select %parallel_loop3A_153, %parallel_loop3A_156, %parallel_loop3A_159 : vector<16xi1>, vector<16xi32>
      %parallel_loop3A_161 = arith.index_cast %parallel_loop3A_146 : i32 to index
      %parallel_loop3A_162 = tpu.vector_load %arg17[%parallel_loop3A_161] {strides = array<i32>} : memref<7168xi32, #tpu.memory_space<vmem>>, vector<16xi32>,
      %parallel_loop3A_163 = vector.shape_cast %parallel_loop3A_162 : vector<16xi32> to vector<16xi32>
      %parallel_loop3A_164 = vector.shape_cast %parallel_loop3A_160 : vector<16xi32> to vector<16xi32>
      tpu.vector_store %arg17[%parallel_loop3A_161], %parallel_loop3A_164 {strides = array<i32>} : memref<7168xi32, #tpu.memory_space<vmem>>, vector<16xi32>,
    } {sc.loop_unroll_factor = 8 : i64, sc.parallel_access}
    %dma_start3A_40 = arith.constant 0 : i32
    %dma_start3A_41 = tpu.memref_slice %arg7[%dma_start3A_40] : memref<524416xf32, #tpu.memory_space<vmem_shared>> -> memref<524416xf32, #tpu.memory_space<vmem_shared>>
    tpu.enqueue_indirect_dma source(%arg20 : memref<7168xf32, #tpu.memory_space<vmem>>) target(%dma_start3A_41 : memref<524416xf32, #tpu.memory_space<vmem_shared>>) offsets(%arg17 : memref<7168xi32, #tpu.memory_space<vmem>>) semaphore(%arg24 : memref<!tpu.dma_semaphore, #tpu.memory_space<semaphore_mem>>)
    %dma_wait3A_42 = arith.constant 0 : i32
    %dma_wait3A_43 = tpu.memref_slice %arg7[%dma_wait3A_42] : memref<524416xf32, #tpu.memory_space<vmem_shared>> -> memref<524416xf32, #tpu.memory_space<vmem_shared>>
    tpu.wait_indirect_dma semaphore(%arg24 : memref<!tpu.dma_semaphore, #tpu.memory_space<semaphore_mem>>) src(%arg20 : memref<7168xf32, #tpu.memory_space<vmem>>) dst(%dma_wait3A_43 : memref<524416xf32, #tpu.memory_space<vmem_shared>>)
    %barrier3A_44 = arith.constant 0 : index
    tpu.barrier barrier_id(%barrier3A_44)
    %dma_start3A_45 = arith.constant 0 : i32
    %dma_start3A_46 = tpu.memref_slice %arg7[%dma_start3A_45] : memref<524416xf32, #tpu.memory_space<vmem_shared>> -> memref<524416xf32, #tpu.memory_space<vmem_shared>>
    tpu.enqueue_indirect_dma source(%dma_start3A_46 : memref<524416xf32, #tpu.memory_space<vmem_shared>>) target(%arg15 : memref<7168xf32, #tpu.memory_space<vmem>>) offsets(%arg13 : memref<7168xi32, #tpu.memory_space<vmem>>) semaphore(%arg24 : memref<!tpu.dma_semaphore, #tpu.memory_space<semaphore_mem>>)
    %dma_wait3A_47 = arith.constant 0 : i32
    %dma_wait3A_48 = tpu.memref_slice %arg7[%dma_wait3A_47] : memref<524416xf32, #tpu.memory_space<vmem_shared>> -> memref<524416xf32, #tpu.memory_space<vmem_shared>>
    tpu.wait_indirect_dma semaphore(%arg24 : memref<!tpu.dma_semaphore, #tpu.memory_space<semaphore_mem>>) src(%dma_wait3A_48 : memref<524416xf32, #tpu.memory_space<vmem_shared>>) dst(%arg15 : memref<7168xf32, #tpu.memory_space<vmem>>)
    %barrier3A_49 = arith.constant 0 : index
    tpu.barrier barrier_id(%barrier3A_49)
    %parallel_loop3A_50 = arith.constant 0 : i32
    %parallel_loop3A_51 = arith.constant 448 : i32
    %parallel_loop3A_52 = arith.constant 1 : i32
    scf.for %parallel_loop3A_144 = %parallel_loop3A_50 to %parallel_loop3A_51 step %parallel_loop3A_52  : i32 {
      %parallel_loop3A_145 = arith.constant 16 : i32
      %parallel_loop3A_146 = arith.muli %parallel_loop3A_144, %parallel_loop3A_145 : i32
      %parallel_loop3A_147 = arith.index_cast %parallel_loop3A_146 : i32 to index
      %parallel_loop3A_148 = tpu.vector_load %arg20[%parallel_loop3A_147] {strides = array<i32>} : memref<7168xf32, #tpu.memory_space<vmem>>, vector<16xf32>,
      %parallel_loop3A_149 = vector.shape_cast %parallel_loop3A_148 : vector<16xf32> to vector<16xf32>
      %parallel_loop3A_150 = arith.index_cast %parallel_loop3A_146 : i32 to index
      %parallel_loop3A_151 = tpu.vector_load %arg15[%parallel_loop3A_150] {strides = array<i32>} : memref<7168xf32, #tpu.memory_space<vmem>>, vector<16xf32>,
      %parallel_loop3A_152 = vector.shape_cast %parallel_loop3A_151 : vector<16xf32> to vector<16xf32>
      %parallel_loop3A_153 = arith.cmpf ogt, %parallel_loop3A_149, %parallel_loop3A_152 : vector<16xf32>
      %parallel_loop3A_154 = arith.index_cast %parallel_loop3A_146 : i32 to index
      %parallel_loop3A_155 = tpu.vector_load %arg13[%parallel_loop3A_154] {strides = array<i32>} : memref<7168xi32, #tpu.memory_space<vmem>>, vector<16xi32>,
      %parallel_loop3A_156 = vector.shape_cast %parallel_loop3A_155 : vector<16xi32> to vector<16xi32>
      %parallel_loop3A_157 = arith.constant 524288 : i32
      %parallel_loop3A_158 = vector.broadcast %parallel_loop3A_157 : i32 to vector<16xi32>
      %parallel_loop3A_159 = arith.addi %parallel_loop3A_158, %iota3A : vector<16xi32>
      %parallel_loop3A_160 = arith.select %parallel_loop3A_153, %parallel_loop3A_156, %parallel_loop3A_159 : vector<16xi1>, vector<16xi32>
      %parallel_loop3A_161 = arith.index_cast %parallel_loop3A_146 : i32 to index
      %parallel_loop3A_162 = tpu.vector_load %arg17[%parallel_loop3A_161] {strides = array<i32>} : memref<7168xi32, #tpu.memory_space<vmem>>, vector<16xi32>,
      %parallel_loop3A_163 = vector.shape_cast %parallel_loop3A_162 : vector<16xi32> to vector<16xi32>
      %parallel_loop3A_164 = vector.shape_cast %parallel_loop3A_160 : vector<16xi32> to vector<16xi32>
      tpu.vector_store %arg17[%parallel_loop3A_161], %parallel_loop3A_164 {strides = array<i32>} : memref<7168xi32, #tpu.memory_space<vmem>>, vector<16xi32>,
    } {sc.loop_unroll_factor = 8 : i64, sc.parallel_access}
    %dma_start3A_53 = arith.constant 0 : i32
    %dma_start3A_54 = tpu.memref_slice %arg7[%dma_start3A_53] : memref<524416xf32, #tpu.memory_space<vmem_shared>> -> memref<524416xf32, #tpu.memory_space<vmem_shared>>
    tpu.enqueue_indirect_dma source(%arg20 : memref<7168xf32, #tpu.memory_space<vmem>>) target(%dma_start3A_54 : memref<524416xf32, #tpu.memory_space<vmem_shared>>) offsets(%arg17 : memref<7168xi32, #tpu.memory_space<vmem>>) semaphore(%arg24 : memref<!tpu.dma_semaphore, #tpu.memory_space<semaphore_mem>>)
    %dma_wait3A_55 = arith.constant 0 : i32
    %dma_wait3A_56 = tpu.memref_slice %arg7[%dma_wait3A_55] : memref<524416xf32, #tpu.memory_space<vmem_shared>> -> memref<524416xf32, #tpu.memory_space<vmem_shared>>
    tpu.wait_indirect_dma semaphore(%arg24 : memref<!tpu.dma_semaphore, #tpu.memory_space<semaphore_mem>>) src(%arg20 : memref<7168xf32, #tpu.memory_space<vmem>>) dst(%dma_wait3A_56 : memref<524416xf32, #tpu.memory_space<vmem_shared>>)
    %barrier3A_57 = arith.constant 0 : index
    tpu.barrier barrier_id(%barrier3A_57)
    %dma_start3A_58 = arith.constant 0 : i32
    %dma_start3A_59 = tpu.memref_slice %arg7[%dma_start3A_58] : memref<524416xf32, #tpu.memory_space<vmem_shared>> -> memref<524416xf32, #tpu.memory_space<vmem_shared>>
    tpu.enqueue_indirect_dma source(%dma_start3A_59 : memref<524416xf32, #tpu.memory_space<vmem_shared>>) target(%arg15 : memref<7168xf32, #tpu.memory_space<vmem>>) offsets(%arg13 : memref<7168xi32, #tpu.memory_space<vmem>>) semaphore(%arg24 : memref<!tpu.dma_semaphore, #tpu.memory_space<semaphore_mem>>)
    %dma_wait3A_60 = arith.constant 0 : i32
    %dma_wait3A_61 = tpu.memref_slice %arg7[%dma_wait3A_60] : memref<524416xf32, #tpu.memory_space<vmem_shared>> -> memref<524416xf32, #tpu.memory_space<vmem_shared>>
    tpu.wait_indirect_dma semaphore(%arg24 : memref<!tpu.dma_semaphore, #tpu.memory_space<semaphore_mem>>) src(%dma_wait3A_61 : memref<524416xf32, #tpu.memory_space<vmem_shared>>) dst(%arg15 : memref<7168xf32, #tpu.memory_space<vmem>>)
    %barrier3A_62 = arith.constant 0 : index
    tpu.barrier barrier_id(%barrier3A_62)
    %parallel_loop3A_63 = arith.constant 0 : i32
    %parallel_loop3A_64 = arith.constant 448 : i32
    %parallel_loop3A_65 = arith.constant 1 : i32
    scf.for %parallel_loop3A_144 = %parallel_loop3A_63 to %parallel_loop3A_64 step %parallel_loop3A_65  : i32 {
      %parallel_loop3A_145 = arith.constant 16 : i32
      %parallel_loop3A_146 = arith.muli %parallel_loop3A_144, %parallel_loop3A_145 : i32
      %parallel_loop3A_147 = arith.index_cast %parallel_loop3A_146 : i32 to index
      %parallel_loop3A_148 = tpu.vector_load %arg20[%parallel_loop3A_147] {strides = array<i32>} : memref<7168xf32, #tpu.memory_space<vmem>>, vector<16xf32>,
      %parallel_loop3A_149 = vector.shape_cast %parallel_loop3A_148 : vector<16xf32> to vector<16xf32>
      %parallel_loop3A_150 = arith.index_cast %parallel_loop3A_146 : i32 to index
      %parallel_loop3A_151 = tpu.vector_load %arg15[%parallel_loop3A_150] {strides = array<i32>} : memref<7168xf32, #tpu.memory_space<vmem>>, vector<16xf32>,
      %parallel_loop3A_152 = vector.shape_cast %parallel_loop3A_151 : vector<16xf32> to vector<16xf32>
      %parallel_loop3A_153 = arith.cmpf ogt, %parallel_loop3A_149, %parallel_loop3A_152 : vector<16xf32>
      %parallel_loop3A_154 = arith.index_cast %parallel_loop3A_146 : i32 to index
      %parallel_loop3A_155 = tpu.vector_load %arg13[%parallel_loop3A_154] {strides = array<i32>} : memref<7168xi32, #tpu.memory_space<vmem>>, vector<16xi32>,
      %parallel_loop3A_156 = vector.shape_cast %parallel_loop3A_155 : vector<16xi32> to vector<16xi32>
      %parallel_loop3A_157 = arith.constant 524288 : i32
      %parallel_loop3A_158 = vector.broadcast %parallel_loop3A_157 : i32 to vector<16xi32>
      %parallel_loop3A_159 = arith.addi %parallel_loop3A_158, %iota3A : vector<16xi32>
      %parallel_loop3A_160 = arith.select %parallel_loop3A_153, %parallel_loop3A_156, %parallel_loop3A_159 : vector<16xi1>, vector<16xi32>
      %parallel_loop3A_161 = arith.index_cast %parallel_loop3A_146 : i32 to index
      %parallel_loop3A_162 = tpu.vector_load %arg17[%parallel_loop3A_161] {strides = array<i32>} : memref<7168xi32, #tpu.memory_space<vmem>>, vector<16xi32>,
      %parallel_loop3A_163 = vector.shape_cast %parallel_loop3A_162 : vector<16xi32> to vector<16xi32>
      %parallel_loop3A_164 = vector.shape_cast %parallel_loop3A_160 : vector<16xi32> to vector<16xi32>
      tpu.vector_store %arg17[%parallel_loop3A_161], %parallel_loop3A_164 {strides = array<i32>} : memref<7168xi32, #tpu.memory_space<vmem>>, vector<16xi32>,
    } {sc.loop_unroll_factor = 8 : i64, sc.parallel_access}
    %dma_start3A_66 = arith.constant 0 : i32
    %dma_start3A_67 = tpu.memref_slice %arg7[%dma_start3A_66] : memref<524416xf32, #tpu.memory_space<vmem_shared>> -> memref<524416xf32, #tpu.memory_space<vmem_shared>>
    tpu.enqueue_indirect_dma source(%arg20 : memref<7168xf32, #tpu.memory_space<vmem>>) target(%dma_start3A_67 : memref<524416xf32, #tpu.memory_space<vmem_shared>>) offsets(%arg17 : memref<7168xi32, #tpu.memory_space<vmem>>) semaphore(%arg24 : memref<!tpu.dma_semaphore, #tpu.memory_space<semaphore_mem>>)
    %dma_wait3A_68 = arith.constant 0 : i32
    %dma_wait3A_69 = tpu.memref_slice %arg7[%dma_wait3A_68] : memref<524416xf32, #tpu.memory_space<vmem_shared>> -> memref<524416xf32, #tpu.memory_space<vmem_shared>>
    tpu.wait_indirect_dma semaphore(%arg24 : memref<!tpu.dma_semaphore, #tpu.memory_space<semaphore_mem>>) src(%arg20 : memref<7168xf32, #tpu.memory_space<vmem>>) dst(%dma_wait3A_69 : memref<524416xf32, #tpu.memory_space<vmem_shared>>)
    %barrier3A_70 = arith.constant 0 : index
    tpu.barrier barrier_id(%barrier3A_70)
    %dma_start3A_71 = arith.constant 0 : i32
    %dma_start3A_72 = tpu.memref_slice %arg7[%dma_start3A_71] : memref<524416xf32, #tpu.memory_space<vmem_shared>> -> memref<524416xf32, #tpu.memory_space<vmem_shared>>
    tpu.enqueue_indirect_dma source(%dma_start3A_72 : memref<524416xf32, #tpu.memory_space<vmem_shared>>) target(%arg15 : memref<7168xf32, #tpu.memory_space<vmem>>) offsets(%arg13 : memref<7168xi32, #tpu.memory_space<vmem>>) semaphore(%arg24 : memref<!tpu.dma_semaphore, #tpu.memory_space<semaphore_mem>>)
    %dma_wait3A_73 = arith.constant 0 : i32
    %dma_wait3A_74 = tpu.memref_slice %arg7[%dma_wait3A_73] : memref<524416xf32, #tpu.memory_space<vmem_shared>> -> memref<524416xf32, #tpu.memory_space<vmem_shared>>
    tpu.wait_indirect_dma semaphore(%arg24 : memref<!tpu.dma_semaphore, #tpu.memory_space<semaphore_mem>>) src(%dma_wait3A_74 : memref<524416xf32, #tpu.memory_space<vmem_shared>>) dst(%arg15 : memref<7168xf32, #tpu.memory_space<vmem>>)
    %barrier3A_75 = arith.constant 0 : index
    tpu.barrier barrier_id(%barrier3A_75)
    %parallel_loop3A_76 = arith.constant 0 : i32
    %parallel_loop3A_77 = arith.constant 448 : i32
    %parallel_loop3A_78 = arith.constant 1 : i32
    scf.for %parallel_loop3A_144 = %parallel_loop3A_76 to %parallel_loop3A_77 step %parallel_loop3A_78  : i32 {
      %parallel_loop3A_145 = arith.constant 16 : i32
      %parallel_loop3A_146 = arith.muli %parallel_loop3A_144, %parallel_loop3A_145 : i32
      %parallel_loop3A_147 = arith.index_cast %parallel_loop3A_146 : i32 to index
      %parallel_loop3A_148 = tpu.vector_load %arg20[%parallel_loop3A_147] {strides = array<i32>} : memref<7168xf32, #tpu.memory_space<vmem>>, vector<16xf32>,
      %parallel_loop3A_149 = vector.shape_cast %parallel_loop3A_148 : vector<16xf32> to vector<16xf32>
      %parallel_loop3A_150 = arith.index_cast %parallel_loop3A_146 : i32 to index
      %parallel_loop3A_151 = tpu.vector_load %arg15[%parallel_loop3A_150] {strides = array<i32>} : memref<7168xf32, #tpu.memory_space<vmem>>, vector<16xf32>,
      %parallel_loop3A_152 = vector.shape_cast %parallel_loop3A_151 : vector<16xf32> to vector<16xf32>
      %parallel_loop3A_153 = arith.cmpf ogt, %parallel_loop3A_149, %parallel_loop3A_152 : vector<16xf32>
      %parallel_loop3A_154 = arith.index_cast %parallel_loop3A_146 : i32 to index
      %parallel_loop3A_155 = tpu.vector_load %arg13[%parallel_loop3A_154] {strides = array<i32>} : memref<7168xi32, #tpu.memory_space<vmem>>, vector<16xi32>,
      %parallel_loop3A_156 = vector.shape_cast %parallel_loop3A_155 : vector<16xi32> to vector<16xi32>
      %parallel_loop3A_157 = arith.constant 524288 : i32
      %parallel_loop3A_158 = vector.broadcast %parallel_loop3A_157 : i32 to vector<16xi32>
      %parallel_loop3A_159 = arith.addi %parallel_loop3A_158, %iota3A : vector<16xi32>
      %parallel_loop3A_160 = arith.select %parallel_loop3A_153, %parallel_loop3A_156, %parallel_loop3A_159 : vector<16xi1>, vector<16xi32>
      %parallel_loop3A_161 = arith.index_cast %parallel_loop3A_146 : i32 to index
      %parallel_loop3A_162 = tpu.vector_load %arg17[%parallel_loop3A_161] {strides = array<i32>} : memref<7168xi32, #tpu.memory_space<vmem>>, vector<16xi32>,
      %parallel_loop3A_163 = vector.shape_cast %parallel_loop3A_162 : vector<16xi32> to vector<16xi32>
      %parallel_loop3A_164 = vector.shape_cast %parallel_loop3A_160 : vector<16xi32> to vector<16xi32>
      tpu.vector_store %arg17[%parallel_loop3A_161], %parallel_loop3A_164 {strides = array<i32>} : memref<7168xi32, #tpu.memory_space<vmem>>, vector<16xi32>,
    } {sc.loop_unroll_factor = 8 : i64, sc.parallel_access}
    %dma_start3A_79 = arith.constant 0 : i32
    %dma_start3A_80 = tpu.memref_slice %arg7[%dma_start3A_79] : memref<524416xf32, #tpu.memory_space<vmem_shared>> -> memref<524416xf32, #tpu.memory_space<vmem_shared>>
    tpu.enqueue_indirect_dma source(%arg20 : memref<7168xf32, #tpu.memory_space<vmem>>) target(%dma_start3A_80 : memref<524416xf32, #tpu.memory_space<vmem_shared>>) offsets(%arg17 : memref<7168xi32, #tpu.memory_space<vmem>>) semaphore(%arg24 : memref<!tpu.dma_semaphore, #tpu.memory_space<semaphore_mem>>)
    %dma_wait3A_81 = arith.constant 0 : i32
    %dma_wait3A_82 = tpu.memref_slice %arg7[%dma_wait3A_81] : memref<524416xf32, #tpu.memory_space<vmem_shared>> -> memref<524416xf32, #tpu.memory_space<vmem_shared>>
    tpu.wait_indirect_dma semaphore(%arg24 : memref<!tpu.dma_semaphore, #tpu.memory_space<semaphore_mem>>) src(%arg20 : memref<7168xf32, #tpu.memory_space<vmem>>) dst(%dma_wait3A_82 : memref<524416xf32, #tpu.memory_space<vmem_shared>>)
    %barrier3A_83 = arith.constant 0 : index
    tpu.barrier barrier_id(%barrier3A_83)
    %dma_start3A_84 = arith.constant 0 : i32
    %dma_start3A_85 = tpu.memref_slice %arg7[%dma_start3A_84] : memref<524416xf32, #tpu.memory_space<vmem_shared>> -> memref<524416xf32, #tpu.memory_space<vmem_shared>>
    tpu.enqueue_indirect_dma source(%dma_start3A_85 : memref<524416xf32, #tpu.memory_space<vmem_shared>>) target(%arg15 : memref<7168xf32, #tpu.memory_space<vmem>>) offsets(%arg13 : memref<7168xi32, #tpu.memory_space<vmem>>) semaphore(%arg24 : memref<!tpu.dma_semaphore, #tpu.memory_space<semaphore_mem>>)
    %dma_wait3A_86 = arith.constant 0 : i32
    %dma_wait3A_87 = tpu.memref_slice %arg7[%dma_wait3A_86] : memref<524416xf32, #tpu.memory_space<vmem_shared>> -> memref<524416xf32, #tpu.memory_space<vmem_shared>>
    tpu.wait_indirect_dma semaphore(%arg24 : memref<!tpu.dma_semaphore, #tpu.memory_space<semaphore_mem>>) src(%dma_wait3A_87 : memref<524416xf32, #tpu.memory_space<vmem_shared>>) dst(%arg15 : memref<7168xf32, #tpu.memory_space<vmem>>)
    %barrier3A_88 = arith.constant 0 : index
    tpu.barrier barrier_id(%barrier3A_88)
    %parallel_loop3A_89 = arith.constant 0 : i32
    %parallel_loop3A_90 = arith.constant 448 : i32
    %parallel_loop3A_91 = arith.constant 1 : i32
    scf.for %parallel_loop3A_144 = %parallel_loop3A_89 to %parallel_loop3A_90 step %parallel_loop3A_91  : i32 {
      %parallel_loop3A_145 = arith.constant 16 : i32
      %parallel_loop3A_146 = arith.muli %parallel_loop3A_144, %parallel_loop3A_145 : i32
      %parallel_loop3A_147 = arith.index_cast %parallel_loop3A_146 : i32 to index
      %parallel_loop3A_148 = tpu.vector_load %arg20[%parallel_loop3A_147] {strides = array<i32>} : memref<7168xf32, #tpu.memory_space<vmem>>, vector<16xf32>,
      %parallel_loop3A_149 = vector.shape_cast %parallel_loop3A_148 : vector<16xf32> to vector<16xf32>
      %parallel_loop3A_150 = arith.index_cast %parallel_loop3A_146 : i32 to index
      %parallel_loop3A_151 = tpu.vector_load %arg15[%parallel_loop3A_150] {strides = array<i32>} : memref<7168xf32, #tpu.memory_space<vmem>>, vector<16xf32>,
      %parallel_loop3A_152 = vector.shape_cast %parallel_loop3A_151 : vector<16xf32> to vector<16xf32>
      %parallel_loop3A_153 = arith.cmpf ogt, %parallel_loop3A_149, %parallel_loop3A_152 : vector<16xf32>
      %parallel_loop3A_154 = arith.index_cast %parallel_loop3A_146 : i32 to index
      %parallel_loop3A_155 = tpu.vector_load %arg13[%parallel_loop3A_154] {strides = array<i32>} : memref<7168xi32, #tpu.memory_space<vmem>>, vector<16xi32>,
      %parallel_loop3A_156 = vector.shape_cast %parallel_loop3A_155 : vector<16xi32> to vector<16xi32>
      %parallel_loop3A_157 = arith.constant 524288 : i32
      %parallel_loop3A_158 = vector.broadcast %parallel_loop3A_157 : i32 to vector<16xi32>
      %parallel_loop3A_159 = arith.addi %parallel_loop3A_158, %iota3A : vector<16xi32>
      %parallel_loop3A_160 = arith.select %parallel_loop3A_153, %parallel_loop3A_156, %parallel_loop3A_159 : vector<16xi1>, vector<16xi32>
      %parallel_loop3A_161 = arith.index_cast %parallel_loop3A_146 : i32 to index
      %parallel_loop3A_162 = tpu.vector_load %arg17[%parallel_loop3A_161] {strides = array<i32>} : memref<7168xi32, #tpu.memory_space<vmem>>, vector<16xi32>,
      %parallel_loop3A_163 = vector.shape_cast %parallel_loop3A_162 : vector<16xi32> to vector<16xi32>
      %parallel_loop3A_164 = vector.shape_cast %parallel_loop3A_160 : vector<16xi32> to vector<16xi32>
      tpu.vector_store %arg17[%parallel_loop3A_161], %parallel_loop3A_164 {strides = array<i32>} : memref<7168xi32, #tpu.memory_space<vmem>>, vector<16xi32>,
    } {sc.loop_unroll_factor = 8 : i64, sc.parallel_access}
    %dma_start3A_92 = arith.constant 0 : i32
    %dma_start3A_93 = tpu.memref_slice %arg7[%dma_start3A_92] : memref<524416xf32, #tpu.memory_space<vmem_shared>> -> memref<524416xf32, #tpu.memory_space<vmem_shared>>
    tpu.enqueue_indirect_dma source(%arg20 : memref<7168xf32, #tpu.memory_space<vmem>>) target(%dma_start3A_93 : memref<524416xf32, #tpu.memory_space<vmem_shared>>) offsets(%arg17 : memref<7168xi32, #tpu.memory_space<vmem>>) semaphore(%arg24 : memref<!tpu.dma_semaphore, #tpu.memory_space<semaphore_mem>>)
    %dma_wait3A_94 = arith.constant 0 : i32
    %dma_wait3A_95 = tpu.memref_slice %arg7[%dma_wait3A_94] : memref<524416xf32, #tpu.memory_space<vmem_shared>> -> memref<524416xf32, #tpu.memory_space<vmem_shared>>
    tpu.wait_indirect_dma semaphore(%arg24 : memref<!tpu.dma_semaphore, #tpu.memory_space<semaphore_mem>>) src(%arg20 : memref<7168xf32, #tpu.memory_space<vmem>>) dst(%dma_wait3A_95 : memref<524416xf32, #tpu.memory_space<vmem_shared>>)
    %barrier3A_96 = arith.constant 0 : index
    tpu.barrier barrier_id(%barrier3A_96)
    %dma_start3A_97 = arith.constant 0 : i32
    %dma_start3A_98 = tpu.memref_slice %arg7[%dma_start3A_97] : memref<524416xf32, #tpu.memory_space<vmem_shared>> -> memref<524416xf32, #tpu.memory_space<vmem_shared>>
    tpu.enqueue_indirect_dma source(%dma_start3A_98 : memref<524416xf32, #tpu.memory_space<vmem_shared>>) target(%arg15 : memref<7168xf32, #tpu.memory_space<vmem>>) offsets(%arg13 : memref<7168xi32, #tpu.memory_space<vmem>>) semaphore(%arg24 : memref<!tpu.dma_semaphore, #tpu.memory_space<semaphore_mem>>)
    %dma_wait3A_99 = arith.constant 0 : i32
    %dma_wait3A_100 = tpu.memref_slice %arg7[%dma_wait3A_99] : memref<524416xf32, #tpu.memory_space<vmem_shared>> -> memref<524416xf32, #tpu.memory_space<vmem_shared>>
    tpu.wait_indirect_dma semaphore(%arg24 : memref<!tpu.dma_semaphore, #tpu.memory_space<semaphore_mem>>) src(%dma_wait3A_100 : memref<524416xf32, #tpu.memory_space<vmem_shared>>) dst(%arg15 : memref<7168xf32, #tpu.memory_space<vmem>>)
    %barrier3A_101 = arith.constant 0 : index
    tpu.barrier barrier_id(%barrier3A_101)
    %parallel_loop3A_102 = arith.constant 0 : i32
    %parallel_loop3A_103 = arith.constant 448 : i32
    %parallel_loop3A_104 = arith.constant 1 : i32
    scf.for %parallel_loop3A_144 = %parallel_loop3A_102 to %parallel_loop3A_103 step %parallel_loop3A_104  : i32 {
      %parallel_loop3A_145 = arith.constant 16 : i32
      %parallel_loop3A_146 = arith.muli %parallel_loop3A_144, %parallel_loop3A_145 : i32
      %parallel_loop3A_147 = arith.index_cast %parallel_loop3A_146 : i32 to index
      %parallel_loop3A_148 = tpu.vector_load %arg20[%parallel_loop3A_147] {strides = array<i32>} : memref<7168xf32, #tpu.memory_space<vmem>>, vector<16xf32>,
      %parallel_loop3A_149 = vector.shape_cast %parallel_loop3A_148 : vector<16xf32> to vector<16xf32>
      %parallel_loop3A_150 = arith.index_cast %parallel_loop3A_146 : i32 to index
      %parallel_loop3A_151 = tpu.vector_load %arg15[%parallel_loop3A_150] {strides = array<i32>} : memref<7168xf32, #tpu.memory_space<vmem>>, vector<16xf32>,
      %parallel_loop3A_152 = vector.shape_cast %parallel_loop3A_151 : vector<16xf32> to vector<16xf32>
      %parallel_loop3A_153 = arith.cmpf ogt, %parallel_loop3A_149, %parallel_loop3A_152 : vector<16xf32>
      %parallel_loop3A_154 = arith.index_cast %parallel_loop3A_146 : i32 to index
      %parallel_loop3A_155 = tpu.vector_load %arg13[%parallel_loop3A_154] {strides = array<i32>} : memref<7168xi32, #tpu.memory_space<vmem>>, vector<16xi32>,
      %parallel_loop3A_156 = vector.shape_cast %parallel_loop3A_155 : vector<16xi32> to vector<16xi32>
      %parallel_loop3A_157 = arith.constant 524288 : i32
      %parallel_loop3A_158 = vector.broadcast %parallel_loop3A_157 : i32 to vector<16xi32>
      %parallel_loop3A_159 = arith.addi %parallel_loop3A_158, %iota3A : vector<16xi32>
      %parallel_loop3A_160 = arith.select %parallel_loop3A_153, %parallel_loop3A_156, %parallel_loop3A_159 : vector<16xi1>, vector<16xi32>
      %parallel_loop3A_161 = arith.index_cast %parallel_loop3A_146 : i32 to index
      %parallel_loop3A_162 = tpu.vector_load %arg17[%parallel_loop3A_161] {strides = array<i32>} : memref<7168xi32, #tpu.memory_space<vmem>>, vector<16xi32>,
      %parallel_loop3A_163 = vector.shape_cast %parallel_loop3A_162 : vector<16xi32> to vector<16xi32>
      %parallel_loop3A_164 = vector.shape_cast %parallel_loop3A_160 : vector<16xi32> to vector<16xi32>
      tpu.vector_store %arg17[%parallel_loop3A_161], %parallel_loop3A_164 {strides = array<i32>} : memref<7168xi32, #tpu.memory_space<vmem>>, vector<16xi32>,
    } {sc.loop_unroll_factor = 8 : i64, sc.parallel_access}
    %dma_start3A_105 = arith.constant 0 : i32
    %dma_start3A_106 = tpu.memref_slice %arg7[%dma_start3A_105] : memref<524416xf32, #tpu.memory_space<vmem_shared>> -> memref<524416xf32, #tpu.memory_space<vmem_shared>>
    tpu.enqueue_indirect_dma source(%arg20 : memref<7168xf32, #tpu.memory_space<vmem>>) target(%dma_start3A_106 : memref<524416xf32, #tpu.memory_space<vmem_shared>>) offsets(%arg17 : memref<7168xi32, #tpu.memory_space<vmem>>) semaphore(%arg24 : memref<!tpu.dma_semaphore, #tpu.memory_space<semaphore_mem>>)
    %dma_wait3A_107 = arith.constant 0 : i32
    %dma_wait3A_108 = tpu.memref_slice %arg7[%dma_wait3A_107] : memref<524416xf32, #tpu.memory_space<vmem_shared>> -> memref<524416xf32, #tpu.memory_space<vmem_shared>>
    tpu.wait_indirect_dma semaphore(%arg24 : memref<!tpu.dma_semaphore, #tpu.memory_space<semaphore_mem>>) src(%arg20 : memref<7168xf32, #tpu.memory_space<vmem>>) dst(%dma_wait3A_108 : memref<524416xf32, #tpu.memory_space<vmem_shared>>)
    %barrier3A_109 = arith.constant 0 : index
    tpu.barrier barrier_id(%barrier3A_109)
    %dma_start3A_110 = arith.constant 0 : i32
    %dma_start3A_111 = tpu.memref_slice %arg7[%dma_start3A_110] : memref<524416xf32, #tpu.memory_space<vmem_shared>> -> memref<524416xf32, #tpu.memory_space<vmem_shared>>
    tpu.enqueue_indirect_dma source(%dma_start3A_111 : memref<524416xf32, #tpu.memory_space<vmem_shared>>) target(%arg15 : memref<7168xf32, #tpu.memory_space<vmem>>) offsets(%arg13 : memref<7168xi32, #tpu.memory_space<vmem>>) semaphore(%arg24 : memref<!tpu.dma_semaphore, #tpu.memory_space<semaphore_mem>>)
    %dma_start3A_112 = arith.constant 0 : i32
    %dma_start3A_113 = tpu.memref_slice %arg8[%dma_start3A_112] : memref<3584xf32, #tpu.memory_space<vmem_shared>> -> memref<3584xf32, #tpu.memory_space<vmem_shared>>
    tpu.enqueue_indirect_dma source(%dma_start3A_113 : memref<3584xf32, #tpu.memory_space<vmem_shared>>) target(%arg16 : memref<7168xf32, #tpu.memory_space<vmem>>) offsets(%arg14 : memref<7168xi32, #tpu.memory_space<vmem>>) semaphore(%arg24 : memref<!tpu.dma_semaphore, #tpu.memory_space<semaphore_mem>>)
    %dma_wait3A_114 = arith.constant 0 : i32
    %dma_wait3A_115 = tpu.memref_slice %arg7[%dma_wait3A_114] : memref<524416xf32, #tpu.memory_space<vmem_shared>> -> memref<524416xf32, #tpu.memory_space<vmem_shared>>
    tpu.wait_indirect_dma semaphore(%arg24 : memref<!tpu.dma_semaphore, #tpu.memory_space<semaphore_mem>>) src(%dma_wait3A_115 : memref<524416xf32, #tpu.memory_space<vmem_shared>>) dst(%arg15 : memref<7168xf32, #tpu.memory_space<vmem>>)
    %dma_wait3A_116 = arith.constant 0 : i32
    %dma_wait3A_117 = tpu.memref_slice %arg8[%dma_wait3A_116] : memref<3584xf32, #tpu.memory_space<vmem_shared>> -> memref<3584xf32, #tpu.memory_space<vmem_shared>>
    tpu.wait_indirect_dma semaphore(%arg24 : memref<!tpu.dma_semaphore, #tpu.memory_space<semaphore_mem>>) src(%dma_wait3A_117 : memref<3584xf32, #tpu.memory_space<vmem_shared>>) dst(%arg16 : memref<7168xf32, #tpu.memory_space<vmem>>)
    %parallel_loop3A_118 = arith.constant 0 : i32
    %parallel_loop3A_119 = arith.constant 448 : i32
    %parallel_loop3A_120 = arith.constant 1 : i32
    scf.for %parallel_loop3A_144 = %parallel_loop3A_118 to %parallel_loop3A_119 step %parallel_loop3A_120  : i32 {
      %parallel_loop3A_145 = arith.constant 16 : i32
      %parallel_loop3A_146 = arith.muli %parallel_loop3A_144, %parallel_loop3A_145 : i32
      %parallel_loop3A_147 = arith.index_cast %parallel_loop3A_146 : i32 to index
      %parallel_loop3A_148 = tpu.vector_load %arg12[%parallel_loop3A_147] {strides = array<i32>} : memref<7168xf32, #tpu.memory_space<vmem>>, vector<16xf32>,
      %parallel_loop3A_149 = vector.shape_cast %parallel_loop3A_148 : vector<16xf32> to vector<16xf32>
      %parallel_loop3A_150 = arith.index_cast %parallel_loop3A_146 : i32 to index
      %parallel_loop3A_151 = tpu.vector_load %arg16[%parallel_loop3A_150] {strides = array<i32>} : memref<7168xf32, #tpu.memory_space<vmem>>, vector<16xf32>,
      %parallel_loop3A_152 = vector.shape_cast %parallel_loop3A_151 : vector<16xf32> to vector<16xf32>
      %parallel_loop3A_153 = arith.constant 9.99999971E-10 : f32
      %parallel_loop3A_154 = vector.broadcast %parallel_loop3A_153 : f32 to vector<16xf32>
      %parallel_loop3A_155 = arith.addf %parallel_loop3A_152, %parallel_loop3A_154 : vector<16xf32>
      %parallel_loop3A_156 = arith.divf %parallel_loop3A_149, %parallel_loop3A_155 : vector<16xf32>
      %parallel_loop3A_157 = arith.index_cast %parallel_loop3A_146 : i32 to index
      %parallel_loop3A_158 = tpu.vector_load %arg15[%parallel_loop3A_157] {strides = array<i32>} : memref<7168xf32, #tpu.memory_space<vmem>>, vector<16xf32>,
      %parallel_loop3A_159 = vector.shape_cast %parallel_loop3A_158 : vector<16xf32> to vector<16xf32>
      %parallel_loop3A_160 = arith.index_cast %parallel_loop3A_146 : i32 to index
      %parallel_loop3A_161 = tpu.vector_load %arg20[%parallel_loop3A_160] {strides = array<i32>} : memref<7168xf32, #tpu.memory_space<vmem>>, vector<16xf32>,
      %parallel_loop3A_162 = vector.shape_cast %parallel_loop3A_161 : vector<16xf32> to vector<16xf32>
      %parallel_loop3A_163 = arith.cmpf oeq, %parallel_loop3A_159, %parallel_loop3A_162 : vector<16xf32>
      %parallel_loop3A_164 = arith.index_cast %parallel_loop3A_146 : i32 to index
      %parallel_loop3A_165 = tpu.vector_load %arg18[%parallel_loop3A_164] {strides = array<i32>} : memref<7168xf32, #tpu.memory_space<vmem>>, vector<16xf32>,
      %parallel_loop3A_166 = vector.shape_cast %parallel_loop3A_165 : vector<16xf32> to vector<16xf32>
      %parallel_loop3A_167 = vector.shape_cast %parallel_loop3A_156 : vector<16xf32> to vector<16xf32>
      tpu.vector_store %arg18[%parallel_loop3A_164], %parallel_loop3A_167 {strides = array<i32>} : memref<7168xf32, #tpu.memory_space<vmem>>, vector<16xf32>,
      %parallel_loop3A_168 = arith.index_cast %parallel_loop3A_146 : i32 to index
      %parallel_loop3A_169 = tpu.vector_load %arg13[%parallel_loop3A_168] {strides = array<i32>} : memref<7168xi32, #tpu.memory_space<vmem>>, vector<16xi32>,
      %parallel_loop3A_170 = vector.shape_cast %parallel_loop3A_169 : vector<16xi32> to vector<16xi32>
      %parallel_loop3A_171 = arith.constant 524288 : i32
      %parallel_loop3A_172 = vector.broadcast %parallel_loop3A_171 : i32 to vector<16xi32>
      %parallel_loop3A_173 = arith.addi %parallel_loop3A_172, %iota3A : vector<16xi32>
      %parallel_loop3A_174 = arith.select %parallel_loop3A_163, %parallel_loop3A_170, %parallel_loop3A_173 : vector<16xi1>, vector<16xi32>
      %parallel_loop3A_175 = arith.index_cast %parallel_loop3A_146 : i32 to index
      %parallel_loop3A_176 = tpu.vector_load %arg19[%parallel_loop3A_175] {strides = array<i32>} : memref<7168xi32, #tpu.memory_space<vmem>>, vector<16xi32>,
      %parallel_loop3A_177 = vector.shape_cast %parallel_loop3A_176 : vector<16xi32> to vector<16xi32>
      %parallel_loop3A_178 = vector.shape_cast %parallel_loop3A_174 : vector<16xi32> to vector<16xi32>
      tpu.vector_store %arg19[%parallel_loop3A_175], %parallel_loop3A_178 {strides = array<i32>} : memref<7168xi32, #tpu.memory_space<vmem>>, vector<16xi32>,
    } {sc.loop_unroll_factor = 8 : i64, sc.parallel_access}
    %barrier3A_121 = arith.constant 0 : index
    tpu.barrier barrier_id(%barrier3A_121)
    %scan3A_122 = arith.constant 0 : i32
    %scan3A_123 = arith.constant 0 : i32
    %scan3A_124 = arith.constant 16 : i32
    %scan3A_125 = arith.addi %scan3A_123, %scan3A_124 : i32
    %scan3A_126 = arith.constant 1 : i32
    %scan3A_127 = scf.for %scan3A_144 = %scan3A_123 to %scan3A_125 step %scan3A_126 iter_args(%scan3A_145 = %scan3A_122) -> (i32)  : i32 {
      %mul3A_146 = arith.constant 32768 : i32
      %mul3A_147 = arith.muli %arg1, %mul3A_146 : i32
      %mul3A_148 = arith.constant 2048 : i32
      %mul3A_149 = arith.muli %scan3A_144, %mul3A_148 : i32
      %add3A = arith.addi %mul3A_147, %mul3A_149 : i32
      "tpu.region"() ({
        %run_scoped3A = tpu.sem_alloc : memref<!tpu.dma_semaphore, #tpu.memory_space<semaphore_mem>>
        %dma_start3A_151 = tpu.memref_slice %arg7[%add3A] : memref<524416xf32, #tpu.memory_space<vmem_shared>> -> memref<2048xf32, #tpu.memory_space<vmem_shared>>
        %dma_start3A_152 = tpu.memref_slice %arg7[%add3A] : memref<524416xf32, #tpu.memory_space<vmem_shared>> -> memref<2048xf32, #tpu.memory_space<vmem_shared>>
        tpu.enqueue_dma source(%arg21 : memref<2048xf32, #tpu.memory_space<vmem>>) target(%dma_start3A_152 : memref<2048xf32, #tpu.memory_space<vmem_shared>>) target_semaphore(%run_scoped3A : memref<!tpu.dma_semaphore, #tpu.memory_space<semaphore_mem>>)
        %dma_wait3A_153 = tpu.memref_slice %arg7[%add3A] : memref<524416xf32, #tpu.memory_space<vmem_shared>> -> memref<2048xf32, #tpu.memory_space<vmem_shared>>
        %dma_wait3A_154 = tpu.memref_slice %arg7[%add3A] : memref<524416xf32, #tpu.memory_space<vmem_shared>> -> memref<2048xf32, #tpu.memory_space<vmem_shared>>
        tpu.wait_dma2 semaphore(%run_scoped3A : memref<!tpu.dma_semaphore, #tpu.memory_space<semaphore_mem>>) src(%arg21 : memref<2048xf32, #tpu.memory_space<vmem>>) dst(%dma_wait3A_154 : memref<2048xf32, #tpu.memory_space<vmem_shared>>)
        tpu.yield
      }) : () -> ()
      %scan3A_150 = arith.constant 0 : i32
      scf.yield %scan3A_150 : i32
    }
    %scan3A_128 = arith.constant 16 : i32
    %eq3A_129 = arith.constant 0 : i32
    %eq3A_130 = arith.cmpi eq, %arg1, %eq3A_129 : i32
    %convert_element_type3A_131 = arith.extui %eq3A_130 : i1 to i32
    %cond3A_132 = arith.constant 0 : i32
    %cond3A_133 = arith.cmpi ne, %convert_element_type3A_131, %cond3A_132 : i32
    scf.if %cond3A_133 {
      "tpu.region"() ({
        %run_scoped3A = tpu.sem_alloc : memref<!tpu.dma_semaphore, #tpu.memory_space<semaphore_mem>>
        %dma_start3A_144 = arith.constant 0 : i32
        %dma_start3A_145 = tpu.memref_slice %arg21[%dma_start3A_144] : memref<2048xf32, #tpu.memory_space<vmem>> -> memref<128xf32, #tpu.memory_space<vmem>>
        %dma_start3A_146 = arith.constant 524288 : i32
        %dma_start3A_147 = tpu.memref_slice %arg7[%dma_start3A_146] : memref<524416xf32, #tpu.memory_space<vmem_shared>> -> memref<128xf32, #tpu.memory_space<vmem_shared>>
        %dma_start3A_148 = arith.constant 524288 : i32
        %dma_start3A_149 = tpu.memref_slice %arg7[%dma_start3A_148] : memref<524416xf32, #tpu.memory_space<vmem_shared>> -> memref<128xf32, #tpu.memory_space<vmem_shared>>
        %dma_start3A_150 = arith.constant 0 : i32
        %dma_start3A_151 = tpu.memref_slice %arg21[%dma_start3A_150] : memref<2048xf32, #tpu.memory_space<vmem>> -> memref<128xf32, #tpu.memory_space<vmem>>
        tpu.enqueue_dma source(%dma_start3A_151 : memref<128xf32, #tpu.memory_space<vmem>>) target(%dma_start3A_149 : memref<128xf32, #tpu.memory_space<vmem_shared>>) target_semaphore(%run_scoped3A : memref<!tpu.dma_semaphore, #tpu.memory_space<semaphore_mem>>)
        %dma_wait3A_152 = arith.constant 0 : i32
        %dma_wait3A_153 = tpu.memref_slice %arg21[%dma_wait3A_152] : memref<2048xf32, #tpu.memory_space<vmem>> -> memref<128xf32, #tpu.memory_space<vmem>>
        %dma_wait3A_154 = arith.constant 524288 : i32
        %dma_wait3A_155 = tpu.memref_slice %arg7[%dma_wait3A_154] : memref<524416xf32, #tpu.memory_space<vmem_shared>> -> memref<128xf32, #tpu.memory_space<vmem_shared>>
        %dma_wait3A_156 = arith.constant 524288 : i32
        %dma_wait3A_157 = tpu.memref_slice %arg7[%dma_wait3A_156] : memref<524416xf32, #tpu.memory_space<vmem_shared>> -> memref<128xf32, #tpu.memory_space<vmem_shared>>
        %dma_wait3A_158 = arith.constant 0 : i32
        %dma_wait3A_159 = tpu.memref_slice %arg21[%dma_wait3A_158] : memref<2048xf32, #tpu.memory_space<vmem>> -> memref<128xf32, #tpu.memory_space<vmem>>
        tpu.wait_dma2 semaphore(%run_scoped3A : memref<!tpu.dma_semaphore, #tpu.memory_space<semaphore_mem>>) src(%dma_wait3A_159 : memref<128xf32, #tpu.memory_space<vmem>>) dst(%dma_wait3A_157 : memref<128xf32, #tpu.memory_space<vmem_shared>>)
        tpu.yield
      }) : () -> ()
    } else {
    }
    %barrier3A_134 = arith.constant 0 : index
    tpu.barrier barrier_id(%barrier3A_134)
    %dma_start3A_135 = arith.constant 0 : i32
    %dma_start3A_136 = tpu.memref_slice %arg7[%dma_start3A_135] : memref<524416xf32, #tpu.memory_space<vmem_shared>> -> memref<524416xf32, #tpu.memory_space<vmem_shared>>
    tpu.enqueue_indirect_dma source(%arg18 : memref<7168xf32, #tpu.memory_space<vmem>>) target(%dma_start3A_136 : memref<524416xf32, #tpu.memory_space<vmem_shared>>) offsets(%arg19 : memref<7168xi32, #tpu.memory_space<vmem>>) semaphore(%arg24 : memref<!tpu.dma_semaphore, #tpu.memory_space<semaphore_mem>>)
    %dma_wait3A_137 = arith.constant 0 : i32
    %dma_wait3A_138 = tpu.memref_slice %arg7[%dma_wait3A_137] : memref<524416xf32, #tpu.memory_space<vmem_shared>> -> memref<524416xf32, #tpu.memory_space<vmem_shared>>
    tpu.wait_indirect_dma semaphore(%arg24 : memref<!tpu.dma_semaphore, #tpu.memory_space<semaphore_mem>>) src(%arg18 : memref<7168xf32, #tpu.memory_space<vmem>>) dst(%dma_wait3A_138 : memref<524416xf32, #tpu.memory_space<vmem_shared>>)
    %barrier3A_139 = arith.constant 0 : index
    tpu.barrier barrier_id(%barrier3A_139)
    %mul3A_140 = arith.constant 32768 : i32
    %mul3A_141 = arith.muli %arg1, %mul3A_140 : i32
    %mul3A_142 = arith.constant 32768 : i32
    %mul3A_143 = arith.muli %arg1, %mul3A_142 : i32
    "tpu.region"() ({
      %run_scoped3A = tpu.sem_alloc : memref<!tpu.dma_semaphore, #tpu.memory_space<semaphore_mem>>
      %dma_start3A_144 = tpu.memref_slice %arg6[%mul3A_143] : memref<524288xf32, #tpu.memory_space<hbm>> -> memref<32768xf32, #tpu.memory_space<hbm>>
      %dma_start3A_145 = tpu.memref_slice %arg7[%mul3A_141] : memref<524416xf32, #tpu.memory_space<vmem_shared>> -> memref<32768xf32, #tpu.memory_space<vmem_shared>>
      tpu.enqueue_dma source(%dma_start3A_145 : memref<32768xf32, #tpu.memory_space<vmem_shared>>) target(%dma_start3A_144 : memref<32768xf32, #tpu.memory_space<hbm>>) target_semaphore(%run_scoped3A : memref<!tpu.dma_semaphore, #tpu.memory_space<semaphore_mem>>)
      %dma_wait3A_146 = tpu.memref_slice %arg6[%mul3A_143] : memref<524288xf32, #tpu.memory_space<hbm>> -> memref<32768xf32, #tpu.memory_space<hbm>>
      %dma_wait3A_147 = tpu.memref_slice %arg7[%mul3A_141] : memref<524416xf32, #tpu.memory_space<vmem_shared>> -> memref<32768xf32, #tpu.memory_space<vmem_shared>>
      tpu.wait_dma2 semaphore(%run_scoped3A : memref<!tpu.dma_semaphore, #tpu.memory_space<semaphore_mem>>) src(%dma_wait3A_147 : memref<32768xf32, #tpu.memory_space<vmem_shared>>) dst(%dma_wait3A_146 : memref<32768xf32, #tpu.memory_space<hbm>>)
      tpu.yield
    }) : () -> ()
    return
  }
}

module attributes {stable_mosaic.version = 14 : i64} {
  func.func @_pae_body(%arg0: i32, %arg1: memref<1024x128xf32, #tpu.memory_space<vmem>>, %arg2: memref<128x64xf32, #tpu.memory_space<vmem>>, %arg3: memref<1x64xf32, #tpu.memory_space<vmem>>, %arg4: memref<1024xf32, #tpu.memory_space<vmem>>, %arg5: memref<8x128xf32, #tpu.memory_space<vmem>>, %arg6: memref<1x1xf32, #tpu.memory_space<smem>>) attributes {dimension_semantics = [#tpu.dimension_semantics<arbitrary>], iteration_bounds = array<i64: 111>, scalar_prefetch = 0 : i64, scratch_operands = 1 : i64, tpu.core_type = #tpu.core_type<tc>, window_params = [{transform_indices = @transform_0, window_bounds = array<i64: 1024, 128>}, {pipeline_mode = #tpu.pipeline_mode<synchronous>, transform_indices = @transform_1, window_bounds = array<i64: 128, 64>}, {pipeline_mode = #tpu.pipeline_mode<synchronous>, transform_indices = @transform_2, window_bounds = array<i64: 1, 64>}, {transform_indices = @transform_3, window_bounds = array<i64: 1024>}, {pipeline_mode = #tpu.pipeline_mode<synchronous>, transform_indices = @transform_4, window_bounds = array<i64: 8, 128>}]} {
    %get3A = arith.constant 0 : index
    %get3A_0 = arith.constant 0 : index
    %get3A_1 = vector.load %arg1[%get3A, %get3A_0] : memref<1024x128xf32, #tpu.memory_space<vmem>>, vector<1024x128xf32>
    %get3A_2 = arith.constant 0 : index
    %get3A_3 = arith.constant 0 : index
    %get3A_4 = vector.load %arg2[%get3A_2, %get3A_3] : memref<128x64xf32, #tpu.memory_space<vmem>>, vector<128x64xf32>
    %dot_general3A = arith.constant dense<0.000000e+00> : vector<1024x64xf32>
    %dot_general3A_5 = tpu.matmul %get3A_1, %get3A_4, %dot_general3A {dimension_numbers = #tpu.dot_dimension_numbers<[1], [0], [0], [1], [0, 0, 1, 1], [], []>, precision = #tpu.contract_precision<fp32>, transpose_lhs_hint = false} : vector<1024x128xf32>, vector<128x64xf32>, vector<1024x64xf32> -> vector<1024x64xf32>
    %max3A = arith.constant 0.000000e+00 : f32
    %max3A_6 = vector.broadcast %max3A : f32 to vector<1024x64xf32>
    %max3A_7 = arith.maximumf %dot_general3A_5, %max3A_6 : vector<1024x64xf32>
    %get3A_8 = arith.constant 0 : index
    %get3A_9 = arith.constant 0 : index
    %get3A_10 = vector.load %arg3[%get3A_8, %get3A_9] : memref<1x64xf32, #tpu.memory_space<vmem>>, vector<1x64xf32>
    %mul3A = vector.broadcast %get3A_10 : vector<1x64xf32> to vector<1024x64xf32>
    %mul3A_11 = arith.mulf %max3A_7, %mul3A : vector<1024x64xf32>
    %reduce_sum3A = arith.constant dense<0.000000e+00> : vector<1024xf32>
    %reduce_sum3A_12 = vector.multi_reduction <add>, %mul3A_11, %reduce_sum3A [1] : vector<1024x64xf32> to vector<1024xf32>
    %swap3A = arith.constant 0 : index
    %swap3A_13 = vector.load %arg4[%swap3A] : memref<1024xf32, #tpu.memory_space<vmem>>, vector<1024xf32>
    tpu.vector_store %arg4[%swap3A], %reduce_sum3A_12 {strides = array<i32>} : memref<1024xf32, #tpu.memory_space<vmem>>, vector<1024xf32>,
    %reduce_max3A = vector.shape_cast %reduce_sum3A_12 : vector<1024xf32> to vector<1x1024xf32>
    %reduce_max3A_14 = arith.constant dense<0xFF800000> : vector<1xf32>
    %reduce_max3A_15 = vector.multi_reduction <maximumf>, %reduce_max3A, %reduce_max3A_14 [1] : vector<1x1024xf32> to vector<1xf32>
    %reduce_max3A_16 = vector.shape_cast %reduce_max3A_15 : vector<1xf32> to vector<1x1xf32>
    %reduce_max3A_17 = vector.extract %reduce_max3A_16[0, 0] : f32 from vector<1x1xf32>
    %eq3A = arith.constant 0 : i32
    %eq3A_18 = arith.cmpi eq, %arg0, %eq3A : i32
    %convert_element_type3A = arith.extui %eq3A_18 : i1 to i32
    %cond3A = arith.constant 0 : i32
    %cond3A_19 = arith.cmpi ne, %convert_element_type3A, %cond3A : i32
    scf.if %cond3A_19 {
      %swap3A_29 = arith.constant 0 : index
      %swap3A_30 = arith.constant 0 : index
      %swap3A_31 = memref.load %arg6[%swap3A_29, %swap3A_30] : memref<1x1xf32, #tpu.memory_space<smem>>
      memref.store %reduce_max3A_17, %arg6[%swap3A_29, %swap3A_30] : memref<1x1xf32, #tpu.memory_space<smem>>
    } else {
    }
    %gt3A = arith.constant 0 : i32
    %gt3A_20 = arith.cmpi sgt, %arg0, %gt3A : i32
    %convert_element_type3A_21 = arith.extui %gt3A_20 : i1 to i32
    %cond3A_22 = arith.constant 0 : i32
    %cond3A_23 = arith.cmpi ne, %convert_element_type3A_21, %cond3A_22 : i32
    scf.if %cond3A_23 {
      %get3A_29 = arith.constant 0 : index
      %get3A_30 = arith.constant 0 : index
      %get3A_31 = memref.load %arg6[%get3A_29, %get3A_30] : memref<1x1xf32, #tpu.memory_space<smem>>
      %max3A_32 = arith.maximumf %get3A_31, %reduce_max3A_17 : f32
      %swap3A_33 = arith.constant 0 : index
      %swap3A_34 = arith.constant 0 : index
      %swap3A_35 = memref.load %arg6[%swap3A_33, %swap3A_34] : memref<1x1xf32, #tpu.memory_space<smem>>
      memref.store %max3A_32, %arg6[%swap3A_33, %swap3A_34] : memref<1x1xf32, #tpu.memory_space<smem>>
    } else {
    }
    %eq3A_24 = arith.constant 110 : i32
    %eq3A_25 = arith.cmpi eq, %arg0, %eq3A_24 : i32
    %convert_element_type3A_26 = arith.extui %eq3A_25 : i1 to i32
    %cond3A_27 = arith.constant 0 : i32
    %cond3A_28 = arith.cmpi ne, %convert_element_type3A_26, %cond3A_27 : i32
    scf.if %cond3A_28 {
      %get3A_29 = arith.constant 0 : index
      %get3A_30 = arith.constant 0 : index
      %get3A_31 = memref.load %arg6[%get3A_29, %get3A_30] : memref<1x1xf32, #tpu.memory_space<smem>>
      %broadcast_in_dim3A = vector.broadcast %get3A_31 : f32 to vector<8x128xf32>
      %swap3A_32 = arith.constant 0 : index
      %swap3A_33 = arith.constant 0 : index
      %swap3A_34 = vector.load %arg5[%swap3A_32, %swap3A_33] : memref<8x128xf32, #tpu.memory_space<vmem>>, vector<8x128xf32>
      tpu.vector_store %arg5[%swap3A_32, %swap3A_33], %broadcast_in_dim3A {strides = array<i32>} : memref<8x128xf32, #tpu.memory_space<vmem>>, vector<8x128xf32>,
    } else {
    }
    return
  }
  func.func @transform_0(%arg0: i32) -> (i32, i32) {
    %c0_i32 = arith.constant 0 : i32
    %c0_i32_0 = arith.constant 0 : i32
    return %arg0, %c0_i32 : i32, i32
  }
  func.func @transform_1(%arg0: i32) -> (i32, i32) {
    %c0_i32 = arith.constant 0 : i32
    %c0_i32_0 = arith.constant 0 : i32
    %c0_i32_1 = arith.constant 0 : i32
    return %c0_i32, %c0_i32_0 : i32, i32
  }
  func.func @transform_2(%arg0: i32) -> (i32, i32) {
    %c0_i32 = arith.constant 0 : i32
    %c0_i32_0 = arith.constant 0 : i32
    %c0_i32_1 = arith.constant 0 : i32
    return %c0_i32, %c0_i32_0 : i32, i32
  }
  func.func @transform_3(%arg0: i32) -> i32 {
    %c0_i32 = arith.constant 0 : i32
    return %arg0 : i32
  }
  func.func @transform_4(%arg0: i32) -> (i32, i32) {
    %c0_i32 = arith.constant 0 : i32
    %c0_i32_0 = arith.constant 0 : i32
    %c0_i32_1 = arith.constant 0 : i32
    return %c0_i32, %c0_i32_0 : i32, i32
  }
}

module attributes {stable_mosaic.version = 14 : i64} {
  func.func @_stage_c_body(%arg0: i32, %arg1: memref<1x128x128xf32, #tpu.memory_space<vmem>>, %arg2: memref<1x128x128xf32, #tpu.memory_space<vmem>>, %arg3: memref<128x64xf32, #tpu.memory_space<vmem>>, %arg4: memref<128x64xf32, #tpu.memory_space<vmem>>, %arg5: memref<128x64xf32, #tpu.memory_space<vmem>>, %arg6: memref<128x64xf32, #tpu.memory_space<vmem>>, %arg7: memref<128x1xf32, #tpu.memory_space<vmem>>, %arg8: memref<128x1xf32, #tpu.memory_space<vmem>>, %arg9: memref<1x32x128xf32, #tpu.memory_space<vmem>>) attributes {dimension_semantics = [#tpu.dimension_semantics<arbitrary>], iteration_bounds = array<i64: 32>, scalar_prefetch = 0 : i64, scratch_operands = 0 : i64, tpu.core_type = #tpu.core_type<tc>, window_params = [{transform_indices = @transform_0, window_bounds = array<i64: 1, 128, 128>}, {transform_indices = @transform_1, window_bounds = array<i64: 1, 128, 128>}, {pipeline_mode = #tpu.pipeline_mode<synchronous>, transform_indices = @transform_2, window_bounds = array<i64: 128, 64>}, {pipeline_mode = #tpu.pipeline_mode<synchronous>, transform_indices = @transform_3, window_bounds = array<i64: 128, 64>}, {pipeline_mode = #tpu.pipeline_mode<synchronous>, transform_indices = @transform_4, window_bounds = array<i64: 128, 64>}, {pipeline_mode = #tpu.pipeline_mode<synchronous>, transform_indices = @transform_5, window_bounds = array<i64: 128, 64>}, {pipeline_mode = #tpu.pipeline_mode<synchronous>, transform_indices = @transform_6, window_bounds = array<i64: 128, 1>}, {pipeline_mode = #tpu.pipeline_mode<synchronous>, transform_indices = @transform_7, window_bounds = array<i64: 128, 1>}, {transform_indices = @transform_8, window_bounds = array<i64: 1, 32, 128>}]} {
    %iota3A = tpu.iota {dimensions = array<i32: 0>} : vector<128x128xi32>
    %iota3A_0 = tpu.iota {dimensions = array<i32: 1>} : vector<128x128xi32>
    %get3A = arith.constant 0 : index
    %get3A_1 = arith.constant 0 : index
    %get3A_2 = arith.constant 0 : index
    %get3A_3 = vector.load %arg1[%get3A, %get3A_1, %get3A_2] : memref<1x128x128xf32, #tpu.memory_space<vmem>>, vector<1x128x128xf32>
    %get3A_4 = vector.shape_cast %get3A_3 : vector<1x128x128xf32> to vector<128x128xf32>
    %get3A_5 = arith.constant 0 : index
    %get3A_6 = arith.constant 0 : index
    %get3A_7 = arith.constant 0 : index
    %get3A_8 = vector.load %arg2[%get3A_5, %get3A_6, %get3A_7] : memref<1x128x128xf32, #tpu.memory_space<vmem>>, vector<1x128x128xf32>
    %get3A_9 = vector.shape_cast %get3A_8 : vector<1x128x128xf32> to vector<128x128xf32>
    %eq3A = arith.cmpi eq, %iota3A, %iota3A_0 : vector<128x128xi32>
    %lt3A = arith.constant 111 : i32
    %lt3A_10 = vector.broadcast %lt3A : i32 to vector<128x128xi32>
    %lt3A_11 = arith.cmpi slt, %iota3A, %lt3A_10 : vector<128x128xi32>
    %and3A = arith.andi %eq3A, %lt3A_11 : vector<128x128xi1>
    %jit3A = arith.constant 1.000000e+00 : f32
    %jit3A_12 = arith.constant 0.000000e+00 : f32
    %broadcast_in_dim3A = vector.broadcast %jit3A : f32 to vector<128x128xf32>
    %broadcast_in_dim3A_13 = vector.broadcast %jit3A_12 : f32 to vector<128x128xf32>
    %select_n3A = arith.select %and3A, %broadcast_in_dim3A, %broadcast_in_dim3A_13 : vector<128x128xi1>, vector<128x128xf32>
    %reduce_sum3A = arith.constant dense<0.000000e+00> : vector<128xf32>
    %reduce_sum3A_14 = vector.multi_reduction <add>, %get3A_4, %reduce_sum3A [1] : vector<128x128xf32> to vector<128xf32>
    %broadcast_in_dim3A_15 = vector.shape_cast %reduce_sum3A_14 : vector<128xf32> to vector<128x1xf32>
    %add3A = arith.constant 1.000000e+00 : f32
    %add3A_16 = vector.broadcast %add3A : f32 to vector<128x1xf32>
    %add3A_17 = arith.addf %broadcast_in_dim3A_15, %add3A_16 : vector<128x1xf32>
    %add3A_18 = arith.constant 9.99999971E-10 : f32
    %add3A_19 = vector.broadcast %add3A_18 : f32 to vector<128x1xf32>
    %add3A_20 = arith.addf %add3A_17, %add3A_19 : vector<128x1xf32>
    %rsqrt3A = math.rsqrt %add3A_20 : vector<128x1xf32>
    %add3A_21 = arith.addf %get3A_4, %select_n3A : vector<128x128xf32>
    %mul3A = vector.broadcast %rsqrt3A : vector<128x1xf32> to vector<128x128xf32>
    %mul3A_22 = arith.mulf %add3A_21, %mul3A : vector<128x128xf32>
    %eq3A_23 = arith.cmpi eq, %iota3A, %iota3A_0 : vector<128x128xi32>
    %jit3A_24 = arith.constant 1.000000e+00 : f32
    %jit3A_25 = arith.constant 0.000000e+00 : f32
    %broadcast_in_dim3A_26 = vector.broadcast %jit3A_24 : f32 to vector<128x128xf32>
    %broadcast_in_dim3A_27 = vector.broadcast %jit3A_25 : f32 to vector<128x128xf32>
    %select_n3A_28 = arith.select %eq3A_23, %broadcast_in_dim3A_26, %broadcast_in_dim3A_27 : vector<128x128xi1>, vector<128x128xf32>
    %mul3A_29 = vector.broadcast %rsqrt3A : vector<128x1xf32> to vector<128x128xf32>
    %mul3A_30 = arith.mulf %select_n3A_28, %mul3A_29 : vector<128x128xf32>
    %dot_general3A = arith.constant dense<0.000000e+00> : vector<128x128xf32>
    %dot_general3A_31 = tpu.matmul %mul3A_22, %mul3A_30, %dot_general3A {dimension_numbers = #tpu.dot_dimension_numbers<[1], [0], [0], [1], [0, 0, 1, 1], [], []>, precision = #tpu.contract_precision<fp32>, transpose_lhs_hint = false} : vector<128x128xf32>, vector<128x128xf32>, vector<128x128xf32> -> vector<128x128xf32>
    %dot_general3A_32 = arith.constant dense<0.000000e+00> : vector<128x128xf32>
    %dot_general3A_33 = tpu.matmul %dot_general3A_31, %get3A_9, %dot_general3A_32 {dimension_numbers = #tpu.dot_dimension_numbers<[1], [0], [0], [1], [0, 0, 1, 1], [], []>, precision = #tpu.contract_precision<fp32>, transpose_lhs_hint = false} : vector<128x128xf32>, vector<128x128xf32>, vector<128x128xf32> -> vector<128x128xf32>
    %get3A_34 = arith.constant 0 : index
    %get3A_35 = arith.constant 0 : index
    %get3A_36 = vector.load %arg3[%get3A_34, %get3A_35] : memref<128x64xf32, #tpu.memory_space<vmem>>, vector<128x64xf32>
    %dot_general3A_37 = arith.constant dense<0.000000e+00> : vector<128x64xf32>
    %dot_general3A_38 = tpu.matmul %dot_general3A_33, %get3A_36, %dot_general3A_37 {dimension_numbers = #tpu.dot_dimension_numbers<[1], [0], [0], [1], [0, 0, 1, 1], [], []>, precision = #tpu.contract_precision<fp32>, transpose_lhs_hint = false} : vector<128x128xf32>, vector<128x64xf32>, vector<128x64xf32> -> vector<128x64xf32>
    %max3A = arith.constant 0.000000e+00 : f32
    %max3A_39 = vector.broadcast %max3A : f32 to vector<128x64xf32>
    %max3A_40 = arith.maximumf %dot_general3A_38, %max3A_39 : vector<128x64xf32>
    %get3A_41 = arith.constant 0 : index
    %get3A_42 = arith.constant 0 : index
    %get3A_43 = vector.load %arg4[%get3A_41, %get3A_42] : memref<128x64xf32, #tpu.memory_space<vmem>>, vector<128x64xf32>
    %dot_general3A_44 = arith.constant dense<0.000000e+00> : vector<128x64xf32>
    %dot_general3A_45 = tpu.matmul %dot_general3A_33, %get3A_43, %dot_general3A_44 {dimension_numbers = #tpu.dot_dimension_numbers<[1], [0], [0], [1], [0, 0, 1, 1], [], []>, precision = #tpu.contract_precision<fp32>, transpose_lhs_hint = false} : vector<128x128xf32>, vector<128x64xf32>, vector<128x64xf32> -> vector<128x64xf32>
    %max3A_46 = arith.constant 0.000000e+00 : f32
    %max3A_47 = vector.broadcast %max3A_46 : f32 to vector<128x64xf32>
    %max3A_48 = arith.maximumf %dot_general3A_45, %max3A_47 : vector<128x64xf32>
    %concatenate3A = tpu.concatenate %max3A_40, %max3A_48 in 1 : vector<128x64xf32>, vector<128x64xf32> -> vector<128x128xf32>
    %get3A_49 = arith.constant 0 : index
    %get3A_50 = arith.constant 0 : index
    %get3A_51 = vector.load %arg7[%get3A_49, %get3A_50] : memref<128x1xf32, #tpu.memory_space<vmem>>, vector<128x1xf32>
    %dot_general3A_52 = arith.constant dense<0.000000e+00> : vector<128x1xf32>
    %dot_general3A_53 = tpu.matmul %concatenate3A, %get3A_51, %dot_general3A_52 {dimension_numbers = #tpu.dot_dimension_numbers<[1], [0], [0], [1], [0, 0, 1, 1], [], []>, precision = #tpu.contract_precision<fp32>, transpose_lhs_hint = false} : vector<128x128xf32>, vector<128x1xf32>, vector<128x1xf32> -> vector<128x1xf32>
    %iota3A_54 = tpu.iota {dimensions = array<i32: 0>} : vector<128x1xi32>
    %lt3A_55 = arith.constant 111 : i32
    %lt3A_56 = vector.broadcast %lt3A_55 : i32 to vector<128x1xi32>
    %lt3A_57 = arith.cmpi slt, %iota3A_54, %lt3A_56 : vector<128x1xi32>
    %jit3A_58 = arith.constant -3.000000e+38 : f32
    %broadcast_in_dim3A_59 = vector.broadcast %jit3A_58 : f32 to vector<128x1xf32>
    %select_n3A_60 = arith.select %lt3A_57, %dot_general3A_53, %broadcast_in_dim3A_59 : vector<128x1xi1>, vector<128x1xf32>
    %eq3A_61 = arith.cmpi eq, %iota3A, %iota3A_0 : vector<128x128xi32>
    %jit3A_62 = arith.constant 1.000000e+00 : f32
    %jit3A_63 = arith.constant 0.000000e+00 : f32
    %broadcast_in_dim3A_64 = vector.broadcast %jit3A_62 : f32 to vector<128x128xf32>
    %broadcast_in_dim3A_65 = vector.broadcast %jit3A_63 : f32 to vector<128x128xf32>
    %select_n3A_66 = arith.select %eq3A_61, %broadcast_in_dim3A_64, %broadcast_in_dim3A_65 : vector<128x128xi1>, vector<128x128xf32>
    %broadcast_in_dim3A_67 = arith.constant 1.000000e+00 : f32
    %broadcast_in_dim3A_68 = vector.broadcast %broadcast_in_dim3A_67 : f32 to vector<1x128xf32>
    %mul3A_69 = vector.broadcast %select_n3A_60 : vector<128x1xf32> to vector<128x128xf32>
    %mul3A_70 = arith.mulf %select_n3A_66, %mul3A_69 : vector<128x128xf32>
    %dot_general3A_71 = arith.constant dense<0.000000e+00> : vector<1x128xf32>
    %dot_general3A_72 = tpu.matmul %broadcast_in_dim3A_68, %mul3A_70, %dot_general3A_71 {dimension_numbers = #tpu.dot_dimension_numbers<[1], [0], [0], [1], [0, 0, 1, 1], [], []>, precision = #tpu.contract_precision<fp32>, transpose_lhs_hint = false} : vector<1x128xf32>, vector<128x128xf32>, vector<1x128xf32> -> vector<1x128xf32>
    %broadcast_in_dim3A_73 = vector.shape_cast %dot_general3A_72 : vector<1x128xf32> to vector<1x128xf32>
    %broadcast_in_dim3A_74 = vector.broadcast %broadcast_in_dim3A_73 : vector<1x128xf32> to vector<128x128xf32>
    %broadcast_in_dim3A_75 = vector.shape_cast %select_n3A_60 : vector<128x1xf32> to vector<128x1xf32>
    %broadcast_in_dim3A_76 = vector.broadcast %broadcast_in_dim3A_75 : vector<128x1xf32> to vector<128x128xf32>
    %gt3A = arith.cmpf ogt, %broadcast_in_dim3A_74, %broadcast_in_dim3A_76 : vector<128x128xf32>
    %eq3A_77 = arith.cmpf oeq, %broadcast_in_dim3A_74, %broadcast_in_dim3A_76 : vector<128x128xf32>
    %lt3A_78 = arith.cmpi slt, %iota3A_0, %iota3A : vector<128x128xi32>
    %and3A_79 = arith.andi %eq3A_77, %lt3A_78 : vector<128x128xi1>
    %or3A = arith.ori %gt3A, %and3A_79 : vector<128x128xi1>
    %convert_element_type3A = arith.extui %or3A : vector<128x128xi1> to vector<128x128xi32>
    %convert_element_type3A_80 = arith.sitofp %convert_element_type3A : vector<128x128xi32> to vector<128x128xf32>
    %reduce_sum3A_81 = arith.constant dense<0.000000e+00> : vector<128xf32>
    %reduce_sum3A_82 = vector.multi_reduction <add>, %convert_element_type3A_80, %reduce_sum3A_81 [1] : vector<128x128xf32> to vector<128xf32>
    %broadcast_in_dim3A_83 = vector.shape_cast %reduce_sum3A_82 : vector<128xf32> to vector<128x1xf32>
    %broadcast_in_dim3A_84 = arith.constant 1.000000e+00 : f32
    %broadcast_in_dim3A_85 = vector.broadcast %broadcast_in_dim3A_84 : f32 to vector<1x128xf32>
    %mul3A_86 = vector.broadcast %broadcast_in_dim3A_83 : vector<128x1xf32> to vector<128x128xf32>
    %mul3A_87 = arith.mulf %select_n3A_66, %mul3A_86 : vector<128x128xf32>
    %dot_general3A_88 = arith.constant dense<0.000000e+00> : vector<1x128xf32>
    %dot_general3A_89 = tpu.matmul %broadcast_in_dim3A_85, %mul3A_87, %dot_general3A_88 {dimension_numbers = #tpu.dot_dimension_numbers<[1], [0], [0], [1], [0, 0, 1, 1], [], []>, precision = #tpu.contract_precision<fp32>, transpose_lhs_hint = false} : vector<1x128xf32>, vector<128x128xf32>, vector<1x128xf32> -> vector<1x128xf32>
    %broadcast_in_dim3A_90 = vector.shape_cast %dot_general3A_89 : vector<1x128xf32> to vector<1x128xf32>
    %broadcast_in_dim3A_91 = vector.broadcast %broadcast_in_dim3A_90 : vector<1x128xf32> to vector<128x128xf32>
    %broadcast_in_dim3A_92 = vector.shape_cast %broadcast_in_dim3A_83 : vector<128x1xf32> to vector<128x1xf32>
    %broadcast_in_dim3A_93 = vector.broadcast %broadcast_in_dim3A_92 : vector<128x1xf32> to vector<128x128xf32>
    %convert_element_type3A_94 = arith.sitofp %iota3A : vector<128x128xi32> to vector<128x128xf32>
    %convert_element_type3A_95 = arith.sitofp %iota3A_0 : vector<128x128xi32> to vector<128x128xf32>
    %eq3A_96 = arith.cmpf oeq, %convert_element_type3A_94, %broadcast_in_dim3A_91 : vector<128x128xf32>
    %lt3A_97 = arith.constant 56 : i32
    %lt3A_98 = vector.broadcast %lt3A_97 : i32 to vector<128x128xi32>
    %lt3A_99 = arith.cmpi slt, %iota3A, %lt3A_98 : vector<128x128xi32>
    %and3A_100 = arith.andi %eq3A_96, %lt3A_99 : vector<128x128xi1>
    %jit3A_101 = arith.constant 1.000000e+00 : f32
    %jit3A_102 = arith.constant 0.000000e+00 : f32
    %broadcast_in_dim3A_103 = vector.broadcast %jit3A_101 : f32 to vector<128x128xf32>
    %broadcast_in_dim3A_104 = vector.broadcast %jit3A_102 : f32 to vector<128x128xf32>
    %select_n3A_105 = arith.select %and3A_100, %broadcast_in_dim3A_103, %broadcast_in_dim3A_104 : vector<128x128xi1>, vector<128x128xf32>
    %eq3A_106 = arith.cmpf oeq, %broadcast_in_dim3A_93, %convert_element_type3A_95 : vector<128x128xf32>
    %lt3A_107 = arith.constant 56 : i32
    %lt3A_108 = vector.broadcast %lt3A_107 : i32 to vector<128x128xi32>
    %lt3A_109 = arith.cmpi slt, %iota3A_0, %lt3A_108 : vector<128x128xi32>
    %and3A_110 = arith.andi %eq3A_106, %lt3A_109 : vector<128x128xi1>
    %jit3A_111 = arith.constant 1.000000e+00 : f32
    %jit3A_112 = arith.constant 0.000000e+00 : f32
    %broadcast_in_dim3A_113 = vector.broadcast %jit3A_111 : f32 to vector<128x128xf32>
    %broadcast_in_dim3A_114 = vector.broadcast %jit3A_112 : f32 to vector<128x128xf32>
    %select_n3A_115 = arith.select %and3A_110, %broadcast_in_dim3A_113, %broadcast_in_dim3A_114 : vector<128x128xi1>, vector<128x128xf32>
    %dot_general3A_116 = arith.constant dense<0.000000e+00> : vector<128x1xf32>
    %dot_general3A_117 = tpu.matmul %select_n3A_105, %select_n3A_60, %dot_general3A_116 {dimension_numbers = #tpu.dot_dimension_numbers<[1], [0], [0], [1], [0, 0, 1, 1], [], []>, precision = #tpu.contract_precision<fp32>, transpose_lhs_hint = false} : vector<128x128xf32>, vector<128x1xf32>, vector<128x1xf32> -> vector<128x1xf32>
    %dot_general3A_118 = arith.constant dense<0.000000e+00> : vector<128x128xf32>
    %dot_general3A_119 = tpu.matmul %select_n3A_105, %concatenate3A, %dot_general3A_118 {dimension_numbers = #tpu.dot_dimension_numbers<[1], [0], [0], [1], [0, 0, 1, 1], [], []>, precision = #tpu.contract_precision<fp32>, transpose_lhs_hint = false} : vector<128x128xf32>, vector<128x128xf32>, vector<128x128xf32> -> vector<128x128xf32>
    %tanh3A = math.tanh %dot_general3A_117 : vector<128x1xf32>
    %mul3A_120 = vector.broadcast %tanh3A : vector<128x1xf32> to vector<128x128xf32>
    %mul3A_121 = arith.mulf %dot_general3A_119, %mul3A_120 : vector<128x128xf32>
    %dot_general3A_122 = arith.constant dense<0.000000e+00> : vector<128x128xf32>
    %dot_general3A_123 = tpu.matmul %select_n3A_105, %dot_general3A_31, %dot_general3A_122 {dimension_numbers = #tpu.dot_dimension_numbers<[1], [0], [0], [1], [0, 0, 1, 1], [], []>, precision = #tpu.contract_precision<fp32>, transpose_lhs_hint = false} : vector<128x128xf32>, vector<128x128xf32>, vector<128x128xf32> -> vector<128x128xf32>
    %dot_general3A_124 = arith.constant dense<0.000000e+00> : vector<128x128xf32>
    %dot_general3A_125 = tpu.matmul %dot_general3A_123, %select_n3A_115, %dot_general3A_124 {dimension_numbers = #tpu.dot_dimension_numbers<[1], [0], [0], [1], [0, 0, 1, 1], [], []>, precision = #tpu.contract_precision<fp32>, transpose_lhs_hint = false} : vector<128x128xf32>, vector<128x128xf32>, vector<128x128xf32> -> vector<128x128xf32>
    %iota3A_126 = tpu.iota {dimensions = array<i32: 0>} : vector<128x1xi32>
    %lt3A_127 = arith.constant 56 : i32
    %lt3A_128 = vector.broadcast %lt3A_127 : i32 to vector<128x1xi32>
    %lt3A_129 = arith.cmpi slt, %iota3A_126, %lt3A_128 : vector<128x1xi32>
    %jit3A_130 = arith.constant -3.000000e+38 : f32
    %broadcast_in_dim3A_131 = vector.shape_cast %lt3A_129 : vector<128x1xi1> to vector<128x1xi1>
    %broadcast_in_dim3A_132 = vector.broadcast %broadcast_in_dim3A_131 : vector<128x1xi1> to vector<128x128xi1>
    %broadcast_in_dim3A_133 = vector.broadcast %jit3A_130 : f32 to vector<128x128xf32>
    %select_n3A_134 = arith.select %broadcast_in_dim3A_132, %mul3A_121, %broadcast_in_dim3A_133 : vector<128x128xi1>, vector<128x128xf32>
    %reduce_max3A = arith.constant dense<0xFF800000> : vector<128xf32>
    %reduce_max3A_135 = vector.multi_reduction <maximumf>, %select_n3A_134, %reduce_max3A [0] : vector<128x128xf32> to vector<128xf32>
    %broadcast_in_dim3A_136 = vector.shape_cast %reduce_max3A_135 : vector<128xf32> to vector<1x128xf32>
    %reduce_sum3A_137 = arith.constant dense<0.000000e+00> : vector<128xf32>
    %reduce_sum3A_138 = vector.multi_reduction <add>, %mul3A_121, %reduce_sum3A_137 [0] : vector<128x128xf32> to vector<128xf32>
    %broadcast_in_dim3A_139 = vector.shape_cast %reduce_sum3A_138 : vector<128xf32> to vector<1x128xf32>
    %mul3A_140 = arith.constant 0.0178571437 : f32
    %mul3A_141 = vector.broadcast %mul3A_140 : f32 to vector<1x128xf32>
    %mul3A_142 = arith.mulf %broadcast_in_dim3A_139, %mul3A_141 : vector<1x128xf32>
    %eq3A_143 = arith.cmpi eq, %iota3A, %iota3A_0 : vector<128x128xi32>
    %lt3A_144 = arith.constant 56 : i32
    %lt3A_145 = vector.broadcast %lt3A_144 : i32 to vector<128x128xi32>
    %lt3A_146 = arith.cmpi slt, %iota3A, %lt3A_145 : vector<128x128xi32>
    %and3A_147 = arith.andi %eq3A_143, %lt3A_146 : vector<128x128xi1>
    %jit3A_148 = arith.constant 1.000000e+00 : f32
    %jit3A_149 = arith.constant 0.000000e+00 : f32
    %broadcast_in_dim3A_150 = vector.broadcast %jit3A_148 : f32 to vector<128x128xf32>
    %broadcast_in_dim3A_151 = vector.broadcast %jit3A_149 : f32 to vector<128x128xf32>
    %select_n3A_152 = arith.select %and3A_147, %broadcast_in_dim3A_150, %broadcast_in_dim3A_151 : vector<128x128xi1>, vector<128x128xf32>
    %reduce_sum3A_153 = arith.constant dense<0.000000e+00> : vector<128xf32>
    %reduce_sum3A_154 = vector.multi_reduction <add>, %dot_general3A_125, %reduce_sum3A_153 [1] : vector<128x128xf32> to vector<128xf32>
    %broadcast_in_dim3A_155 = vector.shape_cast %reduce_sum3A_154 : vector<128xf32> to vector<128x1xf32>
    %add3A_156 = arith.constant 1.000000e+00 : f32
    %add3A_157 = vector.broadcast %add3A_156 : f32 to vector<128x1xf32>
    %add3A_158 = arith.addf %broadcast_in_dim3A_155, %add3A_157 : vector<128x1xf32>
    %add3A_159 = arith.constant 9.99999971E-10 : f32
    %add3A_160 = vector.broadcast %add3A_159 : f32 to vector<128x1xf32>
    %add3A_161 = arith.addf %add3A_158, %add3A_160 : vector<128x1xf32>
    %rsqrt3A_162 = math.rsqrt %add3A_161 : vector<128x1xf32>
    %add3A_163 = arith.addf %dot_general3A_125, %select_n3A_152 : vector<128x128xf32>
    %mul3A_164 = vector.broadcast %rsqrt3A_162 : vector<128x1xf32> to vector<128x128xf32>
    %mul3A_165 = arith.mulf %add3A_163, %mul3A_164 : vector<128x128xf32>
    %eq3A_166 = arith.cmpi eq, %iota3A, %iota3A_0 : vector<128x128xi32>
    %jit3A_167 = arith.constant 1.000000e+00 : f32
    %jit3A_168 = arith.constant 0.000000e+00 : f32
    %broadcast_in_dim3A_169 = vector.broadcast %jit3A_167 : f32 to vector<128x128xf32>
    %broadcast_in_dim3A_170 = vector.broadcast %jit3A_168 : f32 to vector<128x128xf32>
    %select_n3A_171 = arith.select %eq3A_166, %broadcast_in_dim3A_169, %broadcast_in_dim3A_170 : vector<128x128xi1>, vector<128x128xf32>
    %mul3A_172 = vector.broadcast %rsqrt3A_162 : vector<128x1xf32> to vector<128x128xf32>
    %mul3A_173 = arith.mulf %select_n3A_171, %mul3A_172 : vector<128x128xf32>
    %dot_general3A_174 = arith.constant dense<0.000000e+00> : vector<128x128xf32>
    %dot_general3A_175 = tpu.matmul %mul3A_165, %mul3A_173, %dot_general3A_174 {dimension_numbers = #tpu.dot_dimension_numbers<[1], [0], [0], [1], [0, 0, 1, 1], [], []>, precision = #tpu.contract_precision<fp32>, transpose_lhs_hint = false} : vector<128x128xf32>, vector<128x128xf32>, vector<128x128xf32> -> vector<128x128xf32>
    %dot_general3A_176 = arith.constant dense<0.000000e+00> : vector<128x128xf32>
    %dot_general3A_177 = tpu.matmul %dot_general3A_175, %mul3A_121, %dot_general3A_176 {dimension_numbers = #tpu.dot_dimension_numbers<[1], [0], [0], [1], [0, 0, 1, 1], [], []>, precision = #tpu.contract_precision<fp32>, transpose_lhs_hint = false} : vector<128x128xf32>, vector<128x128xf32>, vector<128x128xf32> -> vector<128x128xf32>
    %get3A_178 = arith.constant 0 : index
    %get3A_179 = arith.constant 0 : index
    %get3A_180 = vector.load %arg5[%get3A_178, %get3A_179] : memref<128x64xf32, #tpu.memory_space<vmem>>, vector<128x64xf32>
    %dot_general3A_181 = arith.constant dense<0.000000e+00> : vector<128x64xf32>
    %dot_general3A_182 = tpu.matmul %dot_general3A_177, %get3A_180, %dot_general3A_181 {dimension_numbers = #tpu.dot_dimension_numbers<[1], [0], [0], [1], [0, 0, 1, 1], [], []>, precision = #tpu.contract_precision<fp32>, transpose_lhs_hint = false} : vector<128x128xf32>, vector<128x64xf32>, vector<128x64xf32> -> vector<128x64xf32>
    %max3A_183 = arith.constant 0.000000e+00 : f32
    %max3A_184 = vector.broadcast %max3A_183 : f32 to vector<128x64xf32>
    %max3A_185 = arith.maximumf %dot_general3A_182, %max3A_184 : vector<128x64xf32>
    %get3A_186 = arith.constant 0 : index
    %get3A_187 = arith.constant 0 : index
    %get3A_188 = vector.load %arg6[%get3A_186, %get3A_187] : memref<128x64xf32, #tpu.memory_space<vmem>>, vector<128x64xf32>
    %dot_general3A_189 = arith.constant dense<0.000000e+00> : vector<128x64xf32>
    %dot_general3A_190 = tpu.matmul %dot_general3A_177, %get3A_188, %dot_general3A_189 {dimension_numbers = #tpu.dot_dimension_numbers<[1], [0], [0], [1], [0, 0, 1, 1], [], []>, precision = #tpu.contract_precision<fp32>, transpose_lhs_hint = false} : vector<128x128xf32>, vector<128x64xf32>, vector<128x64xf32> -> vector<128x64xf32>
    %max3A_191 = arith.constant 0.000000e+00 : f32
    %max3A_192 = vector.broadcast %max3A_191 : f32 to vector<128x64xf32>
    %max3A_193 = arith.maximumf %dot_general3A_190, %max3A_192 : vector<128x64xf32>
    %concatenate3A_194 = tpu.concatenate %max3A_185, %max3A_193 in 1 : vector<128x64xf32>, vector<128x64xf32> -> vector<128x128xf32>
    %get3A_195 = arith.constant 0 : index
    %get3A_196 = arith.constant 0 : index
    %get3A_197 = vector.load %arg8[%get3A_195, %get3A_196] : memref<128x1xf32, #tpu.memory_space<vmem>>, vector<128x1xf32>
    %dot_general3A_198 = arith.constant dense<0.000000e+00> : vector<128x1xf32>
    %dot_general3A_199 = tpu.matmul %concatenate3A_194, %get3A_197, %dot_general3A_198 {dimension_numbers = #tpu.dot_dimension_numbers<[1], [0], [0], [1], [0, 0, 1, 1], [], []>, precision = #tpu.contract_precision<fp32>, transpose_lhs_hint = false} : vector<128x128xf32>, vector<128x1xf32>, vector<128x1xf32> -> vector<128x1xf32>
    %iota3A_200 = tpu.iota {dimensions = array<i32: 0>} : vector<128x1xi32>
    %lt3A_201 = arith.constant 56 : i32
    %lt3A_202 = vector.broadcast %lt3A_201 : i32 to vector<128x1xi32>
    %lt3A_203 = arith.cmpi slt, %iota3A_200, %lt3A_202 : vector<128x1xi32>
    %jit3A_204 = arith.constant -3.000000e+38 : f32
    %broadcast_in_dim3A_205 = vector.broadcast %jit3A_204 : f32 to vector<128x1xf32>
    %select_n3A_206 = arith.select %lt3A_203, %dot_general3A_199, %broadcast_in_dim3A_205 : vector<128x1xi1>, vector<128x1xf32>
    %eq3A_207 = arith.cmpi eq, %iota3A, %iota3A_0 : vector<128x128xi32>
    %jit3A_208 = arith.constant 1.000000e+00 : f32
    %jit3A_209 = arith.constant 0.000000e+00 : f32
    %broadcast_in_dim3A_210 = vector.broadcast %jit3A_208 : f32 to vector<128x128xf32>
    %broadcast_in_dim3A_211 = vector.broadcast %jit3A_209 : f32 to vector<128x128xf32>
    %select_n3A_212 = arith.select %eq3A_207, %broadcast_in_dim3A_210, %broadcast_in_dim3A_211 : vector<128x128xi1>, vector<128x128xf32>
    %broadcast_in_dim3A_213 = arith.constant 1.000000e+00 : f32
    %broadcast_in_dim3A_214 = vector.broadcast %broadcast_in_dim3A_213 : f32 to vector<1x128xf32>
    %mul3A_215 = vector.broadcast %select_n3A_206 : vector<128x1xf32> to vector<128x128xf32>
    %mul3A_216 = arith.mulf %select_n3A_212, %mul3A_215 : vector<128x128xf32>
    %dot_general3A_217 = arith.constant dense<0.000000e+00> : vector<1x128xf32>
    %dot_general3A_218 = tpu.matmul %broadcast_in_dim3A_214, %mul3A_216, %dot_general3A_217 {dimension_numbers = #tpu.dot_dimension_numbers<[1], [0], [0], [1], [0, 0, 1, 1], [], []>, precision = #tpu.contract_precision<fp32>, transpose_lhs_hint = false} : vector<1x128xf32>, vector<128x128xf32>, vector<1x128xf32> -> vector<1x128xf32>
    %broadcast_in_dim3A_219 = vector.shape_cast %dot_general3A_218 : vector<1x128xf32> to vector<1x128xf32>
    %broadcast_in_dim3A_220 = vector.broadcast %broadcast_in_dim3A_219 : vector<1x128xf32> to vector<128x128xf32>
    %broadcast_in_dim3A_221 = vector.shape_cast %select_n3A_206 : vector<128x1xf32> to vector<128x1xf32>
    %broadcast_in_dim3A_222 = vector.broadcast %broadcast_in_dim3A_221 : vector<128x1xf32> to vector<128x128xf32>
    %gt3A_223 = arith.cmpf ogt, %broadcast_in_dim3A_220, %broadcast_in_dim3A_222 : vector<128x128xf32>
    %eq3A_224 = arith.cmpf oeq, %broadcast_in_dim3A_220, %broadcast_in_dim3A_222 : vector<128x128xf32>
    %lt3A_225 = arith.cmpi slt, %iota3A_0, %iota3A : vector<128x128xi32>
    %and3A_226 = arith.andi %eq3A_224, %lt3A_225 : vector<128x128xi1>
    %or3A_227 = arith.ori %gt3A_223, %and3A_226 : vector<128x128xi1>
    %convert_element_type3A_228 = arith.extui %or3A_227 : vector<128x128xi1> to vector<128x128xi32>
    %convert_element_type3A_229 = arith.sitofp %convert_element_type3A_228 : vector<128x128xi32> to vector<128x128xf32>
    %reduce_sum3A_230 = arith.constant dense<0.000000e+00> : vector<128xf32>
    %reduce_sum3A_231 = vector.multi_reduction <add>, %convert_element_type3A_229, %reduce_sum3A_230 [1] : vector<128x128xf32> to vector<128xf32>
    %broadcast_in_dim3A_232 = vector.shape_cast %reduce_sum3A_231 : vector<128xf32> to vector<128x1xf32>
    %broadcast_in_dim3A_233 = arith.constant 1.000000e+00 : f32
    %broadcast_in_dim3A_234 = vector.broadcast %broadcast_in_dim3A_233 : f32 to vector<1x128xf32>
    %mul3A_235 = vector.broadcast %broadcast_in_dim3A_232 : vector<128x1xf32> to vector<128x128xf32>
    %mul3A_236 = arith.mulf %select_n3A_212, %mul3A_235 : vector<128x128xf32>
    %dot_general3A_237 = arith.constant dense<0.000000e+00> : vector<1x128xf32>
    %dot_general3A_238 = tpu.matmul %broadcast_in_dim3A_234, %mul3A_236, %dot_general3A_237 {dimension_numbers = #tpu.dot_dimension_numbers<[1], [0], [0], [1], [0, 0, 1, 1], [], []>, precision = #tpu.contract_precision<fp32>, transpose_lhs_hint = false} : vector<1x128xf32>, vector<128x128xf32>, vector<1x128xf32> -> vector<1x128xf32>
    %broadcast_in_dim3A_239 = vector.shape_cast %dot_general3A_238 : vector<1x128xf32> to vector<1x128xf32>
    %broadcast_in_dim3A_240 = vector.broadcast %broadcast_in_dim3A_239 : vector<1x128xf32> to vector<128x128xf32>
    %convert_element_type3A_241 = arith.sitofp %iota3A : vector<128x128xi32> to vector<128x128xf32>
    %eq3A_242 = arith.cmpf oeq, %convert_element_type3A_241, %broadcast_in_dim3A_240 : vector<128x128xf32>
    %lt3A_243 = arith.constant 28 : i32
    %lt3A_244 = vector.broadcast %lt3A_243 : i32 to vector<128x128xi32>
    %lt3A_245 = arith.cmpi slt, %iota3A, %lt3A_244 : vector<128x128xi32>
    %and3A_246 = arith.andi %eq3A_242, %lt3A_245 : vector<128x128xi1>
    %jit3A_247 = arith.constant 1.000000e+00 : f32
    %jit3A_248 = arith.constant 0.000000e+00 : f32
    %broadcast_in_dim3A_249 = vector.broadcast %jit3A_247 : f32 to vector<128x128xf32>
    %broadcast_in_dim3A_250 = vector.broadcast %jit3A_248 : f32 to vector<128x128xf32>
    %select_n3A_251 = arith.select %and3A_246, %broadcast_in_dim3A_249, %broadcast_in_dim3A_250 : vector<128x128xi1>, vector<128x128xf32>
    %dot_general3A_252 = arith.constant dense<0.000000e+00> : vector<128x1xf32>
    %dot_general3A_253 = tpu.matmul %select_n3A_251, %select_n3A_206, %dot_general3A_252 {dimension_numbers = #tpu.dot_dimension_numbers<[1], [0], [0], [1], [0, 0, 1, 1], [], []>, precision = #tpu.contract_precision<fp32>, transpose_lhs_hint = false} : vector<128x128xf32>, vector<128x1xf32>, vector<128x1xf32> -> vector<128x1xf32>
    %dot_general3A_254 = arith.constant dense<0.000000e+00> : vector<128x128xf32>
    %dot_general3A_255 = tpu.matmul %select_n3A_251, %concatenate3A_194, %dot_general3A_254 {dimension_numbers = #tpu.dot_dimension_numbers<[1], [0], [0], [1], [0, 0, 1, 1], [], []>, precision = #tpu.contract_precision<fp32>, transpose_lhs_hint = false} : vector<128x128xf32>, vector<128x128xf32>, vector<128x128xf32> -> vector<128x128xf32>
    %tanh3A_256 = math.tanh %dot_general3A_253 : vector<128x1xf32>
    %mul3A_257 = vector.broadcast %tanh3A_256 : vector<128x1xf32> to vector<128x128xf32>
    %mul3A_258 = arith.mulf %dot_general3A_255, %mul3A_257 : vector<128x128xf32>
    %lt3A_259 = arith.constant 28 : i32
    %lt3A_260 = vector.broadcast %lt3A_259 : i32 to vector<128x1xi32>
    %lt3A_261 = arith.cmpi slt, %iota3A_126, %lt3A_260 : vector<128x1xi32>
    %jit3A_262 = arith.constant -3.000000e+38 : f32
    %broadcast_in_dim3A_263 = vector.shape_cast %lt3A_261 : vector<128x1xi1> to vector<128x1xi1>
    %broadcast_in_dim3A_264 = vector.broadcast %broadcast_in_dim3A_263 : vector<128x1xi1> to vector<128x128xi1>
    %broadcast_in_dim3A_265 = vector.broadcast %jit3A_262 : f32 to vector<128x128xf32>
    %select_n3A_266 = arith.select %broadcast_in_dim3A_264, %mul3A_258, %broadcast_in_dim3A_265 : vector<128x128xi1>, vector<128x128xf32>
    %reduce_max3A_267 = arith.constant dense<0xFF800000> : vector<128xf32>
    %reduce_max3A_268 = vector.multi_reduction <maximumf>, %select_n3A_266, %reduce_max3A_267 [0] : vector<128x128xf32> to vector<128xf32>
    %broadcast_in_dim3A_269 = vector.shape_cast %reduce_max3A_268 : vector<128xf32> to vector<1x128xf32>
    %reduce_sum3A_270 = arith.constant dense<0.000000e+00> : vector<128xf32>
    %reduce_sum3A_271 = vector.multi_reduction <add>, %mul3A_258, %reduce_sum3A_270 [0] : vector<128x128xf32> to vector<128xf32>
    %broadcast_in_dim3A_272 = vector.shape_cast %reduce_sum3A_271 : vector<128xf32> to vector<1x128xf32>
    %mul3A_273 = arith.constant 0.0357142873 : f32
    %mul3A_274 = vector.broadcast %mul3A_273 : f32 to vector<1x128xf32>
    %mul3A_275 = arith.mulf %broadcast_in_dim3A_272, %mul3A_274 : vector<1x128xf32>
    %slice3A = vector.extract_strided_slice %mul3A_258 {offsets = [0, 0], sizes = [28, 128], strides = [1, 1]} : vector<128x128xf32> to vector<28x128xf32>
    %concatenate3A_276 = tpu.concatenate %slice3A, %broadcast_in_dim3A_136, %mul3A_142, %broadcast_in_dim3A_269, %mul3A_275 in 0 : vector<28x128xf32>, vector<1x128xf32>, vector<1x128xf32>, vector<1x128xf32>, vector<1x128xf32> -> vector<32x128xf32>
    %swap3A = arith.constant 0 : index
    %swap3A_277 = arith.constant 0 : index
    %swap3A_278 = arith.constant 0 : index
    %swap3A_279 = vector.load %arg9[%swap3A, %swap3A_277, %swap3A_278] : memref<1x32x128xf32, #tpu.memory_space<vmem>>, vector<1x32x128xf32>
    %swap3A_280 = vector.shape_cast %swap3A_279 : vector<1x32x128xf32> to vector<32x128xf32>
    %swap3A_281 = vector.shape_cast %concatenate3A_276 : vector<32x128xf32> to vector<1x32x128xf32>
    tpu.vector_store %arg9[%swap3A, %swap3A_277, %swap3A_278], %swap3A_281 {strides = array<i32>} : memref<1x32x128xf32, #tpu.memory_space<vmem>>, vector<1x32x128xf32>,
    return
  }
  func.func @transform_0(%arg0: i32) -> (i32, i32, i32) {
    %c0_i32 = arith.constant 0 : i32
    %c0_i32_0 = arith.constant 0 : i32
    %c0_i32_1 = arith.constant 0 : i32
    return %arg0, %c0_i32, %c0_i32_0 : i32, i32, i32
  }
  func.func @transform_1(%arg0: i32) -> (i32, i32, i32) {
    %c0_i32 = arith.constant 0 : i32
    %c0_i32_0 = arith.constant 0 : i32
    %c0_i32_1 = arith.constant 0 : i32
    return %arg0, %c0_i32, %c0_i32_0 : i32, i32, i32
  }
  func.func @transform_2(%arg0: i32) -> (i32, i32) {
    %c0_i32 = arith.constant 0 : i32
    %c0_i32_0 = arith.constant 0 : i32
    %c0_i32_1 = arith.constant 0 : i32
    return %c0_i32, %c0_i32_0 : i32, i32
  }
  func.func @transform_3(%arg0: i32) -> (i32, i32) {
    %c0_i32 = arith.constant 0 : i32
    %c0_i32_0 = arith.constant 0 : i32
    %c0_i32_1 = arith.constant 0 : i32
    return %c0_i32, %c0_i32_0 : i32, i32
  }
  func.func @transform_4(%arg0: i32) -> (i32, i32) {
    %c0_i32 = arith.constant 0 : i32
    %c0_i32_0 = arith.constant 0 : i32
    %c0_i32_1 = arith.constant 0 : i32
    return %c0_i32, %c0_i32_0 : i32, i32
  }
  func.func @transform_5(%arg0: i32) -> (i32, i32) {
    %c0_i32 = arith.constant 0 : i32
    %c0_i32_0 = arith.constant 0 : i32
    %c0_i32_1 = arith.constant 0 : i32
    return %c0_i32, %c0_i32_0 : i32, i32
  }
  func.func @transform_6(%arg0: i32) -> (i32, i32) {
    %c0_i32 = arith.constant 0 : i32
    %c0_i32_0 = arith.constant 0 : i32
    %c0_i32_1 = arith.constant 0 : i32
    return %c0_i32, %c0_i32_0 : i32, i32
  }
  func.func @transform_7(%arg0: i32) -> (i32, i32) {
    %c0_i32 = arith.constant 0 : i32
    %c0_i32_0 = arith.constant 0 : i32
    %c0_i32_1 = arith.constant 0 : i32
    return %c0_i32, %c0_i32_0 : i32, i32
  }
  func.func @transform_8(%arg0: i32) -> (i32, i32, i32) {
    %c0_i32 = arith.constant 0 : i32
    %c0_i32_0 = arith.constant 0 : i32
    %c0_i32_1 = arith.constant 0 : i32
    return %arg0, %c0_i32, %c0_i32_0 : i32, i32, i32
  }
}

module attributes {stable_mosaic.version = 14 : i64} {
  func.func @_head_body(%arg0: memref<32x4096xf32, #tpu.memory_space<vmem>>, %arg1: memref<4096x256xf32, #tpu.memory_space<vmem>>, %arg2: memref<1x256xf32, #tpu.memory_space<vmem>>, %arg3: memref<256x128xf32, #tpu.memory_space<vmem>>, %arg4: memref<1x128xf32, #tpu.memory_space<vmem>>, %arg5: memref<32x128xf32, #tpu.memory_space<vmem>>, %arg6: memref<32x128xf32, #tpu.memory_space<vmem>>) attributes {dimension_semantics = [], scalar_prefetch = 0 : i64, scratch_operands = 0 : i64, tpu.core_type = #tpu.core_type<tc>} {
    %get3A = arith.constant 0 : index
    %get3A_0 = arith.constant 0 : index
    %get3A_1 = vector.load %arg0[%get3A, %get3A_0] : memref<32x4096xf32, #tpu.memory_space<vmem>>, vector<32x4096xf32>
    %get3A_2 = arith.constant 0 : index
    %get3A_3 = arith.constant 0 : index
    %get3A_4 = vector.load %arg1[%get3A_2, %get3A_3] : memref<4096x256xf32, #tpu.memory_space<vmem>>, vector<4096x256xf32>
    %dot_general3A = arith.constant dense<0.000000e+00> : vector<32x256xf32>
    %dot_general3A_5 = tpu.matmul %get3A_1, %get3A_4, %dot_general3A {dimension_numbers = #tpu.dot_dimension_numbers<[1], [0], [0], [1], [0, 0, 1, 1], [], []>, precision = #tpu.contract_precision<fp32>, transpose_lhs_hint = false} : vector<32x4096xf32>, vector<4096x256xf32>, vector<32x256xf32> -> vector<32x256xf32>
    %get3A_6 = arith.constant 0 : index
    %get3A_7 = arith.constant 0 : index
    %get3A_8 = vector.load %arg2[%get3A_6, %get3A_7] : memref<1x256xf32, #tpu.memory_space<vmem>>, vector<1x256xf32>
    %add3A = vector.broadcast %get3A_8 : vector<1x256xf32> to vector<32x256xf32>
    %add3A_9 = arith.addf %dot_general3A_5, %add3A : vector<32x256xf32>
    %max3A = arith.constant 0.000000e+00 : f32
    %max3A_10 = vector.broadcast %max3A : f32 to vector<32x256xf32>
    %max3A_11 = arith.maximumf %add3A_9, %max3A_10 : vector<32x256xf32>
    %get3A_12 = arith.constant 0 : index
    %get3A_13 = arith.constant 0 : index
    %get3A_14 = vector.load %arg3[%get3A_12, %get3A_13] : memref<256x128xf32, #tpu.memory_space<vmem>>, vector<256x128xf32>
    %dot_general3A_15 = arith.constant dense<0.000000e+00> : vector<32x128xf32>
    %dot_general3A_16 = tpu.matmul %max3A_11, %get3A_14, %dot_general3A_15 {dimension_numbers = #tpu.dot_dimension_numbers<[1], [0], [0], [1], [0, 0, 1, 1], [], []>, precision = #tpu.contract_precision<fp32>, transpose_lhs_hint = false} : vector<32x256xf32>, vector<256x128xf32>, vector<32x128xf32> -> vector<32x128xf32>
    %get3A_17 = arith.constant 0 : index
    %get3A_18 = arith.constant 0 : index
    %get3A_19 = vector.load %arg4[%get3A_17, %get3A_18] : memref<1x128xf32, #tpu.memory_space<vmem>>, vector<1x128xf32>
    %add3A_20 = vector.broadcast %get3A_19 : vector<1x128xf32> to vector<32x128xf32>
    %add3A_21 = arith.addf %dot_general3A_16, %add3A_20 : vector<32x128xf32>
    %max3A_22 = arith.constant 0.000000e+00 : f32
    %max3A_23 = vector.broadcast %max3A_22 : f32 to vector<32x128xf32>
    %max3A_24 = arith.maximumf %add3A_21, %max3A_23 : vector<32x128xf32>
    %swap3A = arith.constant 0 : index
    %swap3A_25 = arith.constant 0 : index
    %swap3A_26 = vector.load %arg6[%swap3A, %swap3A_25] : memref<32x128xf32, #tpu.memory_space<vmem>>, vector<32x128xf32>
    tpu.vector_store %arg6[%swap3A, %swap3A_25], %max3A_24 {strides = array<i32>} : memref<32x128xf32, #tpu.memory_space<vmem>>, vector<32x128xf32>,
    %reduce_max3A = arith.constant dense<0xFF800000> : vector<32xf32>
    %reduce_max3A_27 = vector.multi_reduction <maximumf>, %max3A_24, %reduce_max3A [1] : vector<32x128xf32> to vector<32xf32>
    %broadcast_in_dim3A = vector.shape_cast %reduce_max3A_27 : vector<32xf32> to vector<32x1xf32>
    %sub3A = vector.broadcast %broadcast_in_dim3A : vector<32x1xf32> to vector<32x128xf32>
    %sub3A_28 = arith.subf %max3A_24, %sub3A : vector<32x128xf32>
    %exp3A = math.exp %sub3A_28 : vector<32x128xf32>
    %reduce_sum3A = arith.constant dense<0.000000e+00> : vector<32xf32>
    %reduce_sum3A_29 = vector.multi_reduction <add>, %exp3A, %reduce_sum3A [1] : vector<32x128xf32> to vector<32xf32>
    %broadcast_in_dim3A_30 = vector.shape_cast %reduce_sum3A_29 : vector<32xf32> to vector<32x1xf32>
    %div3A = vector.broadcast %broadcast_in_dim3A_30 : vector<32x1xf32> to vector<32x128xf32>
    %div3A_31 = arith.divf %exp3A, %div3A : vector<32x128xf32>
    %swap3A_32 = arith.constant 0 : index
    %swap3A_33 = arith.constant 0 : index
    %swap3A_34 = vector.load %arg5[%swap3A_32, %swap3A_33] : memref<32x128xf32, #tpu.memory_space<vmem>>, vector<32x128xf32>
    tpu.vector_store %arg5[%swap3A_32, %swap3A_33], %div3A_31 {strides = array<i32>} : memref<32x128xf32, #tpu.memory_space<vmem>>, vector<32x128xf32>,
    return
  }
}

</mosaic_0001>

<sc_bundles>
// kernel: kernel.6.cloned.1.call-start
scs
__scs_entry_jumppad:
0x0: {  	(pc) =	sbr.rel $0x88, $3  }
0x1: {  	(tag) =	ssettag $0x0;
	lr =	simm.s32 $0x1  }
0x2: {  	[smem:$0x3F92] =	sst lr;
	_ =	strace $0xD0000000  }
0x3: {  	_ = 	snop  }
0x4: {  	_ = 	snop  }
0x5: {  	_ = 	snop  }
0x6: {  	_ = 	snop  }
0x7: {  	_ = 	snop  }
__scs_overlays_trampoline_lowered:
0x8: {  	[smem:$0x3FA1] =	sst s0  }
0x9: {  	[smem:$0x3FA2] =	sst s1  }
0xa: {  	[smem:$0x3FA3] =	sst s2  }
0xb: {  	[smem:$0x3FA4] =	sst s3  }
0xc: {  	[smem:$0x3FA5] =	sst s4  }
0xd: {  	[smem:$0x3FA6] =	sst s5  }
0xe: {  	[smem:$0x3FA7] =	sst s6  }
0xf: {  	[smem:$0x3FA8] =	sst s7  }
0x10: {  	[smem:$0x3FA9] =	sst s8  }
0x11: {  	[smem:$0x3FAA] =	sst s9;
	s0 =	simm.s32 @!p0 $0x0  }
0x12: {  	s1 =	sld [smem:$0x3F90];
	s0 =	simm.s32 @p0 $0x1  }
0x13: {  	[smem:$0x3FAB] =	sst s0;
	s0 =	simm.s32 @!p1 $0x0  }
0x14: {  	s2 =	sld [smem:$0x3F8F];
	s0 =	simm.s32 @p1 $0x1  }
0x15: {  	[smem:$0x3FAC] =	sst s0;
	s0 =	simm.s32 @!p2 $0x0  }
0x16: {  	s3 =	sld [smem:$0x3FDB];
	s0 =	simm.s32 @p2 $0x1  }
0x17: {  	s4 =	simm.s32 $0x1BF5;
	[smem:$0x3FAE] =	sst s0  }
0x18: {  	s0 =	sld [smem:$0x3F91];
	_ =	swait.ge [sflag:s4], $0x0  }
0x19: {  	s7 =	sld [smem:$0x3F92]  }
0x1a: {  	s8 =	sadd.s32 $0xFFFFE003, lr  }
0x1b: {  	s9 =	sadd.s32 $0xFFFFFEF7, lr;
	s5 =	simm.s32 $0xFFFFFFFF;
	p2 =	slt.u32 s8, $0xFFFFF086  }
0x1c: {  	p1 =	slt.u32 s9, $0xF7A;
	s5 =	simm.s32 @!p2 $0x0  }
0x1d: {  	s5 =	simm.s32 @p1 $0x1;
	p0 =	seq.s32 s7, s2  }
0x1e: {  	s7 =	smul.u32 @!p0 $0xF7A, s2;
	p2 =	seq.s32 @!p0 s5, $0x0  }
0x1f: {  	s9 =	smul.u32 $0xF7A, s1;
	s8 =	simm.s32 @!p0 $0x1BF5;
	p2 =	por !p2, p0  }
0x20: {  	[sflag:s8] =	ssyncset.s32 @!p0 $0xFFFFF086;
	s6 =	sadd.s32 @!p0 s3, s7;
	s7 =	simm.s32 @!p0 $0x108  }
0x21: {  	s3 =	sadd.s32 s3, s9;
	s6 =	sadd.s32 @!p0 $0x88, s6;
	s7 =	simm.s32 @p2 $0x1082  }
0x22: {  	[simem:s7], [sflag:s8] =	dma.local @!p0 [hbm:s6], $0xF7A  }
0x23: {  	s9 =	sor.u32 $0xD0000000, s2;
	s6 =	simm.s32 $0x108;
	_ =	swait.ge @!p0 [sflag:s8], $0x0  }
0x24: {  	s3 =	sadd.s32 $0x88, s3;
	s6 =	simm.s32 @!p1 $0x1082;
	[sflag:s4] =	ssyncset.s32 $0xFFFFF086  }
0x25: {  	[simem:s6], [sflag:s4] =	dma.local [hbm:s3], $0xF7A  }
0x26: {  	[smem:$0x3F92] =	sst s1;
	(tag) =	ssettag s2;
	_ =	strace s9  }
0x27: {  	s1 =	sld [smem:$0x3FA2]  }
0x28: {  	s2 =	sld [smem:$0x3FA3]  }
0x29: {  	s4 =	sld [smem:$0x3FA5]  }
0x2a: {  	p0 =	seq.s32 s5, $0x0;
	s5 =	sld [smem:$0x3FA6]  }
0x2b: {  	s6 =	sld [smem:$0x3FA7]  }
0x2c: {  	s7 =	sld [smem:$0x3FA8]  }
0x2d: {  	s3 =	simm.s32 $0x108;
	s8 =	sld [smem:$0x3FA9]  }
0x2e: {  	s3 =	simm.s32 @!p0 $0x1082;
	s9 =	sld [smem:$0x3FAA]  }
0x2f: {  	lr =	sadd.s32 s0, s3;
	s0 =	sld [smem:$0x3FA1]  }
0x30: {  	s3 =	sld [smem:$0x3FA4]  }
0x31: {  	[smem:$0x3FAD] =	sst s10  }
0x32: {  	s10 =	sld [smem:$0x3FAB];
	_ =	sdelay $0x3  }
0x33: {  	p0 =	seq.s32 s10, $0x1;
	s10 =	sld [smem:$0x3FAD];
	_ =	sdelay $0x3  }
0x34: {  	[smem:$0x3FAD] =	sst s10  }
0x35: {  	s10 =	sld [smem:$0x3FAC];
	_ =	sdelay $0x3  }
0x36: {  	p1 =	seq.s32 s10, $0x1;
	s10 =	sld [smem:$0x3FAD];
	_ =	sdelay $0x3  }
0x37: {  	[smem:$0x3FAD] =	sst s10  }
0x38: {  	s10 =	sld [smem:$0x3FAE]  }
0x39: {  	_ = 	snop;
	(pc) =	sbr.ind lr, $3  }
0x3a: {  	_ = 	snop  }
0x3b: {  	_ = 	snop  }
0x3c: {  	p2 =	seq.s32 s10, $0x1;
	s10 =	sld [smem:$0x3FAD]  }
0x3d: {  	_ =	shalt  }
0x3e: {  	_ =	shalt  }
0x3f: {  	_ =	shalt  }
0x40: {  	_ =	shalt  }
0x41: {  	_ =	shalt  }
0x42: {  	_ =	shalt  }
0x43: {  	_ =	shalt  }
0x44: {  	_ =	shalt  }
0x45: {  	_ =	shalt  }
0x46: {  	_ =	shalt  }
0x47: {  	_ =	shalt  }
0x48: {  	_ =	shalt  }
0x49: {  	_ =	shalt  }
0x4a: {  	_ =	shalt  }
0x4b: {  	_ =	shalt  }
0x4c: {  	_ =	shalt  }
0x4d: {  	_ =	shalt  }
0x4e: {  	_ =	shalt  }
0x4f: {  	_ =	shalt  }
0x50: {  	_ =	shalt  }
0x51: {  	_ =	shalt  }
0x52: {  	_ =	shalt  }
0x53: {  	_ =	shalt  }
0x54: {  	_ =	shalt  }
0x55: {  	_ =	shalt  }
0x56: {  	_ =	shalt  }
0x57: {  	_ =	shalt  }
0x58: {  	_ =	shalt  }
0x59: {  	_ =	shalt  }
0x5a: {  	_ =	shalt  }
0x5b: {  	_ =	shalt  }
0x5c: {  	_ =	shalt  }
0x5d: {  	_ =	shalt  }
0x5e: {  	_ =	shalt  }
0x5f: {  	_ =	shalt  }
0x60: {  	_ =	shalt  }
0x61: {  	_ =	shalt  }
0x62: {  	_ =	shalt  }
0x63: {  	_ =	shalt  }
0x64: {  	_ =	shalt  }
0x65: {  	_ =	shalt  }
0x66: {  	_ =	shalt  }
0x67: {  	_ =	shalt  }
0x68: {  	_ =	shalt  }
0x69: {  	_ =	shalt  }
0x6a: {  	_ =	shalt  }
0x6b: {  	_ =	shalt  }
0x6c: {  	_ =	shalt  }
0x6d: {  	_ =	shalt  }
0x6e: {  	_ =	shalt  }
0x6f: {  	_ =	shalt  }
0x70: {  	_ =	shalt  }
0x71: {  	_ =	shalt  }
0x72: {  	_ =	shalt  }
0x73: {  	_ =	shalt  }
0x74: {  	_ =	shalt  }
0x75: {  	_ =	shalt  }
0x76: {  	_ =	shalt  }
0x77: {  	_ =	shalt  }
0x78: {  	_ =	shalt  }
0x79: {  	_ =	shalt  }
0x7a: {  	_ =	shalt  }
0x7b: {  	_ =	shalt  }
0x7c: {  	_ =	shalt  }
0x7d: {  	_ =	shalt  }
0x7e: {  	_ =	shalt  }
0x7f: {  	_ =	shalt  }
0x80: {  	_ =	shalt  }
0x81: {  	_ =	shalt  }
0x82: {  	_ =	shalt  }
0x83: {  	_ =	shalt  }
0x84: {  	_ =	shalt  }
0x85: {  	_ =	shalt  }
0x86: {  	_ =	shalt  }
0x87: {  	_ =	shalt  }
.Lfunc_end0:
.L_simem_size_0:
called_computation_lowered:
.L_overlay_start_0:
0x88: {  	s0 =	sld [smem:$0x3FD9]  }
0x89: {  	s1 =	sld [smem:$0x3FFE];
	_ =	sdelay $0x3  }
0x8a: {  	s0 =	sadd.s32 s1, s0  }
0x8b: {  	[smem:$0x3FB9] =	sst s0  }
0x8c: {  	_ = 	snop  }
0x8d: {  	s0 =	sld [smem:$0x3FD0];
	_ =	sdelay $0x2  }
0x8e: {  	s13 =	simm.s32 $0xA;
	s2 =	simm.s32 $0x10  }
0x8f: {  	[smem:s2], [sflag:s13] =	dma.local [hbm:s0], $0x1  }
0x90: {  	_ =	swait.eq [sflag:s13], $0x1  }
0x91: {  	[sflag:s13] =	ssyncset.done $0x0  }
0x92: {  	[sflag:s13] =	ssyncadd.s32 $0xFFFFFFFF  }
0x93: {  	s14 =	sld [smem:$0x11];
	(tm) =	ssettm $0x1  }
0x94: {  	s15 =	sld [smem:$0x3FFB];
	_ =	sdelay $0x3  }
0x95: {  	_ =	strace s15  }
0x96: {  	s1 =	sld [smem:$0x3FFC];
	_ =	sdelay $0x3  }
0x97: {  	_ =	strace s1  }
0x98: {  	s1 =	sld [smem:$0x3FFD];
	_ =	sdelay $0x3  }
0x99: {  	_ =	strace s1  }
0x9a: {  	_ =	strace $0x8FFFFFFF  }
0x9b: {  	s16 =	sld [smem:$0x3FDB];
	_ =	sdelay $0x1  }
0x9c: {  	s17 =	simm.s32 $_scs_section_size  }
0x9d: {  	s3 =	simm.s32 $_size__tile_overlayer_lowered;
	s4 =	simm.s32 $_tile_overlayer_lowered  }
0x9e: {  	s20 =	simm.s32 $0x1BFF;
	s19 =	sshll.u32 s4, $0x1;
	s1 =	sadd.s32 s17, s16  }
0x9f: {  	s5 =	simm.s32 $0x0;
	s18 =	sshll.u32 s3, $0x1;
	s3 =	sadd.s32 s19, s1  }
0xa0: {  	[timem:s5], [sflag:s20] =	dma.local [hbm:s3], s18  }
0xa1: {  	_ =	swait.ge [sflag:s20], s18  }
0xa2: {  	s2 =	ssub.s32 $0x0, s18;
	[sflag:s20] =	ssyncset.done $0x0  }
0xa3: {  	[sflag:s20] =	ssyncadd.s32 s2;
	_ =	sdelay $0x1  }
0xa4: {  	s21 =	simm.s32 $0x1B8B  }
0xa5: {  	_ =	swait.ge [sflag:s21], $0x1  }
0xa6: {  	[sflag:s21] =	ssyncset.done $0x0  }
0xa7: {  	s23 =	simm.s32 $0x1B8E;
	s22 =	sld [smem:$0x3FFE];
	[sflag:s21] =	ssyncadd.s32 $0xFFFFFFFF  }
0xa8: {  	s24 =	simm.s32 $execute0_lowered;
	[smem:$0x3FD2] =	sst s23  }
0xa9: {  	s3 =	sshll.u32 s24, $0x1;
	_ =	strace $0x80000046;
	[dreg:$0x1] =	wrdreg $0xFFFFFFFF  }
0xaa: {  	s25 =	simm.s32 $_size_execute0_lowered;
	s1 =	sadd.s32 s1, s3;
	[dreg:$0x0] =	wrdreg $0x0  }
0xab: {  	s3 =	sshll.u32 s25, $0x1;
	[dreg:$0x2] =	wrdreg s1  }
0xac: {  	[dreg:$0x3] =	wrdreg s3  }
0xad: {  	[dreg:$0x4] =	wrdreg $0xC0  }
0xae: {  	_ =	task [dreg:s5], $0x5FFFF  }
0xaf: {  	[dreg:$0x1] =	wrdreg $0xFFFFFFFF  }
0xb0: {  	[dreg:$0x0] =	wrdreg $0x60  }
0xb1: {  	[dreg:$0x2] =	wrdreg s22  }
0xb2: {  	[dreg:$0x3] =	wrdreg s14  }
0xb3: {  	[dreg:$0x4] =	wrdreg $0x0  }
0xb4: {  	[dreg:$0x5] =	wrdreg $0x80080  }
0xb5: {  	[dreg:$0x6] =	wrdreg $0x9  }
0xb6: {  	_ =	task.clear_ibuf [dreg:s5], $0x7FFFF;
	_ =	strace $0x90000046  }
0xb7: {  	s26 =	simm.s32 $0x9;
	_ =	strace $0x80000048  }
0xb8: {  	_ =	swait.ge [sflag:s26], $0x1  }
0xb9: {  	[sflag:s26] =	ssyncadd.s32 $0xFFFFFFFF  }
0xba: {  	_ =	strace $0x90000048  }
0xbb: {  	_ =	sfence  }
0xbc: {  	s28 =	sld [smem:$0x0];
	_ =	sdelay $0x1  }
0xbd: {  	s29 =	srdreg.scid  }
0xbe: {  	s30 =	sshll.u32 s29, $0xD;
	s31 =	sshrl.u32 s29, $0x2  }
0xbf: {  	s2 =	sand.u32 $0x4000, s30;
	s1 =	sand.u32 $0x1, s29;
	s0 =	sadd.s32 s31, s28  }
0xc0: {  	s1 =	sor.u32 s2, s1;
	s0 =	sshll.u32 s0, $0x11  }
0xc1: {  	s0 =	sor.u32 s0, s1  }
0xc2: {  	s0 =	sadd.s32 $0x8F2B, s0  }
0xc3: {  	[sflag:s0] =	ssyncadd.remote.s32 $0x1  }
0xc4: {  	_ =	sfence.sel $0xFFFF  }
0xc5: {  	[dreg:$0x0] =	wrdreg $0xFFFFFFFF;
	(pc) =	sbr.abs _section_cstart, $3  }
0xc6: {  	[dreg:$0x1] =	wrdreg $0xFFFFFFFF  }
0xc7: {  	_ =	task.clear_ibuf [dreg:s5], $0x2FFFF;
	_ =	strace $0x9FFFFFFF  }
0xc8: {  	(tm) =	ssettm $0x7FFFFFFF  }
0xc9: {  	_ =	shalt  }
tec
execute0_lowered:
.L_overlay_start_1:
0x0: {  	(tag) =	ssettag $0x1  }
0x1: {  	s1 =	rddreg [dreg:$0x0];
	s8 =	stileid.u32  }
0x2: {  	s2 =	rddreg [dreg:$0x1];
	s0 =	smul.u32 $0x1C00, s8  }
0x3: {  	s9 =	rddreg [dreg:$0x2]  }
0x4: {  	s10 =	rddreg [dreg:$0x3];
	s3 =	simm.s32 $0x0;
	s4 =	sshrl.u32 s0, $0x3  }
0x5: {  	s6 =	simm.s32 $0x80E8;
	[smem:$0x7FF] =	sst s3;
	s4 =	sadd.s32 s4, s1  }
0x6: {  	s28 =	simm.s32 $0x2;
	_ =	strace $0x80000047;
	s5 =	sadd.s32 $0x9400, s4  }
0x7: {  	[tilespmem:s6], [sflag:$0x2] =	stream.linear.gather [hbm4b:s5+s3], $0x1C00, $0x38;
	[tilespmem:$0x1E168] =	vst v63  }
0x8: {  	_ =	swait.ge [sflag:s28], $0x1C00  }
0x9: {  	[sflag:s28] =	ssyncset.done $0x0  }
0xa: {  	s7 =	simm.s32 $0x9CE8;
	s29 =	sadd.s32 $0x2400, s4;
	[sflag:s28] =	ssyncadd.s32 $0xFFFFE400  }
0xb: {  	[tilespmem:s7], [sflag:$0x2] =	stream.linear.gather [hbm4b:s29+s3], $0x1C00, $0x38;
	[tilespmem:$0x1E168] =	vst v63  }
0xc: {  	_ =	swait.ge [sflag:s28], $0x1C00  }
0xd: {  	[sflag:s28] =	ssyncset.done $0x0  }
0xe: {  	s30 =	simm.s32 $0xB8E8;
	s4 =	sadd.s32 $0x5C00, s4;
	[sflag:s28] =	ssyncadd.s32 $0xFFFFE400  }
0xf: {  	[tilespmem:s30], [sflag:$0x2] =	stream.linear.gather [hbm4b:s4+s3], $0x1C00, $0x38;
	[tilespmem:$0x1E168] =	vst v63  }
0x10: {  	_ =	swait.ge [sflag:s28], $0x1C00  }
0x11: {  	[sflag:s28] =	ssyncset.done $0x0  }
0x12: {  	s31 =	simm.s32 $0x1E0E8;
	[sflag:s28] =	ssyncadd.s32 $0xFFFFE400  }
0x13: {  	[tilespmem:s31], [sflag:$0x2] =	stream.linear.gather [hbm4b:s2+s3], $0x10, $0x38;
	[tilespmem:$0x1E168] =	vst v63  }
0x14: {  	_ =	swait.ge [sflag:s28], $0x10  }
0x15: {  	[sflag:s28] =	ssyncset.done $0x0  }
0x16: {  	v1 =	vimm.f32 $0.0e+00;
	s2 =	simm.s32 $0x1D128;
	[sflag:s28] =	ssyncadd.s32 $0xFFFFFFF0  }
0x17: {  	v0 =	vld [tilespmem:$0x1E0E8];
	[tilespmem:s2+$0x30] =	vst v1  }
0x18: {  	[tilespmem:s2+$0xFFFFFFF0] =	vst v1  }
0x19: {  	[tilespmem:s2+$0xFFFFFFC0] =	vst v1  }
0x1a: {  	[tilespmem:s2+$0xFFFFFFE0] =	vst v1  }
0x1b: {  	[tilespmem:s2+$0x10] =	vst v1  }
0x1c: {  	[tilespmem:s2+$0x20] =	vst v1  }
0x1d: {  	[tilespmem:s2+$0x0] =	vst v1  }
0x1e: {  	v2 =	vimm.f32 $-1.000000000e+00;
	s3 =	simm.s32 $0x1D928;
	[tilespmem:s2+$0xFFFFFFD0] =	vst v1  }
0x1f: {  	[tilespmem:s3+$0xFFFFFFC0] =	vst v2  }
0x20: {  	[tilespmem:s3+$0x30] =	vst v2  }
0x21: {  	[tilespmem:s3+$0x20] =	vst v2  }
0x22: {  	[tilespmem:s3+$0x10] =	vst v2  }
0x23: {  	[tilespmem:s3+$0xFFFFFFE0] =	vst v2  }
0x24: {  	[tilespmem:s3+$0x0] =	vst v2  }
0x25: {  	s1 =	sadd.s32 $0xCC00, s1;
	s4 =	simm.s32 $0x0;
	[tilespmem:s3+$0xFFFFFFF0] =	vst v2  }
.LBB2_1:
0x26: {  	s4 =	sadd.s32 $0x8, s4;
	[tilespmem:s3+$0xFFFFFFD0] =	vst v2;
	s2 =	sadd.s32 $0x80, s2;
	s3 =	sadd.s32 $0x80, s3  }
0x27: {  	[tilespmem:s2+$0x30] =	vst v1;
	p0 =	slt.u32 s4, $0x78  }
0x28: {  	[tilespmem:s2+$0xFFFFFFF0] =	vst v1  }
0x29: {  	[tilespmem:s2+$0xFFFFFFC0] =	vst v1  }
0x2a: {  	[tilespmem:s3+$0xFFFFFFC0] =	vst v2  }
0x2b: {  	[tilespmem:s3+$0x30] =	vst v2  }
0x2c: {  	[tilespmem:s2+$0xFFFFFFE0] =	vst v1  }
0x2d: {  	[tilespmem:s2+$0x10] =	vst v1  }
0x2e: {  	[tilespmem:s2+$0x20] =	vst v1  }
0x2f: {  	[tilespmem:s3+$0x20] =	vst v2  }
0x30: {  	[tilespmem:s3+$0x10] =	vst v2  }
.Ltmp0:
0x31: {  	[tilespmem:s3+$0xFFFFFFE0] =	vst v2;
	(pc) =	sbr.rel @p0 .LBB2_1-.Ltmp0, $4  }
0x32: {  	[tilespmem:s2+$0x0] =	vst v1  }
0x33: {  	[tilespmem:s3+$0x0] =	vst v2  }
0x34: {  	[tilespmem:s3+$0xFFFFFFF0] =	vst v2  }
0x35: {  	[tilespmem:s2+$0xFFFFFFD0] =	vst v1  }
0x36: {  	s2 =	sshll.u32 s8, $0xF  }
0x37: {  	[tilespmem:s3+$0xFFFFFFD0] =	vst v2;
	s15 =	simm.s32 $0x1D8E8;
	s16 =	simm.s32 $0x2;
	s4 =	sadd.s32 s2, s9  }
0x38: {  	[spmem:s4] =	stream.linear.scatter [tilespmem:s15], [sflag:$0x2], $0x800, $0x38;
	[tilespmem:$0x1E168] =	vst v63  }
0x39: {  	_ =	swait.ge [sflag:s16], $0x800  }
0x3a: {  	s5 =	sadd.s32 $0x800, s4;
	[sflag:s16] =	ssyncset.done $0x0  }
0x3b: {  	[dreg:$0x6] =	wrdreg s5;
	[sflag:s16] =	ssyncadd.s32 $0xFFFFF800  }
0x3c: {  	[spmem:s5] =	stream.linear.scatter [tilespmem:s15], [sflag:$0x2], $0x800, $0x38;
	[tilespmem:$0x1E168] =	vst v63  }
0x3d: {  	_ =	swait.ge [sflag:s16], $0x800  }
0x3e: {  	s17 =	sadd.s32 $0x1000, s4;
	[sflag:s16] =	ssyncset.done $0x0  }
0x3f: {  	[dreg:$0x7] =	wrdreg s17;
	[sflag:s16] =	ssyncadd.s32 $0xFFFFF800  }
0x40: {  	[spmem:s17] =	stream.linear.scatter [tilespmem:s15], [sflag:$0x2], $0x800, $0x38;
	[tilespmem:$0x1E168] =	vst v63  }
0x41: {  	_ =	swait.ge [sflag:s16], $0x800  }
0x42: {  	s18 =	sadd.s32 $0x1800, s4;
	[sflag:s16] =	ssyncset.done $0x0  }
0x43: {  	[dreg:$0x8] =	wrdreg s18;
	[sflag:s16] =	ssyncadd.s32 $0xFFFFF800  }
0x44: {  	[spmem:s18] =	stream.linear.scatter [tilespmem:s15], [sflag:$0x2], $0x800, $0x38;
	[tilespmem:$0x1E168] =	vst v63  }
0x45: {  	_ =	swait.ge [sflag:s16], $0x800  }
0x46: {  	s19 =	sadd.s32 $0x2000, s4;
	[sflag:s16] =	ssyncset.done $0x0  }
0x47: {  	[dreg:$0x9] =	wrdreg s19;
	[sflag:s16] =	ssyncadd.s32 $0xFFFFF800  }
0x48: {  	[spmem:s19] =	stream.linear.scatter [tilespmem:s15], [sflag:$0x2], $0x800, $0x38;
	[tilespmem:$0x1E168] =	vst v63  }
0x49: {  	_ =	swait.ge [sflag:s16], $0x800  }
0x4a: {  	s20 =	sadd.s32 $0x2800, s4;
	[sflag:s16] =	ssyncset.done $0x0  }
0x4b: {  	[dreg:$0xa] =	wrdreg s20;
	[sflag:s16] =	ssyncadd.s32 $0xFFFFF800  }
0x4c: {  	[spmem:s20] =	stream.linear.scatter [tilespmem:s15], [sflag:$0x2], $0x800, $0x38;
	[tilespmem:$0x1E168] =	vst v63  }
0x4d: {  	_ =	swait.ge [sflag:s16], $0x800  }
0x4e: {  	s21 =	sadd.s32 $0x3000, s4;
	[sflag:s16] =	ssyncset.done $0x0  }
0x4f: {  	[dreg:$0xb] =	wrdreg s21;
	[sflag:s16] =	ssyncadd.s32 $0xFFFFF800  }
0x50: {  	[spmem:s21] =	stream.linear.scatter [tilespmem:s15], [sflag:$0x2], $0x800, $0x38;
	[tilespmem:$0x1E168] =	vst v63  }
0x51: {  	_ =	swait.ge [sflag:s16], $0x800  }
0x52: {  	s22 =	sadd.s32 $0x3800, s4;
	[sflag:s16] =	ssyncset.done $0x0  }
0x53: {  	[dreg:$0xc] =	wrdreg s22;
	[sflag:s16] =	ssyncadd.s32 $0xFFFFF800  }
0x54: {  	[spmem:s22] =	stream.linear.scatter [tilespmem:s15], [sflag:$0x2], $0x800, $0x38;
	[tilespmem:$0x1E168] =	vst v63  }
0x55: {  	_ =	swait.ge [sflag:s16], $0x800  }
0x56: {  	s23 =	sadd.s32 $0x4000, s4;
	[sflag:s16] =	ssyncset.done $0x0  }
0x57: {  	[dreg:$0xd] =	wrdreg s23;
	[sflag:s16] =	ssyncadd.s32 $0xFFFFF800  }
0x58: {  	[spmem:s23] =	stream.linear.scatter [tilespmem:s15], [sflag:$0x2], $0x800, $0x38;
	[tilespmem:$0x1E168] =	vst v63  }
0x59: {  	_ =	swait.ge [sflag:s16], $0x800  }
0x5a: {  	s24 =	sadd.s32 $0x4800, s4;
	[sflag:s16] =	ssyncset.done $0x0  }
0x5b: {  	[dreg:$0xe] =	wrdreg s24;
	[sflag:s16] =	ssyncadd.s32 $0xFFFFF800  }
0x5c: {  	[spmem:s24] =	stream.linear.scatter [tilespmem:s15], [sflag:$0x2], $0x800, $0x38;
	[tilespmem:$0x1E168] =	vst v63  }
0x5d: {  	_ =	swait.ge [sflag:s16], $0x800  }
0x5e: {  	s25 =	sadd.s32 $0x5000, s4;
	[sflag:s16] =	ssyncset.done $0x0  }
0x5f: {  	[dreg:$0xf] =	wrdreg s25;
	[sflag:s16] =	ssyncadd.s32 $0xFFFFF800  }
0x60: {  	[spmem:s25] =	stream.linear.scatter [tilespmem:s15], [sflag:$0x2], $0x800, $0x38;
	[tilespmem:$0x1E168] =	vst v63  }
0x61: {  	_ =	swait.ge [sflag:s16], $0x800  }
0x62: {  	s26 =	sadd.s32 $0x5800, s4;
	[sflag:s16] =	ssyncset.done $0x0  }
0x63: {  	[dreg:$0x10] =	wrdreg s26;
	[sflag:s16] =	ssyncadd.s32 $0xFFFFF800  }
0x64: {  	[spmem:s26] =	stream.linear.scatter [tilespmem:s15], [sflag:$0x2], $0x800, $0x38;
	[tilespmem:$0x1E168] =	vst v63  }
0x65: {  	_ =	swait.ge [sflag:s16], $0x800  }
0x66: {  	s28 =	sadd.s32 $0x6000, s4;
	[sflag:s16] =	ssyncset.done $0x0  }
0x67: {  	[dreg:$0x11] =	wrdreg s28;
	[sflag:s16] =	ssyncadd.s32 $0xFFFFF800  }
0x68: {  	[spmem:s28] =	stream.linear.scatter [tilespmem:s15], [sflag:$0x2], $0x800, $0x38;
	[tilespmem:$0x1E168] =	vst v63  }
0x69: {  	_ =	swait.ge [sflag:s16], $0x800  }
0x6a: {  	s29 =	sadd.s32 $0x6800, s4;
	[sflag:s16] =	ssyncset.done $0x0  }
0x6b: {  	[dreg:$0x12] =	wrdreg s29;
	[sflag:s16] =	ssyncadd.s32 $0xFFFFF800  }
0x6c: {  	[spmem:s29] =	stream.linear.scatter [tilespmem:s15], [sflag:$0x2], $0x800, $0x38;
	[tilespmem:$0x1E168] =	vst v63  }
0x6d: {  	_ =	swait.ge [sflag:s16], $0x800  }
0x6e: {  	s30 =	sadd.s32 $0x7000, s4;
	[sflag:s16] =	ssyncset.done $0x0  }
0x6f: {  	[dreg:$0x13] =	wrdreg s30;
	[sflag:s16] =	ssyncadd.s32 $0xFFFFF800  }
0x70: {  	[spmem:s30] =	stream.linear.scatter [tilespmem:s15], [sflag:$0x2], $0x800, $0x38;
	[tilespmem:$0x1E168] =	vst v63  }
0x71: {  	_ =	swait.ge [sflag:s16], $0x800  }
0x72: {  	[dreg:$0x5] =	wrdreg s4;
	s4 =	sadd.s32 $0x7800, s4;
	[sflag:s16] =	ssyncset.done $0x0  }
0x73: {  	[dreg:$0x14] =	wrdreg s4;
	[sflag:s16] =	ssyncadd.s32 $0xFFFFF800  }
0x74: {  	[spmem:s4] =	stream.linear.scatter [tilespmem:s15], [sflag:$0x2], $0x800, $0x38;
	[tilespmem:$0x1E168] =	vst v63  }
0x75: {  	_ =	swait.ge [sflag:s16], $0x800  }
0x76: {  	p0 =	sne.s32 s8, $0x0;
	[sflag:s16] =	ssyncset.done $0x0  }
0x77: {  	s3 =	sadd.s32 $0x80000, s9;
	s2 =	simm.s32 @!p0 $0x1D8E8;
	[sflag:s16] =	ssyncadd.s32 $0xFFFFF800  }
0x78: {  	[spmem:s3] =	stream.linear.scatter @!p0 [tilespmem:s2], [sflag:$0x2], $0x80, $0x38;
	[tilespmem:$0x1E168] =	vst v63  }
0x79: {  	[dreg:$0x15] =	wrdreg s3;
	s2 =	simm.s32 @!p0 $0x2  }
0x7a: {  	_ =	swait.ge @!p0 [sflag:s2], $0x80  }
0x7b: {  	s31 =	sshll.u32 s8, $0xC;
	[sflag:s2] =	ssyncset.done @!p0 $0x0  }
0x7c: {  	s0 =	sadd.s32 $0x70, s0;
	s3 =	simm.s32 @!p0 $0x1D0E8;
	[sflag:s2] =	ssyncadd.s32 @!p0 $0xFFFFFF80  }
0x7d: {  	[spmem:s10] =	stream.linear.scatter @!p0 [tilespmem:s3], [sflag:$0x2], $0x800, $0x38;
	[tilespmem:$0x1E168] =	vst v63  }
0x7e: {  	s7 =	simm.s32 $0xD528;
	s8 =	simm.s32 $0xF128;
	_ =	swait.ge @!p0 [sflag:s2], $0x800  }
0x7f: {  	v1 =	vimm.s32 $0xECA86420;
	s6 =	simm.s32 $0x1B528;
	s1 =	sadd.s32 s1, s31;
	[sflag:s2] =	ssyncset.done @!p0 $0x0  }
0x80: {  	vm0 =	vcmask $0xB08;
	vm1 =	vcmask $0x1310;
	vm2 =	vcmask $0x1B18;
	s9 =	simm.s32 $0x10D28;
	s4 =	sadd.s32 @!p0 $0x800, s10;
	[sflag:s2] =	ssyncadd.s32 @!p0 $0xFFFFF800  }
0x81: {  	vm3 =	vcmask $0x300;
	vm4 =	vcmask $0x2320;
	vm5 =	vcmask $0x2B28;
	[spmem:s4] =	stream.linear.scatter @!p0 [tilespmem:s3], [sflag:$0x2], $0x600, $0x38;
	[tilespmem:$0x1E168] =	vst v63  }
0x82: {  	vm6 =	vcmask $0x3330;
	v2 =	vunpack.c.l.s4.s8 v1;
	v1 =	vlaneseq.u32;
	s15 =	simm.s32 $0x8128;
	_ =	swait.ge @!p0 [sflag:s2], $0x600;
	[dreg:$0x16] =	wrdreg s1  }
0x83: {  	vm7 =	vcmask $0x3B38;
	vm8 =	vmmov $0xff;
	v3 =	vmul.u32 $0x2, v1;
	s10 =	simm.s32 $0xB928;
	[dreg:$0x17] =	wrdreg s0;
	[sflag:s2] =	ssyncset.done @!p0 $0x0  }
0x84: {  	v4 =	vor.u32 $0x80000, v1;
	v5 =	vor.u32 $0xDE0, v1;
	v2 =	vunpack.c.0.s8.s32 v2;
	s0 =	simm.s32 $0xFFFFFFF8;
	s1 =	simm.s32 $0x9D28;
	[sflag:s2] =	ssyncadd.s32 @!p0 $0xFFFFFA00  }
.LBB2_3:
0x85: {  	v9 =	vld [tilespmem:s1+$0xFFFFFFC0];
	_ =	sdelay $0x4  }
0x86: {  	(v2sf) =	vpush v9, $0xD;
	_ =	sdelay $0x1  }
0x87: {  	(v2sf) =	vpush v9, $0xC  }
0x88: {  	(v2sf) =	vpush v9, $0xE;
	_ =	sdelay $0x2  }
0x89: {  	(v2sf) =	vpush v9, $0xF;
	_ =	sdelay $0x1  }
0x8a: {  	(v2sf) =	vpush v9, $0x9  }
0x8b: {  	(v2sf) =	vpush v9, $0x8;
	_ =	sdelay $0x2  }
0x8c: {  	(v2sf) =	vpush v9, $0xA;
	_ =	sdelay $0x1  }
0x8d: {  	[dreg:$0x1c] =	wrdreg s7;
	(v2sf) =	vpush v9, $0xB  }
0x8e: {  	[dreg:$0x18] =	wrdreg s0;
	(v2sf) =	vpush v9, $0x1;
	s0 =	spop (v2sf)  }
0x8f: {  	[dreg:$0x19] =	wrdreg s1;
	s7 =	sshra.s32 s0, $0x1F  }
0x90: {  	v7 =	vld [tilespmem:s1+$0xFFFFFFD0];
	s2 =	spop (v2sf);
	s1 =	smul.u32 $0x939A85C5, s7  }
0x91: {  	[dreg:$0x1d] =	wrdreg s8;
	(v2sf) =	vpush v9, $0x0;
	s8 =	sshra.s32 s2, $0x1F;
	s13 =	spop (v2sf)  }
0x92: {  	s3 =	sshra.s32 s13, $0x1F;
	[smem:$0x77D] =	sst s1;
	s1 =	smul.u32 $0x939A85C5, s8  }
0x93: {  	[dreg:$0x1f] =	wrdreg s9;
	(v2sf) =	vpush v9, $0x2;
	s3 =	smul.u32 $0x939A85C5, s3  }
0x94: {  	(v2sf) =	vpush v9, $0x3;
	[smem:$0x77E] =	sst s1;
	s1 =	spop (v2sf)  }
0x95: {  	[smem:$0x77F] =	sst s3;
	s9 =	sshra.s32 s1, $0x1F  }
0x96: {  	(v2sf) =	vpush v9, $0x4;
	s4 =	spop (v2sf);
	s3 =	smul.u32 $0x939A85C5, s9  }
0x97: {  	[dreg:$0x1b] =	wrdreg s10;
	s10 =	sshra.s32 s4, $0x1F;
	s5 =	spop (v2sf)  }
0x98: {  	s11 =	sshra.s32 s5, $0x1F;
	[smem:$0x780] =	sst s3;
	s3 =	smul.u32 $0x939A85C5, s10  }
0x99: {  	[dreg:$0x1e] =	wrdreg s6;
	(v2sf) =	vpush v9, $0x5;
	s6 =	smul.u32 $0x939A85C5, s11  }
0x9a: {  	(v2sf) =	vpush v9, $0x6;
	[smem:$0x781] =	sst s3;
	s3 =	spop (v2sf)  }
0x9b: {  	[smem:$0x782] =	sst s6;
	s12 =	sshra.s32 s3, $0x1F  }
0x9c: {  	s6 =	spop (v2sf);
	s7 =	smul.u32 $0x939A85C5, s12  }
0x9d: {  	[dreg:$0x1a] =	wrdreg s15;
	(v2sf) =	vpush v9, $0x7;
	s14 =	sshra.s32 s6, $0x1F;
	s22 =	spop (v2sf)  }
0x9e: {  	(v2sf) =	vpush v7, $0xD;
	s15 =	sshra.s32 s22, $0x1F;
	[smem:$0x783] =	sst s7;
	s7 =	smul.u32 $0x939A85C5, s14  }
0x9f: {  	(v2sf) =	vpush v7, $0xC;
	s8 =	smul.u32 $0x939A85C5, s15  }
0xa0: {  	(v2sf) =	vpush v7, $0xE;
	[smem:$0x784] =	sst s7;
	s7 =	spop (v2sf)  }
0xa1: {  	[smem:$0x785] =	sst s8;
	s16 =	sshra.s32 s7, $0x1F  }
0xa2: {  	s10 =	spop (v2sf);
	s8 =	smul.u32 $0x939A85C5, s16  }
0xa3: {  	(v2sf) =	vpush v7, $0xF;
	s17 =	sshra.s32 s10, $0x1F;
	s28 =	spop (v2sf)  }
0xa4: {  	(v2sf) =	vpush v7, $0x9;
	[smem:$0x786] =	sst s8;
	s8 =	smul.u32 $0x939A85C5, s17  }
0xa5: {  	(v2sf) =	vpush v7, $0x8;
	s18 =	sshra.s32 s28, $0x1F;
	s21 =	spop (v2sf)  }
0xa6: {  	(v2sf) =	vpush v7, $0xA;
	s20 =	sshra.s32 s21, $0x1F;
	[smem:$0x787] =	sst s8;
	s8 =	smul.u32 $0x939A85C5, s18  }
0xa7: {  	s9 =	smul.u32 $0x939A85C5, s20  }
0xa8: {  	[smem:$0x788] =	sst s8;
	s8 =	spop (v2sf)  }
0xa9: {  	(v2sf) =	vpush v7, $0xB;
	s23 =	sshra.s32 s8, $0x1F;
	s12 =	spop (v2sf)  }
0xaa: {  	(v2sf) =	vpush v7, $0x1;
	[smem:$0x789] =	sst s9;
	s9 =	smul.u32 $0x939A85C5, s23;
	s14 =	sshra.s32 s12, $0x1F  }
0xab: {  	s19 =	rddreg [dreg:$0x19];
	s11 =	smul.u32 $0x939A85C5, s14  }
0xac: {  	[smem:$0x78A] =	sst s9;
	s9 =	spop (v2sf)  }
0xad: {  	(v2sf) =	vpush v7, $0x0;
	[smem:$0x78B] =	sst s11;
	s24 =	sshra.s32 s9, $0x1F;
	s14 =	spop (v2sf)  }
0xae: {  	s25 =	smul.u32 $0x939A85C5, s24;
	s26 =	sshra.s32 s14, $0x1F;
	s29 =	spop (v2sf)  }
0xaf: {  	(v2sf) =	vpush v7, $0x2;
	s30 =	smul.u32 $0x939A85C5, s26;
	s16 =	sshra.s32 s29, $0x1F;
	s15 =	spop (v2sf)  }
0xb0: {  	(v2sf) =	vpush v7, $0x3;
	[smem:$0x78C] =	sst s25;
	s31 =	smul.u32 $0x939A85C5, s16;
	s11 =	sshra.s32 s15, $0x1F  }
0xb1: {  	[smem:$0x78D] =	sst s30;
	s16 =	smul.u32 $0x939A85C5, s11  }
0xb2: {  	v6 =	vld [tilespmem:s19+$0xFFFFFFE0];
	s30 =	spop (v2sf);
	[smem:$0x78E] =	sst s31  }
0xb3: {  	(v2sf) =	vpush v7, $0x4;
	s17 =	sshra.s32 s30, $0x1F;
	[smem:$0x78F] =	sst s16;
	s16 =	spop (v2sf)  }
0xb4: {  	(v2sf) =	vpush v7, $0x5;
	s17 =	smul.u32 $0x939A85C5, s17;
	s18 =	sshra.s32 s16, $0x1F;
	s31 =	spop (v2sf)  }
0xb5: {  	(v2sf) =	vpush v7, $0x6;
	s19 =	smul.u32 $0x939A85C5, s18;
	s20 =	sshra.s32 s31, $0x1F;
	s25 =	spop (v2sf)  }
0xb6: {  	(v2sf) =	vpush v7, $0x7;
	s23 =	smul.u32 $0x939A85C5, s20;
	s24 =	sshra.s32 s25, $0x1F  }
0xb7: {  	(v2sf) =	vpush v6, $0xD;
	s26 =	smul.u32 $0x939A85C5, s24  }
0xb8: {  	(v2sf) =	vpush v6, $0xC;
	[smem:$0x792] =	sst s23;
	s23 =	spop (v2sf)  }
0xb9: {  	(v2sf) =	vpush v6, $0xE;
	[smem:$0x793] =	sst s26;
	s11 =	sshra.s32 s23, $0x1F;
	s26 =	spop (v2sf)  }
0xba: {  	(v2sf) =	vpush v6, $0xF;
	[smem:$0x790] =	sst s17;
	s17 =	smul.u32 $0x939A85C5, s11;
	s18 =	sshra.s32 s26, $0x1F  }
0xbb: {  	(v2sf) =	vpush v6, $0x9;
	[smem:$0x791] =	sst s19;
	s18 =	smul.u32 $0x939A85C5, s18  }
0xbc: {  	(v2sf) =	vpush v6, $0x8;
	[smem:$0x794] =	sst s17;
	s17 =	spop (v2sf)  }
0xbd: {  	(v2sf) =	vpush v6, $0xA;
	[smem:$0x795] =	sst s18;
	s19 =	sshra.s32 s17, $0x1F  }
0xbe: {  	(v2sf) =	vpush v6, $0xB;
	s20 =	spop (v2sf);
	s18 =	smul.u32 $0x939A85C5, s19  }
0xbf: {  	(v2sf) =	vpush v6, $0x1;
	[smem:$0x796] =	sst s20;
	s19 =	sshra.s32 s20, $0x1F;
	s24 =	spop (v2sf)  }
0xc0: {  	(v2sf) =	vpush v6, $0x0;
	s19 =	smul.u32 $0x939A85C5, s19;
	s20 =	sshra.s32 s24, $0x1F;
	[smem:$0x798] =	sst s18  }
0xc1: {  	(v2sf) =	vpush v6, $0x2;
	[smem:$0x797] =	sst s24;
	s11 =	smul.u32 $0x939A85C5, s20  }
0xc2: {  	[smem:$0x799] =	sst s19;
	s19 =	spop (v2sf)  }
0xc3: {  	[smem:$0x79A] =	sst s11;
	s20 =	spop (v2sf)  }
0xc4: {  	s24 =	sshra.s32 s19, $0x1F;
	[smem:$0x79B] =	sst s20  }
0xc5: {  	s24 =	smul.u32 $0x939A85C5, s24;
	s18 =	spop (v2sf);
	s11 =	sshra.s32 s20, $0x1F  }
0xc6: {  	[smem:$0x79C] =	sst s18;
	s11 =	smul.u32 $0x939A85C5, s11  }
0xc7: {  	s18 =	sshra.s32 s18, $0x1F;
	[smem:$0x79D] =	sst s24;
	s24 =	spop (v2sf)  }
0xc8: {  	s20 =	smul.u32 $0x939A85C5, s18;
	[smem:$0x79E] =	sst s11  }
0xc9: {  	[smem:$0x79F] =	sst s24  }
0xca: {  	s11 =	spop (v2sf);
	[smem:$0x7A0] =	sst s20  }
0xcb: {  	s18 =	sshra.s32 s24, $0x1F;
	[smem:$0x7A1] =	sst s11  }
0xcc: {  	s24 =	smul.u32 $0x939A85C5, s18;
	s18 =	sshra.s32 s11, $0x1F;
	s11 =	spop (v2sf)  }
0xcd: {  	[smem:$0x7A2] =	sst s11;
	s20 =	smul.u32 $0x939A85C5, s18  }
0xce: {  	s11 =	sshra.s32 s11, $0x1F;
	[smem:$0x7A3] =	sst s24;
	s24 =	spop (v2sf)  }
0xcf: {  	s11 =	smul.u32 $0x939A85C5, s11;
	[smem:$0x7A4] =	sst s20  }
0xd0: {  	[smem:$0x7A5] =	sst s24  }
0xd1: {  	s24 =	sshra.s32 s24, $0x1F;
	[smem:$0x7A6] =	sst s11  }
0xd2: {  	s11 =	spop (v2sf);
	s18 =	smul.u32 $0x939A85C5, s24  }
0xd3: {  	[smem:$0x7A7] =	sst s11  }
0xd4: {  	[smem:$0x7A9] =	sst s18;
	s18 =	sshra.s32 s11, $0x1F  }
0xd5: {  	(v2sf) =	vpush v6, $0x3;
	s11 =	spop (v2sf);
	s24 =	smul.u32 $0x939A85C5, s18  }
0xd6: {  	[smem:$0x7A8] =	sst s11;
	s18 =	sshra.s32 s11, $0x1F;
	s11 =	spop (v2sf)  }
0xd7: {  	[smem:$0x7AA] =	sst s24;
	s24 =	smul.u32 $0x939A85C5, s18;
	s18 =	sshra.s32 s11, $0x1F  }
0xd8: {  	(v2sf) =	vpush v6, $0x4;
	[smem:$0x7AB] =	sst s11;
	s20 =	smul.u32 $0x939A85C5, s18  }
0xd9: {  	[smem:$0x7AC] =	sst s24;
	s24 =	spop (v2sf)  }
0xda: {  	[smem:$0x7AD] =	sst s24  }
0xdb: {  	[smem:$0x7AF] =	sst s20;
	s18 =	sshra.s32 s24, $0x1F;
	s24 =	spop (v2sf)  }
0xdc: {  	(v2sf) =	vpush v6, $0x5;
	[smem:$0x7AE] =	sst s24;
	s20 =	smul.u32 $0x939A85C5, s18  }
0xdd: {  	s11 =	sshra.s32 s24, $0x1F;
	s18 =	spop (v2sf);
	s24 =	rddreg [dreg:$0x19]  }
0xde: {  	[smem:$0x7B1] =	sst s18;
	s11 =	smul.u32 $0x939A85C5, s11  }
0xdf: {  	v8 =	vld [tilespmem:s24+$0xFFFFFFF0];
	s18 =	sshra.s32 s18, $0x1F;
	s24 =	spop (v2sf);
	[smem:$0x7B0] =	sst s20  }
0xe0: {  	[smem:$0x7B3] =	sst s24;
	s20 =	smul.u32 $0x939A85C5, s18  }
0xe1: {  	s18 =	sshra.s32 s24, $0x1F;
	s24 =	spop (v2sf);
	[smem:$0x7B2] =	sst s11  }
0xe2: {  	[smem:$0x7B4] =	sst s24  }
0xe3: {  	[smem:$0x7B5] =	sst s20  }
0xe4: {  	s20 =	smul.u32 $0x939A85C5, s18;
	s18 =	sshra.s32 s24, $0x1F;
	s24 =	spop (v2sf)  }
0xe5: {  	(v2sf) =	vpush v6, $0x6;
	[smem:$0x7B7] =	sst s24  }
0xe6: {  	[smem:$0x7B6] =	sst s20;
	s20 =	smul.u32 $0x939A85C5, s18;
	s18 =	sshra.s32 s24, $0x1F  }
0xe7: {  	s24 =	spop (v2sf);
	s11 =	smul.u32 $0x939A85C5, s18  }
0xe8: {  	[smem:$0x7B9] =	sst s24;
	s18 =	smulhi.u32 $0x939A85C5, s0  }
0xe9: {  	[smem:$0x7B8] =	sst s20  }
0xea: {  	s20 =	smulhi.u32 $0x939A85C5, s2;
	s0 =	ssub.s32 s18, s0;
	s18 =	sld [smem:$0x77D]  }
0xeb: {  	[smem:$0x7BB] =	sst s11;
	s11 =	sshra.s32 s24, $0x1F;
	s24 =	spop (v2sf)  }
0xec: {  	(v2sf) =	vpush v6, $0x7;
	s11 =	smul.u32 $0x939A85C5, s11;
	[smem:$0x7BA] =	sst s24  }
0xed: {  	s0 =	sadd.s32 s18, s0;
	s18 =	sld [smem:$0x77E]  }
0xee: {  	s2 =	ssub.s32 s20, s2;
	s20 =	smulhi.u32 $0x939A85C5, s1;
	[smem:$0x7BC] =	sst s11  }
0xef: {  	s24 =	sshra.s32 s24, $0x1F;
	[smem:$0x7C6] =	sst s0;
	s0 =	smulhi.u32 $0x939A85C5, s13  }
0xf0: {  	s2 =	sadd.s32 s18, s2;
	s18 =	smul.u32 $0x939A85C5, s24;
	s24 =	sld [smem:$0x77F]  }
0xf1: {  	s11 =	smulhi.u32 $0x939A85C5, s4;
	s0 =	ssub.s32 s0, s13;
	s13 =	sld [smem:$0x780]  }
0xf2: {  	[smem:$0x7C4] =	sst s2  }
0xf3: {  	(v2sf) =	vpush v8, $0xD;
	s2 =	ssub.s32 s20, s1;
	s1 =	ssub.s32 s11, s4;
	s4 =	sld [smem:$0x783]  }
0xf4: {  	s20 =	spop (v2sf);
	[smem:$0x7BD] =	sst s18;
	s0 =	sadd.s32 s24, s0  }
0xf5: {  	s18 =	smulhi.u32 $0x939A85C5, s5;
	s24 =	sshra.s32 s20, $0x1F;
	[smem:$0x7C9] =	sst s0  }
0xf6: {  	s0 =	sadd.s32 s13, s2;
	s2 =	smulhi.u32 $0x939A85C5, s3;
	s13 =	sld [smem:$0x781]  }
0xf7: {  	[smem:$0x7CE] =	sst s0;
	s0 =	ssub.s32 s18, s5;
	s18 =	smul.u32 $0x939A85C5, s24  }
0xf8: {  	s24 =	sld [smem:$0x782]  }
0xf9: {  	s2 =	ssub.s32 s2, s3;
	[smem:$0x7BE] =	sst s18  }
0xfa: {  	s3 =	smulhi.u32 $0x939A85C5, s6;
	s1 =	sadd.s32 s13, s1;
	s18 =	sld [smem:$0x784]  }
0xfb: {  	s13 =	spop (v2sf);
	[smem:$0x7CA] =	sst s1;
	s0 =	sadd.s32 s24, s0  }
0xfc: {  	s1 =	ssub.s32 s3, s6;
	s6 =	smulhi.u32 $0x939A85C5, s7;
	s3 =	sld [smem:$0x785]  }
0xfd: {  	s11 =	sshra.s32 s13, $0x1F;
	[smem:$0x7C7] =	sst s0;
	s0 =	sadd.s32 s4, s2  }
0xfe: {  	(v2sf) =	vpush v8, $0xC;
	s24 =	smul.u32 $0x939A85C5, s11;
	[smem:$0x7CC] =	sst s0  }
0xff: {  	s1 =	sadd.s32 s18, s1;
	s4 =	ssub.s32 s6, s7;
	s6 =	sld [smem:$0x786]  }
0x100: {  	s5 =	smulhi.u32 $0x939A85C5, s22;
	[smem:$0x7CF] =	sst s1  }
0x101: {  	[smem:$0x7BF] =	sst s24  }
0x102: {  	s11 =	spop (v2sf);
	s0 =	ssub.s32 s5, s22;
	s24 =	sld [smem:$0x787]  }
0x103: {  	s5 =	smulhi.u32 $0x939A85C5, s10;
	s0 =	sadd.s32 s3, s0;
	s3 =	sld [smem:$0x78B]  }
0x104: {  	(v2sf) =	vpush v8, $0xE;
	s7 =	smulhi.u32 $0x939A85C5, s28;
	[smem:$0x7C3] =	sst s0  }
0x105: {  	s18 =	smulhi.u32 $0x939A85C5, s21;
	s1 =	ssub.s32 s5, s10;
	s5 =	sld [smem:$0x788]  }
0x106: {  	s22 =	sshra.s32 s11, $0x1F;
	s10 =	sld [smem:$0x789];
	s0 =	sadd.s32 s6, s4  }
0x107: {  	s4 =	smul.u32 $0x939A85C5, s22;
	[smem:$0x7C2] =	sst s0  }
0x108: {  	s6 =	ssub.s32 s18, s21;
	s1 =	sadd.s32 s24, s1;
	s24 =	sld [smem:$0x78A]  }
0x109: {  	(v2sf) =	vpush v8, $0xF;
	s18 =	smulhi.u32 $0x939A85C5, s12;
	s0 =	ssub.s32 s7, s28;
	[smem:$0x7C5] =	sst s1  }
0x10a: {  	s7 =	smulhi.u32 $0x939A85C5, s8;
	[smem:$0x7C0] =	sst s4;
	s0 =	sadd.s32 s5, s0  }
0x10b: {  	s21 =	smulhi.u32 $0x939A85C5, s9;
	[smem:$0x7C8] =	sst s0  }
0x10c: {  	s0 =	sadd.s32 s10, s6;
	s1 =	ssub.s32 s7, s8;
	s7 =	sld [smem:$0x78C]  }
0x10d: {  	s5 =	spop (v2sf);
	[smem:$0x7CB] =	sst s0  }
0x10e: {  	s4 =	ssub.s32 s21, s9;
	s0 =	ssub.s32 s18, s12;
	s12 =	sld [smem:$0x78D]  }
0x10f: {  	s6 =	smulhi.u32 $0x939A85C5, s14;
	s1 =	sadd.s32 s24, s1;
	s24 =	sld [smem:$0x78F]  }
0x110: {  	s9 =	smulhi.u32 $0x939A85C5, s15;
	s22 =	sshra.s32 s5, $0x1F;
	[smem:$0x7CD] =	sst s1  }
0x111: {  	s28 =	smul.u32 $0x939A85C5, s22;
	s1 =	ssub.s32 s6, s14;
	s14 =	sld [smem:$0x78E]  }
0x112: {  	s8 =	smulhi.u32 $0x939A85C5, s29;
	s6 =	sld [smem:$0x791]  }
0x113: {  	(v2sf) =	vpush v8, $0x9;
	s18 =	spop (v2sf);
	s0 =	sadd.s32 s3, s0;
	[smem:$0x7C1] =	sst s28  }
0x114: {  	s22 =	smulhi.u32 $0x939A85C5, s30;
	s10 =	sshra.s32 s18, $0x1F;
	[smem:$0x7D0] =	sst s0  }
0x115: {  	s0 =	sadd.s32 s7, s4;
	s21 =	smul.u32 $0x939A85C5, s10;
	s4 =	sld [smem:$0x790]  }
0x116: {  	s28 =	smulhi.u32 $0x939A85C5, s16;
	[smem:$0x7D3] =	sst s0  }
0x117: {  	s10 =	smulhi.u32 $0x939A85C5, s25;
	s1 =	sadd.s32 s12, s1;
	s12 =	sld [smem:$0x792]  }
0x118: {  	s0 =	ssub.s32 s8, s29;
	s8 =	spop (v2sf);
	[smem:$0x7D4] =	sst s1  }
0x119: {  	s0 =	sadd.s32 s14, s0;
	s1 =	ssub.s32 s22, s30;
	s22 =	sld [smem:$0x793]  }
0x11a: {  	s29 =	smulhi.u32 $0x939A85C5, s31;
	s30 =	sshra.s32 s8, $0x1F;
	[smem:$0x7D1] =	sst s0  }
0x11b: {  	s15 =	ssub.s32 s9, s15;
	s9 =	smul.u32 $0x939A85C5, s30;
	s30 =	sld [smem:$0x797]  }
0x11c: {  	s0 =	sadd.s32 s24, s15;
	s1 =	sadd.s32 s4, s1;
	s4 =	sld [smem:$0x79E]  }
0x11d: {  	s14 =	smulhi.u32 $0x939A85C5, s23;
	[smem:$0x7D6] =	sst s0  }
0x11e: {  	s15 =	smulhi.u32 $0x939A85C5, s26;
	[smem:$0x7DA] =	sst s1  }
0x11f: {  	s0 =	ssub.s32 s28, s16;
	s1 =	ssub.s32 s10, s25;
	s28 =	sld [smem:$0x796]  }
0x120: {  	s0 =	sadd.s32 s6, s0;
	s24 =	ssub.s32 s15, s26;
	s26 =	sld [smem:$0x795]  }
0x121: {  	s25 =	smulhi.u32 $0x939A85C5, s17;
	s1 =	sadd.s32 s22, s1;
	[smem:$0x7DB] =	sst s0  }
0x122: {  	(v2sf) =	vpush v8, $0x8;
	s7 =	ssub.s32 s29, s31;
	s6 =	spop (v2sf);
	[smem:$0x7DD] =	sst s1  }
0x123: {  	s0 =	sadd.s32 s12, s7;
	s1 =	ssub.s32 s25, s17;
	s17 =	sld [smem:$0x799]  }
0x124: {  	s16 =	sshra.s32 s6, $0x1F;
	[smem:$0x7D8] =	sst s0  }
0x125: {  	s31 =	smulhi.u32 $0x939A85C5, s30;
	s0 =	ssub.s32 s14, s23;
	s23 =	sld [smem:$0x794]  }
0x126: {  	s12 =	smul.u32 $0x939A85C5, s16;
	s16 =	sld [smem:$0x798]  }
0x127: {  	s25 =	sld [smem:$0x79B]  }
0x128: {  	(v2sf) =	vpush v8, $0xA;
	s22 =	ssub.s32 s31, s30;
	s31 =	sld [smem:$0x79D]  }
0x129: {  	s0 =	sadd.s32 s23, s0;
	s1 =	sadd.s32 s16, s1;
	s16 =	sld [smem:$0x79F]  }
0x12a: {  	[smem:$0x7DF] =	sst s0  }
0x12b: {  	(v2sf) =	vpush v8, $0xB;
	s29 =	smulhi.u32 $0x939A85C5, s28;
	[smem:$0x7D2] =	sst s1  }
0x12c: {  	s23 =	smulhi.u32 $0x939A85C5, s19;
	s0 =	sadd.s32 s26, s24;
	s24 =	sld [smem:$0x79A]  }
0x12d: {  	[smem:$0x7D5] =	sst s0  }
0x12e: {  	s0 =	ssub.s32 s29, s28;
	s1 =	ssub.s32 s23, s19;
	s28 =	sld [smem:$0x79C]  }
0x12f: {  	s0 =	sadd.s32 s17, s0;
	s1 =	sadd.s32 s31, s1;
	s31 =	sld [smem:$0x7A3]  }
0x130: {  	[smem:$0x7D7] =	sst s0  }
0x131: {  	s14 =	spop (v2sf);
	[smem:$0x7DC] =	sst s1  }
0x132: {  	(v2sf) =	vpush v8, $0x1;
	s26 =	smulhi.u32 $0x939A85C5, s25;
	s0 =	sadd.s32 s24, s22;
	s24 =	sld [smem:$0x7A0]  }
0x133: {  	s19 =	smulhi.u32 $0x939A85C5, s16;
	[smem:$0x7D9] =	sst s0  }
0x134: {  	s10 =	sshra.s32 s14, $0x1F;
	s0 =	ssub.s32 s26, s25;
	s25 =	sld [smem:$0x7A1]  }
0x135: {  	s15 =	smul.u32 $0x939A85C5, s10;
	s1 =	ssub.s32 s19, s16;
	s16 =	sld [smem:$0x7A5]  }
0x136: {  	s29 =	smulhi.u32 $0x939A85C5, s28;
	s0 =	sadd.s32 s4, s0;
	s4 =	sld [smem:$0x7A4]  }
0x137: {  	s17 =	spop (v2sf);
	[smem:$0x7DE] =	sst s0  }
0x138: {  	s1 =	sadd.s32 s31, s1;
	s10 =	ssub.s32 s29, s28;
	s28 =	sld [smem:$0x7A2]  }
0x139: {  	[smem:$0x7E2] =	sst s1;
	s0 =	sadd.s32 s24, s10;
	s26 =	smulhi.u32 $0x939A85C5, s25  }
0x13a: {  	s30 =	sshra.s32 s17, $0x1F;
	s23 =	spop (v2sf);
	[smem:$0x7E0] =	sst s0  }
0x13b: {  	s19 =	smulhi.u32 $0x939A85C5, s16;
	s0 =	ssub.s32 s26, s25;
	s25 =	sld [smem:$0x7A6]  }
0x13c: {  	s22 =	smul.u32 $0x939A85C5, s30;
	s26 =	sld [smem:$0x7A7]  }
0x13d: {  	s29 =	smulhi.u32 $0x939A85C5, s28;
	s1 =	ssub.s32 s19, s16;
	s19 =	sld [smem:$0x7AA]  }
0x13e: {  	s30 =	sshra.s32 s23, $0x1F;
	s0 =	sadd.s32 s4, s0;
	s4 =	sld [smem:$0x7B1]  }
0x13f: {  	s24 =	smul.u32 $0x939A85C5, s30;
	s10 =	ssub.s32 s29, s28;
	s29 =	sld [smem:$0x7A8]  }
0x140: {  	[smem:$0x7E3] =	sst s0;
	s28 =	smulhi.u32 $0x939A85C5, s26  }
0x141: {  	s0 =	sadd.s32 s25, s10;
	s25 =	spop (v2sf);
	s10 =	sld [smem:$0x7A9]  }
0x142: {  	[smem:$0x7E1] =	sst s0;
	s31 =	sshra.s32 s25, $0x1F;
	s30 =	smulhi.u32 $0x939A85C5, s29  }
0x143: {  	s0 =	ssub.s32 s28, s26;
	s26 =	smul.u32 $0x939A85C5, s31;
	s31 =	sld [smem:$0x7AC]  }
0x144: {  	s1 =	sadd.s32 s10, s1;
	s10 =	sld [smem:$0x7AE]  }
0x145: {  	s0 =	sadd.s32 s19, s0;
	s28 =	ssub.s32 s30, s29;
	s29 =	sld [smem:$0x7AB]  }
0x146: {  	[smem:$0x7E9] =	sst s0;
	s0 =	sadd.s32 s31, s28  }
0x147: {  	(v2sf) =	vpush v8, $0x0;
	[smem:$0x7EA] =	sst s0  }
0x148: {  	s0 =	sld [smem:$0x7AD];
	s30 =	smulhi.u32 $0x939A85C5, s29  }
0x149: {  	(v2sf) =	vpush v8, $0x2;
	[smem:$0x7E6] =	sst s1  }
0x14a: {  	s19 =	smulhi.u32 $0x939A85C5, s10;
	s1 =	ssub.s32 s30, s29;
	s30 =	sld [smem:$0x7AF]  }
0x14b: {  	s31 =	sld [smem:$0x7B0];
	s7 =	smulhi.u32 $0x939A85C5, s0  }
0x14c: {  	s16 =	sld [smem:$0x7B3];
	s3 =	ssub.s32 s19, s10  }
0x14d: {  	s10 =	sld [smem:$0x7B2];
	s0 =	ssub.s32 s7, s0;
	s1 =	sadd.s32 s30, s1  }
0x14e: {  	(v2sf) =	vpush v8, $0x3;
	s7 =	smulhi.u32 $0x939A85C5, s4;
	s0 =	sadd.s32 s31, s0;
	[smem:$0x7E8] =	sst s1  }
0x14f: {  	[smem:$0x7EC] =	sst s0  }
0x150: {  	s1 =	ssub.s32 s7, s4;
	s7 =	sld [smem:$0x7B4]  }
0x151: {  	s19 =	smulhi.u32 $0x939A85C5, s16;
	s0 =	sadd.s32 s10, s3;
	s10 =	sld [smem:$0x7B5]  }
0x152: {  	[smem:$0x7EE] =	sst s0  }
0x153: {  	(v2sf) =	vpush v8, $0x4;
	s0 =	ssub.s32 s19, s16;
	s19 =	sld [smem:$0x7B6]  }
0x154: {  	s2 =	smulhi.u32 $0x939A85C5, s7;
	s1 =	sadd.s32 s10, s1;
	s10 =	sld [smem:$0x7B8]  }
0x155: {  	[smem:$0x7E4] =	sst s1  }
0x156: {  	s28 =	spop (v2sf);
	s1 =	ssub.s32 s2, s7;
	s2 =	sld [smem:$0x7B7]  }
0x157: {  	s29 =	sshra.s32 s28, $0x1F  }
0x158: {  	s30 =	spop (v2sf);
	s3 =	sld [smem:$0x7BB];
	s16 =	sadd.s32 s19, s0  }
0x159: {  	s0 =	sadd.s32 s10, s1;
	s1 =	sld [smem:$0x7BA];
	s4 =	smulhi.u32 $0x939A85C5, s2  }
0x15a: {  	(v2sf) =	vpush v8, $0x5;
	s29 =	smul.u32 $0x939A85C5, s29;
	s31 =	sshra.s32 s30, $0x1F;
	s19 =	rddreg [dreg:$0x19]  }
0x15b: {  	s31 =	smul.u32 $0x939A85C5, s31;
	s7 =	sld [smem:$0x7B9];
	s2 =	ssub.s32 s4, s2  }
0x15c: {  	[smem:$0x7E5] =	sst s0;
	s4 =	smulhi.u32 $0x939A85C5, s1;
	s2 =	sadd.s32 s3, s2  }
0x15d: {  	s10 =	spop (v2sf);
	[smem:$0x7E7] =	sst s2  }
0x15e: {  	v10 =	vld [tilespmem:s19+$0x0];
	s19 =	smulhi.u32 $0x939A85C5, s7;
	s3 =	ssub.s32 s4, s1;
	s4 =	sld [smem:$0x7BD]  }
0x15f: {  	s0 =	sshra.s32 s10, $0x1F;
	s2 =	sld [smem:$0x7BC];
	s1 =	smulhi.u32 $0x939A85C5, s20  }
0x160: {  	s19 =	ssub.s32 s19, s7;
	s7 =	smul.u32 $0x939A85C5, s0  }
0x161: {  	(v2sf) =	vpush v8, $0x6;
	s1 =	ssub.s32 s1, s20;
	s0 =	sadd.s32 s4, s3;
	s4 =	sld [smem:$0x7BE]  }
0x162: {  	s20 =	smulhi.u32 $0x939A85C5, s11;
	s19 =	sadd.s32 s2, s19;
	s3 =	spop (v2sf)  }
0x163: {  	s2 =	smulhi.u32 $0x939A85C5, s13;
	[smem:$0x7EB] =	sst s0;
	s0 =	sshra.s32 s3, $0x1F  }
0x164: {  	(v2sf) =	vpush v8, $0x7;
	s11 =	ssub.s32 s20, s11;
	s1 =	sadd.s32 s4, s1;
	s4 =	sld [smem:$0x7BF]  }
0x165: {  	s20 =	smulhi.u32 $0x939A85C5, s5;
	s2 =	ssub.s32 s2, s13;
	s13 =	sld [smem:$0x7C0]  }
0x166: {  	s0 =	smul.u32 $0x939A85C5, s0;
	[smem:$0x7ED] =	sst s1  }
0x167: {  	(v2sf) =	vpush v10, $0xD;
	s1 =	sadd.s32 s4, s2;
	s2 =	ssub.s32 s20, s5;
	s5 =	smulhi.u32 $0x939A85C5, s8  }
0x168: {  	s20 =	sld [smem:$0x7C1];
	s4 =	smulhi.u32 $0x939A85C5, s6  }
0x169: {  	[smem:$0x7EF] =	sst s1;
	s1 =	sadd.s32 s13, s11;
	s11 =	spop (v2sf)  }
0x16a: {  	(v2sf) =	vpush v10, $0xC;
	[smem:$0x7F2] =	sst s1;
	s1 =	smulhi.u32 $0x939A85C5, s18  }
0x16b: {  	s13 =	sshra.s32 s11, $0x1F;
	s2 =	sadd.s32 s20, s2;
	s20 =	smulhi.u32 $0x939A85C5, s25  }
0x16c: {  	[smem:$0x7F0] =	sst s2;
	s2 =	smul.u32 $0x939A85C5, s13  }
0x16d: {  	s1 =	ssub.s32 s1, s18;
	s18 =	smulhi.u32 $0x939A85C5, s23  }
0x16e: {  	s1 =	sadd.s32 s21, s1;
	s21 =	ssub.s32 s5, s8;
	s8 =	smulhi.u32 $0x939A85C5, s14  }
0x16f: {  	s5 =	ssub.s32 s4, s6;
	[smem:$0x7F3] =	sst s1;
	s1 =	sadd.s32 s9, s21  }
0x170: {  	s21 =	spop (v2sf);
	s9 =	smulhi.u32 $0x939A85C5, s17;
	s5 =	sadd.s32 s12, s5  }
0x171: {  	(v2sf) =	vpush v10, $0xE;
	s6 =	ssub.s32 s18, s23;
	[smem:$0x7F7] =	sst s1;
	s13 =	sshra.s32 s21, $0x1F  }
0x172: {  	[smem:$0x7F5] =	sst s5;
	s1 =	ssub.s32 s8, s14;
	s12 =	smulhi.u32 $0x939A85C5, s21  }
0x173: {  	s14 =	spop (v2sf);
	s5 =	smul.u32 $0x939A85C5, s13;
	s1 =	sadd.s32 s15, s1  }
0x174: {  	(v2sf) =	vpush v10, $0xF;
	s17 =	ssub.s32 s9, s17;
	s23 =	sshra.s32 s14, $0x1F;
	s18 =	smulhi.u32 $0x939A85C5, s14  }
0x175: {  	[smem:$0x7F4] =	sst s1;
	s1 =	sadd.s32 s22, s17;
	s22 =	smulhi.u32 $0x939A85C5, s28  }
0x176: {  	(v2sf) =	vpush v10, $0x9;
	s15 =	smul.u32 $0x939A85C5, s23;
	s17 =	spop (v2sf)  }
0x177: {  	[smem:$0x7F8] =	sst s1;
	s1 =	ssub.s32 s20, s25;
	s4 =	sshra.s32 s17, $0x1F  }
0x178: {  	s1 =	sadd.s32 s26, s1;
	s26 =	ssub.s32 s22, s28;
	s28 =	smulhi.u32 $0x939A85C5, s30  }
0x179: {  	s13 =	spop (v2sf);
	s4 =	smul.u32 $0x939A85C5, s4  }
0x17a: {  	s22 =	sshra.s32 s13, $0x1F;
	s20 =	sadd.s32 s29, s26;
	s29 =	smulhi.u32 $0x939A85C5, s10  }
0x17b: {  	(v2sf) =	vpush v10, $0x8;
	s6 =	sadd.s32 s24, s6;
	s23 =	smul.u32 $0x939A85C5, s22  }
0x17c: {  	[smem:$0x7FA] =	sst s6;
	s26 =	smulhi.u32 $0x939A85C5, s17  }
0x17d: {  	(v2sf) =	vpush v10, $0xA;
	s25 =	ssub.s32 s18, s14;
	s6 =	ssub.s32 s28, s30;
	s30 =	smulhi.u32 $0x939A85C5, s3  }
0x17e: {  	(v2sf) =	vpush v10, $0xB;
	[smem:$0x7F1] =	sst s1;
	s1 =	ssub.s32 s29, s10;
	s10 =	smulhi.u32 $0x939A85C5, s11  }
0x17f: {  	s28 =	smulhi.u32 $0x939A85C5, s13;
	s6 =	sadd.s32 s31, s6;
	s9 =	ssub.s32 s30, s3  }
0x180: {  	(v2sf) =	vpush v10, $0x1;
	s0 =	sadd.s32 s0, s9;
	s3 =	ssub.s32 s10, s11;
	s29 =	spop (v2sf)  }
0x181: {  	(v2sf) =	vpush v10, $0x0;
	[smem:$0x7F6] =	sst s0;
	s24 =	sadd.s32 s2, s3;
	s0 =	ssub.s32 s12, s21  }
0x182: {  	s3 =	ssub.s32 s26, s17;
	s30 =	smulhi.u32 $0x939A85C5, s29;
	s31 =	sshra.s32 s29, $0x1F  }
0x183: {  	(v2sf) =	vpush v10, $0x2;
	s9 =	spop (v2sf);
	s17 =	sadd.s32 s4, s3;
	s3 =	smul.u32 $0x939A85C5, s31  }
0x184: {  	s8 =	sadd.s32 s7, s1;
	s0 =	sadd.s32 s5, s0;
	s12 =	smulhi.u32 $0x939A85C5, s9  }
0x185: {  	s14 =	sshra.s32 s9, $0x1F;
	s21 =	spop (v2sf);
	[smem:$0x7F9] =	sst s0  }
0x186: {  	s0 =	sadd.s32 s15, s25;
	s10 =	ssub.s32 s30, s29;
	s22 =	smulhi.u32 $0x939A85C5, s21  }
0x187: {  	[smem:$0x7FB] =	sst s0;
	s0 =	ssub.s32 s28, s13;
	s13 =	sadd.s32 s3, s10  }
0x188: {  	s18 =	ssub.s32 s12, s9;
	s28 =	rddreg [dreg:$0x19];
	s15 =	sadd.s32 s23, s0  }
0x189: {  	(v2sf) =	vpush v10, $0x3;
	[smem:$0x7FC] =	sst s13;
	s0 =	smul.u32 $0x939A85C5, s14;
	s23 =	sshra.s32 s21, $0x1F  }
0x18a: {  	s25 =	spop (v2sf);
	s2 =	ssub.s32 s22, s21;
	s26 =	smul.u32 $0x939A85C5, s23  }
0x18b: {  	s14 =	rddreg [dreg:$0x17];
	s29 =	sshra.s32 s25, $0x1F;
	s31 =	smulhi.u32 $0x939A85C5, s25  }
0x18c: {  	s30 =	spop (v2sf);
	s0 =	sadd.s32 s0, s18;
	s1 =	smul.u32 $0x939A85C5, s29  }
0x18d: {  	s11 =	spop (v2sf);
	s3 =	sshra.s32 s30, $0x1F;
	s18 =	smulhi.u32 $0x939A85C5, s30  }
0x18e: {  	[smem:$0x7FD] =	sst s0;
	s23 =	sadd.s32 s26, s2;
	s5 =	smul.u32 $0x939A85C5, s3  }
0x18f: {  	(v2sf) =	vpush v10, $0x4;
	s7 =	ssub.s32 s31, s25;
	s22 =	spop (v2sf);
	s31 =	smulhi.u32 $0x939A85C5, s11  }
0x190: {  	(v2sf) =	vpush v10, $0x5;
	v11 =	vld [tilespmem:s28+$0x10];
	s3 =	sld [smem:$0x7C3];
	s28 =	sshra.s32 s22, $0x1F;
	s26 =	spop (v2sf)  }
0x191: {  	(v2sf) =	vpush v10, $0x6;
	s12 =	sadd.s32 s1, s7;
	s2 =	ssub.s32 s18, s30;
	s30 =	sld [smem:$0x7C2]  }
0x192: {  	s18 =	sld [smem:$0x7C4];
	s25 =	spop (v2sf);
	s13 =	sadd.s32 s5, s2  }
0x193: {  	s2 =	sadd.s32 $0xFFFFFF90, s14;
	s0 =	ssub.s32 s31, s11;
	s31 =	sld [smem:$0x7C5]  }
0x194: {  	s7 =	smul.u32 $0x939A85C5, s28;
	s1 =	sshra.s32 s25, $0x1F;
	v20 =	vmov s2;
	v17 =	vor.u32 s2, v1;
	s2 =	sld [smem:$0x7C7];
	v12 =	vmov s30  }
0x195: {  	s28 =	smul.u32 $0x939A85C5, s1;
	s1 =	sld [smem:$0x7C6];
	v12 =	vnsel vm3, $0x0, v12  }
0x196: {  	s9 =	sshra.s32 s11, $0x1F;
	v12 =	vsel vm0, s3, v12;
	s3 =	sld [smem:$0x7C8]  }
0x197: {  	s10 =	smul.u32 $0x939A85C5, s9;
	v13 =	vmov s18;
	s18 =	sld [smem:$0x7CA]  }
0x198: {  	s30 =	spop (v2sf);
	v12 =	vsel vm1, s31, v12;
	v13 =	vsel vm0, s1, v13;
	s1 =	sld [smem:$0x7CB]  }
0x199: {  	s5 =	smulhi.u32 $0x939A85C5, s22;
	s9 =	sshra.s32 s30, $0x1F;
	v12 =	vsel vm2, s3, v12;
	s3 =	sld [smem:$0x7CD]  }
0x19a: {  	s21 =	smul.u32 $0x939A85C5, s9;
	s9 =	sld [smem:$0x7C9]  }
0x19b: {  	s29 =	sshra.s32 s26, $0x1F;
	v14 =	vmov s2;
	s2 =	sld [smem:$0x7CC];
	v12 =	vsel vm4, s1, v12  }
0x19c: {  	s4 =	smul.u32 $0x939A85C5, s29;
	s11 =	ssub.s32 s5, s22;
	v12 =	vsel vm5, s3, v12;
	s3 =	sld [smem:$0x7D1]  }
0x19d: {  	s22 =	smulhi.u32 $0x939A85C5, s26;
	v13 =	vsel vm1, s9, v13;
	s9 =	sadd.s32 s7, s11;
	s7 =	sld [smem:$0x7CE]  }
0x19e: {  	s29 =	spop (v2sf);
	v14 =	vsel vm0, s18, v14;
	s18 =	sld [smem:$0x7CF]  }
0x19f: {  	s22 =	ssub.s32 s22, s26;
	s31 =	spop (v2sf);
	v62 =	vmov s3;
	s3 =	sld [smem:$0x7D4]  }
0x1a0: {  	s22 =	sadd.s32 s4, s22;
	v14 =	vsel vm1, s2, v14;
	s4 =	spop (v2sf);
	v21 =	vsel vm2, s7, v13;
	s7 =	sld [smem:$0x7D2]  }
0x1a1: {  	s2 =	sld [smem:$0x7D0];
	v28 =	vsel vm2, s18, v14;
	s18 =	sshra.s32 s4, $0x1F  }
0x1a2: {  	(v2sf) =	vpush v10, $0x7;
	v18 =	vsel vm0, s3, v62;
	s3 =	smul.u32 $0x939A85C5, s18;
	s18 =	sld [smem:$0x7D5]  }
0x1a3: {  	s26 =	smulhi.u32 $0x939A85C5, s25;
	v63 =	vmov s7  }
0x1a4: {  	(v2sf) =	vpush v11, $0xD;
	v12 =	vsel vm6, s2, v12;
	s2 =	sld [smem:$0x7D3];
	s7 =	sadd.s32 $0xFFFFFFA0, s14;
	v22 =	vnsel vm3, $0x0, v63  }
0x1a5: {  	s25 =	ssub.s32 s26, s25;
	s26 =	smulhi.u32 $0x939A85C5, s30;
	v24 =	vmov s7;
	v13 =	vsel vm0, s18, v22;
	v22 =	vor.u32 s7, v1;
	s7 =	sld [smem:$0x7D6]  }
0x1a6: {  	_ = 	snop  }
0x1a7: {  	s30 =	ssub.s32 s26, s30;
	s26 =	smulhi.u32 $0x939A85C5, s29;
	s18 =	sld [smem:$0x7D7]  }
0x1a8: {  	(v2sf) =	vpush v11, $0xC;
	v19 =	vsel vm7, s2, v12;
	v12 =	vsel vm1, s7, v18;
	s7 =	sadd.s32 s28, s25;
	s25 =	sadd.s32 s21, s30;
	s30 =	sld [smem:$0x7D9]  }
0x1a9: {  	s5 =	sshra.s32 s29, $0x1F;
	s21 =	ssub.s32 s26, s29;
	s29 =	sld [smem:$0x7DC]  }
0x1aa: {  	v13 =	vsel vm1, s18, v13  }
0x1ab: {  	v13 =	vsel vm2, s30, v13  }
0x1ac: {  	v13 =	vsel vm4, s29, v13;
	s29 =	sld [smem:$0x7DE]  }
0x1ad: {  	s28 =	sld [smem:$0x7D8]  }
0x1ae: {  	s18 =	sld [smem:$0x7DA]  }
0x1af: {  	(v2sf) =	vpush v11, $0xE;
	s11 =	smul.u32 $0x939A85C5, s5;
	s5 =	sshra.s32 s31, $0x1F;
	v13 =	vsel vm5, s29, v13;
	s29 =	sld [smem:$0x7E0]  }
0x1b0: {  	s5 =	smul.u32 $0x939A85C5, s5;
	v23 =	vmov s28;
	s28 =	sld [smem:$0x7DB]  }
0x1b1: {  	s2 =	spop (v2sf);
	v27 =	vsel vm2, s18, v12;
	s18 =	sld [smem:$0x7DD]  }
0x1b2: {  	s1 =	sshra.s32 s2, $0x1F;
	s26 =	smulhi.u32 $0x939A85C5, s31;
	v29 =	vsel vm6, s29, v13;
	s29 =	sld [smem:$0x7E1]  }
0x1b3: {  	v30 =	vmov s16;
	s16 =	sadd.s32 $0xFFFFFFB0, s14;
	v43 =	vmov s15;
	s15 =	rddreg [dreg:$0x1a];
	s1 =	smul.u32 $0x939A85C5, s1;
	v26 =	vsel vm0, s28, v23  }
0x1b4: {  	(v2sf) =	vpush v11, $0xF;
	s26 =	ssub.s32 s26, s31;
	s30 =	spop (v2sf);
	v12 =	vsel vm1, s18, v26;
	s18 =	sld [smem:$0x7DF]  }
0x1b5: {  	s28 =	sadd.s32 s11, s21;
	v31 =	vmov s29;
	s29 =	sadd.s32 s5, s26;
	s26 =	sld [smem:$0x7E3]  }
0x1b6: {  	s11 =	smulhi.u32 $0x939A85C5, s4;
	s21 =	sshra.s32 s30, $0x1F;
	s5 =	sld [smem:$0x7E4]  }
0x1b7: {  	s10 =	sadd.s32 s10, s0;
	(v2sf) =	vpush v11, $0x9;
	s0 =	spop (v2sf);
	s31 =	smul.u32 $0x939A85C5, s21  }
0x1b8: {  	v18 =	vor.u32 s16, v1;
	v23 =	vmov s16;
	s16 =	sld [smem:$0x7E6];
	s4 =	ssub.s32 s11, s4;
	s11 =	smulhi.u32 $0x939A85C5, s2;
	v13 =	vnsel vm3, $0x0, v30  }
0x1b9: {  	v36 =	vsel vm2, s18, v12;
	s18 =	sshra.s32 s0, $0x1F;
	v34 =	vsel vm0, s26, v31;
	v13 =	vsel vm0, s5, v13;
	s5 =	smulhi.u32 $0x939A85C5, s30;
	s26 =	sld [smem:$0x7E5]  }
0x1ba: {  	s21 =	sadd.s32 s3, s4;
	s3 =	smul.u32 $0x939A85C5, s18;
	s18 =	sld [smem:$0x7E2]  }
0x1bb: {  	(v2sf) =	vpush v11, $0x8;
	s2 =	ssub.s32 s11, s2;
	s11 =	ssub.s32 s5, s30;
	s30 =	sld [smem:$0x7E8]  }
0x1bc: {  	v39 =	vmov s20;
	s20 =	sadd.s32 $0xFFFFFFC0, s14;
	v13 =	vsel vm1, s26, v13;
	s26 =	sld [smem:$0x7E7]  }
0x1bd: {  	v16 =	vmov s20;
	v14 =	vor.u32 s20, v1;
	s20 =	sld [smem:$0x7F2];
	v35 =	vsel vm7, s18, v29;
	s18 =	sadd.s32 s1, s2;
	s1 =	smulhi.u32 $0x939A85C5, s0  }
0x1be: {  	s2 =	spop (v2sf);
	v12 =	vsel vm1, s16, v34;
	s16 =	sadd.s32 s31, s11;
	s31 =	sld [smem:$0x7EB]  }
0x1bf: {  	v37 =	vmov s30;
	s30 =	sld [smem:$0x7EA];
	v13 =	vsel vm2, s26, v13;
	s26 =	sshra.s32 s2, $0x1F  }
0x1c0: {  	(v2sf) =	vpush v11, $0xA;
	s0 =	ssub.s32 s1, s0;
	s1 =	smul.u32 $0x939A85C5, s26;
	s26 =	sld [smem:$0x7E9]  }
0x1c1: {  	s5 =	smulhi.u32 $0x939A85C5, s2;
	s11 =	sld [smem:$0x7EC]  }
0x1c2: {  	(v2sf) =	vpush v11, $0xB;
	s4 =	sld [smem:$0x7EE]  }
0x1c3: {  	s5 =	ssub.s32 s5, s2;
	s2 =	spop (v2sf);
	v13 =	vsel vm4, s19, v13;
	v38 =	vsel vm0, s30, v37;
	v31 =	vsel vm2, s26, v12;
	s26 =	sld [smem:$0x7ED]  }
0x1c4: {  	v26 =	vmov s22;
	v13 =	vsel vm5, s31, v13;
	s31 =	sshra.s32 s2, $0x1F;
	v12 =	vsel vm1, s11, v38;
	s11 =	sadd.s32 s1, s5;
	s5 =	sld [smem:$0x7EF]  }
0x1c5: {  	(v2sf) =	vpush v11, $0x1;
	v26 =	vnsel vm3, $0x0, v26;
	s1 =	smul.u32 $0x939A85C5, s31;
	s31 =	sld [smem:$0x7F0]  }
0x1c6: {  	v26 =	vsel vm0, s9, v26;
	s9 =	rddreg [dreg:$0x1f];
	s30 =	smulhi.u32 $0x939A85C5, s2  }
0x1c7: {  	(v2sf) =	vpush v11, $0x0;
	s19 =	sadd.s32 s3, s0;
	v34 =	vsel vm2, s4, v12;
	s4 =	sld [smem:$0x7F1];
	v13 =	vsel vm6, s26, v13  }
0x1c8: {  	s0 =	ssub.s32 s30, s2;
	v40 =	vmov s31;
	s31 =	sld [smem:$0x7F4];
	v32 =	vsel vm7, s5, v13;
	s5 =	spop (v2sf)  }
0x1c9: {  	(v2sf) =	vpush v11, $0x2;
	v12 =	vnsel vm3, $0x0, v39;
	v13 =	vsel vm0, s20, v40;
	s20 =	sld [smem:$0x7F5];
	s26 =	smulhi.u32 $0x939A85C5, s5;
	s30 =	sshra.s32 s5, $0x1F  }
0x1ca: {  	v12 =	vsel vm0, s4, v12;
	s4 =	sadd.s32 s1, s0;
	s1 =	spop (v2sf);
	s0 =	smul.u32 $0x939A85C5, s30  }
0x1cb: {  	(v2sf) =	vpush v11, $0x3;
	v12 =	vsel vm1, s6, v12;
	s3 =	smulhi.u32 $0x939A85C5, s1;
	s30 =	sld [smem:$0x7F3]  }
0x1cc: {  	v25 =	vsel vm2, s8, v12;
	s8 =	rddreg [dreg:$0x19];
	s2 =	ssub.s32 s26, s5;
	s26 =	sshra.s32 s1, $0x1F  }
0x1cd: {  	(v2sf) =	vpush v11, $0x4;
	v15 =	vmov s31;
	s6 =	sadd.s32 s0, s2;
	s0 =	smul.u32 $0x939A85C5, s26;
	s26 =	sld [smem:$0x7F6]  }
0x1ce: {  	v15 =	vsel vm0, s20, v15;
	s20 =	sld [smem:$0x7F8]  }
0x1cf: {  	(v2sf) =	vpush v11, $0x5;
	s31 =	sld [smem:$0x7F7];
	s2 =	spop (v2sf);
	s1 =	ssub.s32 s3, s1  }
0x1d0: {  	v12 =	vld [tilespmem:s8+$0x20];
	v13 =	vsel vm1, s30, v13;
	s3 =	smulhi.u32 $0x939A85C5, s2;
	s30 =	sshra.s32 s2, $0x1F;
	v25 =	vsel vm4, s26, v25;
	s26 =	sld [smem:$0x7F9]  }
0x1d1: {  	(v2sf) =	vpush v11, $0x6;
	v41 =	vsel vm1, s20, v15;
	s8 =	sadd.s32 s0, s1;
	s0 =	smul.u32 $0x939A85C5, s30;
	s20 =	sld [smem:$0x7FB]  }
0x1d2: {  	v30 =	vsel vm2, s31, v13;
	s1 =	spop (v2sf);
	s31 =	sld [smem:$0x7FA];
	s2 =	ssub.s32 s3, s2;
	v42 =	vsel vm5, s24, v25  }
0x1d3: {  	(v2sf) =	vpush v11, $0x7;
	s5 =	smulhi.u32 $0x939A85C5, s1;
	s30 =	sshra.s32 s1, $0x1F;
	s24 =	sadd.s32 $0xFFFFFFD0, s14;
	v15 =	vsel vm6, s26, v42  }
0x1d4: {  	s3 =	sadd.s32 s0, s2;
	s26 =	smul.u32 $0x939A85C5, s30;
	v29 =	vsel vm7, s20, v15;
	s20 =	spop (v2sf)  }
0x1d5: {  	v27 =	vcombine.low v36, v27;
	(v2sf) =	vpush v12, $0xD;
	v33 =	vsel vm2, s31, v41;
	s31 =	sld [smem:$0x7FC];
	s0 =	smulhi.u32 $0x939A85C5, s20;
	s30 =	sshra.s32 s20, $0x1F  }
0x1d6: {  	v13 =	vor.u32 s24, v1;
	s1 =	ssub.s32 s5, s1;
	v15 =	vmov s24;
	s24 =	spop (v2sf);
	s2 =	smul.u32 $0x939A85C5, s30  }
0x1d7: {  	v26 =	vsel vm1, s7, v26;
	v27 =	vperm.xlane v27, v2;
	s1 =	sadd.s32 s26, s1;
	(v2sf) =	vpush v12, $0xC;
	s26 =	smulhi.u32 $0x939A85C5, s24;
	s30 =	sshra.s32 s24, $0x1F  }
0x1d8: {  	v35 =	vperm.xlane v35, v3;
	v37 =	vmov s12;
	v25 =	vsel vm0, s17, v43;
	s0 =	ssub.s32 s0, s20;
	s17 =	smul.u32 $0x939A85C5, s30;
	s20 =	spop (v2sf)  }
0x1d9: {  	v37 =	vsel vm0, s23, v37;
	v25 =	vsel vm1, s31, v25;
	s31 =	sld [smem:$0x7FD];
	(v2sf) =	vpush v12, $0xE;
	s22 =	smulhi.u32 $0x939A85C5, s20;
	s23 =	sshra.s32 s20, $0x1F  }
0x1da: {  	v21 =	vcombine.low v28, v21;
	v37 =	vsel vm1, s13, v37;
	v38 =	vsel vm2, s25, v26;
	s5 =	ssub.s32 s26, s24;
	s25 =	spop (v2sf);
	s24 =	smul.u32 $0x939A85C5, s23  }
0x1db: {  	v27 =	vsel vm8, v35, v27;
	v26 =	vsel vm2, s10, v37;
	v44 =	vsel vm4, s28, v38;
	s10 =	rddreg [dreg:$0x1b];
	s26 =	smulhi.u32 $0x939A85C5, s25;
	s28 =	sshra.s32 s25, $0x1F  }
0x1dc: {  	v46 =	vmov s19;
	v45 =	vsel vm5, s29, v44;
	s0 =	sadd.s32 s2, s0;
	(v2sf) =	vpush v12, $0xF;
	s30 =	spop (v2sf);
	s29 =	smul.u32 $0x939A85C5, s28  }
0x1dd: {  	v37 =	vsel vm0, s16, v46;
	v28 =	vsel vm6, s21, v45;
	v25 =	vsel vm2, s31, v25;
	s5 =	sadd.s32 s17, s5;
	s31 =	smulhi.u32 $0x939A85C5, s30;
	s16 =	sshra.s32 s30, $0x1F  }
0x1de: {  	v35 =	vadd.s32 v7, v27;
	v28 =	vsel vm7, s18, v28;
	(v2sf) =	vpush v12, $0x9;
	s2 =	ssub.s32 s22, s20;
	s19 =	spop (v2sf);
	s18 =	smul.u32 $0x939A85C5, s16  }
0x1df: {  	vm9 =	vlt.u32 v20, $0x1BC00;
	v21 =	vperm.xlane v21, v2;
	v58 =	vshrl.u32 v35, $0x1F;
	s2 =	sadd.s32 s24, s2;
	s20 =	smulhi.u32 $0x939A85C5, s19;
	s21 =	sshra.s32 s19, $0x1F  }
0x1e0: {  	v35 =	vshra.s32 v35, $0x6;
	v48 =	vsel vm1, s11, v37;
	(v2sf) =	vpush v12, $0x8;
	s17 =	ssub.s32 s26, s25;
	s23 =	smul.u32 $0x939A85C5, s21;
	s24 =	spop (v2sf)  }
0x1e1: {  	v47 =	vld [tilespmem:s15+$0xFFFFFFC0];
	v35 =	vadd.s32 v58, v35;
	v39 =	vperm.xlane v19, v3;
	v19 =	vsel vm2, s4, v48;
	s4 =	sadd.s32 s29, s17;
	s26 =	smulhi.u32 $0x939A85C5, s24;
	s28 =	sshra.s32 s24, $0x1F  }
0x1e2: {  	v63 =	vld [tilespmem:s15+$0xFFFFFFE0];
	v60 =	vmul.u32 $0x6F, v35;
	v49 =	vmov s8;
	s22 =	ssub.s32 s31, s30;
	(v2sf) =	vpush v12, $0xA;
	s31 =	spop (v2sf);
	s30 =	smul.u32 $0x939A85C5, s28  }
0x1e3: {  	v21 =	vsel vm8, v39, v21;
	v37 =	vsel vm0, s6, v49;
	v50 =	vmov s5;
	s25 =	sadd.s32 s18, s22;
	s8 =	smulhi.u32 $0x939A85C5, s31;
	s11 =	sshra.s32 s31, $0x1F  }
0x1e4: {  	v37 =	vsel vm1, s3, v37;
	v51 =	vnsel vm3, $0x0, v50;
	s29 =	ssub.s32 s20, s19;
	(v2sf) =	vpush v12, $0xB;
	s12 =	smul.u32 $0x939A85C5, s11;
	s13 =	spop (v2sf)  }
0x1e5: {  	v40 =	vadd.s32 v9, v21;
	v21 =	vsel vm2, s1, v37;
	v37 =	vsel vm0, s0, v51;
	s0 =	sadd.s32 s23, s29;
	s17 =	smulhi.u32 $0x939A85C5, s13;
	s18 =	sshra.s32 s13, $0x1F  }
0x1e6: {  	v35 =	vshll.u32 v35, $0xE;
	v62 =	vsub.s32 v7, v60;
	(v2sf) =	vpush v12, $0x1;
	s3 =	ssub.s32 s26, s24;
	s6 =	smul.u32 $0x939A85C5, s18;
	s19 =	spop (v2sf)  }
0x1e7: {  	v38 =	vsub.f32 v47, v0;
	v47 =	vsub.f32 v63, v0;
	v37 =	vsel vm1, s2, v37;
	s16 =	sadd.s32 s30, s3;
	s21 =	smulhi.u32 $0x939A85C5, s19;
	s22 =	sshra.s32 s19, $0x1F  }
0x1e8: {  	v56 =	vld [tilespmem:s10+$0xFFFFFFD0];
	v31 =	vcombine.low v34, v31;
	v37 =	vsel vm2, s4, v37;
	s2 =	ssub.s32 s8, s31;
	(v2sf) =	vpush v12, $0x0;
	s23 =	spop (v2sf);
	s4 =	smul.u32 $0x939A85C5, s22  }
0x1e9: {  	v38 =	vmul.f32 $1.442695020e+00, v38;
	v34 =	vmul.f32 $1.442695020e+00, v47;
	v37 =	vsel vm4, s25, v37;
	s3 =	ssub.s32 s17, s13;
	s25 =	smulhi.u32 $0x939A85C5, s23;
	s26 =	sshra.s32 s23, $0x1F  }
0x1ea: {  	v31 =	vperm.xlane v31, v2;
	v52 =	vshrl.u32 v40, $0x1F;
	s20 =	sadd.s32 s12, s2;
	s24 =	sadd.s32 s6, s3;
	(v2sf) =	vpush v12, $0x2;
	s6 =	smul.u32 $0x939A85C5, s26  }
0x1eb: {  	v40 =	vshra.s32 v40, $0x6;
	(erf) = vpow2.f32 v38;
	v32 =	vperm.xlane v32, v3;
	s2 =	ssub.s32 s21, s19;
	s28 =	spop (v2sf);
	s21 =	rddreg [dreg:$0x19]  }
0x1ec: {  	v28 =	vperm.xlane v28, v3;
	v39 =	vadd.s32 v52, v40;
	(v2sf) =	vpush v12, $0x3;
	s29 =	sadd.s32 s4, s2;
	s30 =	smulhi.u32 $0x939A85C5, s28;
	s31 =	sshra.s32 s28, $0x1F  }
0x1ed: {  	v40 =	vmul.u32 $0x6F, v39;
	v53 =	vshll.u32 v39, $0xE;
	v20 =	vsub.s32 v56, v60;
	s3 =	ssub.s32 s25, s23;
	s8 =	spop (v2sf);
	s4 =	smul.u32 $0x939A85C5, s31  }
0x1ee: {  	v31 =	vsel vm8, v32, v31;
	v41 =	vld [tilespmem:s10+$0xFFFFFFC0];
	v37 =	vsel vm5, s0, v37;
	(v2sf) =	vpush v12, $0x4;
	s11 =	sadd.s32 s6, s3;
	s12 =	smulhi.u32 $0x939A85C5, s8;
	s13 =	sshra.s32 s8, $0x1F  }
0x1ef: {  	v20 =	vadd.s32 v35, v20;
	v31 =	vadd.s32 v6, v31;
	v42 =	vld [tilespmem:s15+$0xFFFFFFD0];
	v37 =	vsel vm6, s16, v37;
	s16 =	spop (v2sf);
	s2 =	ssub.s32 s30, s28;
	s6 =	smul.u32 $0x939A85C5, s13  }
0x1f0: {  	v9 =	vsub.s32 v9, v40;
	v30 =	vcombine.low v33, v30;
	(v2sf) =	vpush v12, $0x5;
	s18 =	smulhi.u32 $0x939A85C5, s16;
	s19 =	sshra.s32 s16, $0x1F;
	s17 =	sadd.s32 s4, s2  }
0x1f1: {  	v9 =	vshll.u32 v9, $0x7;
	v27 =	vsel vm7, s20, v37;
	v7 =	vld [tilespmem:s21+$0x30];
	v59 =	vmov s29;
	s3 =	ssub.s32 s12, s8;
	s4 =	smul.u32 $0x939A85C5, s19;
	s20 =	spop (v2sf)  }
0x1f2: {  	v30 =	vperm.xlane v30, v2;
	v61 =	vsel vm0, s24, v59;
	(v2sf) =	vpush v12, $0x6;
	s8 =	rddreg [dreg:$0x1d];
	s23 =	smulhi.u32 $0x939A85C5, s20;
	s24 =	sshra.s32 s20, $0x1F  }
0x1f3: {  	v52 =	vld [tilespmem:s15+$0xFFFFFFF0];
	v29 =	vperm.xlane v29, v3;
	v54 =	vsub.s32 v41, v40;
	v19 =	vcombine.low v21, v19;
	s22 =	sadd.s32 s6, s3;
	s25 =	spop (v2sf);
	s6 =	smul.u32 $0x939A85C5, s24  }
0x1f4: {  	v36 =	vadd.s32 v53, v54;
	v55 =	vsub.f32 v42, v0;
	(v2sf) =	vpush v12, $0x7;
	s2 =	ssub.s32 s18, s16;
	s28 =	smulhi.u32 $0x939A85C5, s25;
	s29 =	sshra.s32 s25, $0x1F  }
0x1f5: {  	v9 =	vadd.s32 v9, v36;
	v36 =	vnsel vm9, $0xFFFFFFFF, v17;
	v17 =	vsel vm9, v41, v5;
	s26 =	sadd.s32 s4, s2;
	s30 =	spop (v2sf);
	s4 =	smul.u32 $0x939A85C5, s29  }
0x1f6: {  	v25 =	vcombine.low v26, v25;
	v44 =	vsel vm1, s11, v61;
	(v2sf) =	vpush v7, $0xD;
	s3 =	ssub.s32 s23, s20;
	s11 =	smulhi.u32 $0x939A85C5, s30;
	s12 =	sshra.s32 s30, $0x1F  }
0x1f7: {  	v19 =	vperm.xlane v19, v2;
	v57 =	vmul.f32 $1.442695020e+00, v55;
	v35 =	vsel vm9, v9, v4;
	s31 =	sadd.s32 s6, s3;
	s6 =	smul.u32 $0x939A85C5, s12;
	s13 =	spop (v2sf)  }
0x1f8: {  	v55 =	vsub.f32 v52, v0;
	v9 =	vsel vm2, s17, v44;
	s2 =	ssub.s32 s28, s25;
	(v2sf) =	vpush v7, $0xC;
	s17 =	smulhi.u32 $0x939A85C5, s13;
	s18 =	sshra.s32 s13, $0x1F  }
0x1f9: {  	v50 =	vshrl.u32 v31, $0x1F;
	v31 =	vshra.s32 v31, $0x6;
	v46 =	vmov s26;
	s16 =	sadd.s32 s4, s2;
	s19 =	spop (v2sf);
	s4 =	smul.u32 $0x939A85C5, s18  }
0x1fa: {  	v49 =	vld [tilespmem:s10+$0xFFFFFFE0];
	(erf) = vpow2.f32 v57;
	v48 =	vsel vm0, s22, v46;
	s3 =	ssub.s32 s11, s30;
	(v2sf) =	vpush v7, $0xE;
	s21 =	smulhi.u32 $0x939A85C5, s19;
	s22 =	sshra.s32 s19, $0x1F  }
0x1fb: {  	v57 =	vmul.f32 $1.442695020e+00, v55;
	(erf) = vpow2.f32 v34;
	v34 =	vadd.s32 v50, v31;
	s20 =	sadd.s32 s6, s3;
	s6 =	smul.u32 $0x939A85C5, s22;
	s23 =	spop (v2sf)  }
0x1fc: {  	vm9 =	vlt.u32 v24, $0x1BC00;
	v51 =	vshll.u32 v34, $0xE;
	(v2sf) =	vpush v7, $0xF;
	s2 =	ssub.s32 s17, s13;
	s25 =	smulhi.u32 $0x939A85C5, s23;
	s26 =	sshra.s32 s23, $0x1F  }
0x1fd: {  	v34 =	vmul.u32 $0x6F, v34;
	(erf) = vpow2.f32 v57;
	v37 =	vshll.u32 v62, $0x7;
	s24 =	sadd.s32 s4, s2;
	s28 =	spop (v2sf);
	s4 =	smul.u32 $0x939A85C5, s26  }
0x1fe: {  	v57 =	vld [tilespmem:s15+$0x20];
	v45 =	vadd.s32 v37, v20;
	v37 =	vsel vm1, s31, v48;
	(v2sf) =	vpush v7, $0x9;
	s3 =	ssub.s32 s21, s19;
	s30 =	smulhi.u32 $0x939A85C5, s28;
	s31 =	sshra.s32 s28, $0x1F  }
0x1ff: {  	v25 =	vperm.xlane v25, v2;
	v54 =	vsub.s32 v49, v34;
	(v2sf) =	vpush v7, $0x8;
	s29 =	sadd.s32 s6, s3;
	s11 =	spop (v2sf);
	s6 =	smul.u32 $0x939A85C5, s31  }
0x200: {  	v6 =	vsub.s32 v6, v34;
	v31 =	vsel vm2, s16, v37;
	v53 =	vmov s24;
	s2 =	ssub.s32 s25, s23;
	s13 =	smulhi.u32 $0x939A85C5, s11;
	s16 =	sshra.s32 s11, $0x1F  }
0x201: {  	v6 =	vshll.u32 v6, $0x7;
	(v2sf) =	vpush v7, $0xA;
	v33 =	vnsel vm3, $0x0, v53;
	s17 =	spop (v2sf);
	s12 =	sadd.s32 s4, s2;
	s4 =	smul.u32 $0x939A85C5, s16  }
0x202: {  	v20 =	vnsel vm9, $0xFFFFFFFF, v22;
	v22 =	vsel vm9, v56, v5;
	v33 =	vsel vm0, s20, v33;
	s3 =	ssub.s32 s30, s28;
	s19 =	smulhi.u32 $0x939A85C5, s17;
	s20 =	sshra.s32 s17, $0x1F  }
0x203: {  	v56 =	vsel vm8, v29, v30;
	v27 =	vperm.xlane v27, v3;
	v34 =	vsub.f32 v57, v0;
	s21 =	spop (v2sf);
	s18 =	sadd.s32 s6, s3;
	s6 =	smul.u32 $0x939A85C5, s20  }
0x204: {  	v24 =	vsel vm9, v45, v4;
	vm9 =	vlt.u32 v23, $0x1BC00;
	v44 =	vld [tilespmem:s15+$0x10];
	(v2sf) =	vpush v7, $0xB;
	s2 =	ssub.s32 s13, s11;
	s23 =	smulhi.u32 $0x939A85C5, s21;
	s24 =	sshra.s32 s21, $0x1F  }
0x205: {  	v23 =	vadd.s32 v51, v54;
	v20 =	vcvt.s32.f32 v20;
	(v2sf) =	vpush v7, $0x1;
	s22 =	sadd.s32 s4, s2;
	s4 =	smul.u32 $0x939A85C5, s24;
	s25 =	spop (v2sf)  }
0x206: {  	v6 =	vadd.s32 v6, v23;
	v18 =	vnsel vm9, $0xFFFFFFFF, v18;
	v33 =	vsel vm1, s29, v33;
	s3 =	ssub.s32 s19, s17;
	s28 =	smulhi.u32 $0x939A85C5, s25;
	s29 =	sshra.s32 s25, $0x1F  }
0x207: {  	v23 =	vadd.s32 v8, v56;
	v37 =	vsel vm8, v28, v25;
	(v2sf) =	vpush v7, $0x0;
	s26 =	sadd.s32 s6, s3;
	s6 =	smul.u32 $0x939A85C5, s29;
	s30 =	spop (v2sf)  }
0x208: {  	v39 =	vld [tilespmem:s10+$0x0];
	v18 =	vcvt.s32.f32 v18;
	v28 =	vadd.s32 v10, v37;
	v58 =	vsel vm2, s12, v33;
	s2 =	ssub.s32 s23, s21;
	s11 =	smulhi.u32 $0x939A85C5, s30;
	s12 =	sshra.s32 s30, $0x1F  }
0x209: {  	v51 =	vsub.f32 v44, v0;
	v42 =	vshrl.u32 v28, $0x1F;
	v28 =	vshra.s32 v28, $0x6;
	s31 =	sadd.s32 s4, s2;
	s13 =	spop (v2sf);
	s4 =	smul.u32 $0x939A85C5, s12  }
0x20a: {  	v28 =	vadd.s32 v42, v28;
	v30 =	vsel vm4, s18, v58;
	(v2sf) =	vpush v7, $0x2;
	s3 =	ssub.s32 s28, s25;
	s17 =	smulhi.u32 $0x939A85C5, s13;
	s18 =	sshra.s32 s13, $0x1F  }
0x20b: {  	v59 =	vshrl.u32 v23, $0x1F;
	v9 =	vcombine.low v31, v9;
	v47 =	vmul.u32 $0x6F, v28;
	s3 =	sadd.s32 s6, s3;
	s20 =	spop (v2sf);
	s19 =	smul.u32 $0x939A85C5, s18  }
0x20c: {  	v23 =	vshra.s32 v23, $0x6;
	v54 =	vmul.f32 $1.442695020e+00, v51;
	v30 =	vsel vm5, s22, v30;
	s16 =	ssub.s32 s11, s30;
	s21 =	smulhi.u32 $0x939A85C5, s20;
	s22 =	sshra.s32 s20, $0x1F  }
0x20d: {  	v9 =	vperm.xlane v9, v2;
	v50 =	vsub.s32 v39, v47;
	(v2sf) =	vpush v7, $0x3;
	s24 =	spop (v2sf);
	s0 =	sadd.s32 s4, s16;
	s23 =	smul.u32 $0x939A85C5, s22  }
0x20e: {  	v62 =	vld [tilespmem:s15+$0x0];
	v10 =	vsub.s32 v10, v47;
	v33 =	vadd.s32 v59, v23;
	v30 =	vsel vm6, s26, v30;
	s2 =	ssub.s32 s17, s13;
	s25 =	smulhi.u32 $0x939A85C5, s24;
	s26 =	spop (v2sf)  }
0x20f: {  	v60 =	vld [tilespmem:s10+$0xFFFFFFF0];
	v10 =	vshll.u32 v10, $0x7;
	v61 =	vmul.u32 $0x6F, v33;
	(v2sf) =	vpush v7, $0x4;
	s30 =	sshra.s32 s24, $0x1F;
	s2 =	sadd.s32 s19, s2;
	s28 =	smulhi.u32 $0x939A85C5, s26  }
0x210: {  	v63 =	vshll.u32 v33, $0xE;
	v40 =	vsel vm7, s31, v30;
	v33 =	vmov s0;
	s29 =	sshra.s32 s26, $0x1F;
	s7 =	smul.u32 $0x939A85C5, s30;
	s31 =	spop (v2sf)  }
0x211: {  	v53 =	vcvt.s32.f32 v36;
	s0 =	ssub.s32 s21, s20;
	(v2sf) =	vpush v7, $0x5;
	v38 =	vsel vm0, s3, v33;
	s3 =	ssub.s32 s25, s24;
	s6 =	smulhi.u32 $0x939A85C5, s31  }
0x212: {  	v23 =	vsel vm9, v6, v4;
	v6 =	vsel vm9, v49, v5;
	s0 =	sadd.s32 s23, s0;
	s11 =	sshra.s32 s31, $0x1F;
	v41 =	vsel vm1, s2, v38;
	s2 =	smul.u32 $0x939A85C5, s29  }
0x213: {  	vm9 =	vlt.u32 v16, $0x1BC00;
	v16 =	vsub.f32 v62, v0;
	(v2sf) =	vpush v7, $0x6;
	s3 =	sadd.s32 s7, s3;
	s7 =	rddreg [dreg:$0x1c];
	s12 =	spop (v2sf)  }
0x214: {  	v36 =	vmul.f32 $1.442695020e+00, v34;
	v49 =	vshll.u32 v28, $0xE;
	v46 =	vsel vm9, v60, v5;
	s1 =	ssub.s32 s28, s26;
	s13 =	smulhi.u32 $0x939A85C5, s12;
	s17 =	spop (v2sf)  }
0x215: {  	v58 =	vsel vm8, v27, v19;
	v43 =	vmul.f32 $1.442695020e+00, v16;
	(v2sf) =	vpush v7, $0x7;
	s16 =	sshra.s32 s12, $0x1F;
	s1 =	sadd.s32 s2, s1;
	s22 =	smulhi.u32 $0x939A85C5, s17  }
0x216: {  	v8 =	vsub.s32 v8, v61;
	v29 =	vsub.s32 v60, v61;
	s2 =	ssub.s32 s6, s31;
	s18 =	spop (v2sf);
	v48 =	vmov s1;
	s1 =	smul.u32 $0x939A85C5, s11  }
0x217: {  	v8 =	vshll.u32 v8, $0x7;
	v26 =	vadd.s32 v63, v29;
	(erf) = vpow2.f32 v43;
	s24 =	sshra.s32 s17, $0x1F;
	s6 =	rddreg [dreg:$0x1e];
	s19 =	smulhi.u32 $0x939A85C5, s18  }
0x218: {  	v55 =	vpop (erf);
	v26 =	vadd.s32 v8, v26;
	v30 =	vsel vm2, s0, v41;
	s0 =	ssub.s32 s13, s12;
	s20 =	sshra.s32 s18, $0x1F;
	v32 =	vsel vm0, s3, v48;
	s3 =	smul.u32 $0x939A85C5, s16  }
0x219: {  	v8 =	vnsel vm9, $0xFFFFFFFF, v14;
	(erf) = vpow2.f32 v54;
	v61 =	vpop (erf);
	v45 =	vsel vm9, v26, v4;
	[tilespmem:s7+$0xFFFFFFC0] =	vst v55;
	s21 =	spop (v2sf);
	s5 =	smul.u32 $0x939A85C5, s20;
	s4 =	ssub.s32 s22, s17  }
0x21a: {  	vm9 =	vlt.u32 v15, $0x1BC00;
	v15 =	vadd.s32 v49, v50;
	(erf) = vpow2.f32 v36;
	[tilespmem:s7+$0xFFFFFFD0] =	vst v61;
	s25 =	smulhi.u32 $0x939A85C5, s21;
	s26 =	sshra.s32 s21, $0x1F;
	s1 =	sadd.s32 s1, s2  }
0x21b: {  	v8 =	vcvt.s32.f32 v8;
	v56 =	vsel vm9, v39, v5;
	v39 =	vld [tilespmem:s15+$0x30];
	[tilespmem:s8+$0xFFFFFFC0] =	vst v35;
	s23 =	ssub.s32 s19, s18;
	v52 =	vsel vm1, s1, v32;
	s0 =	sadd.s32 s3, s0;
	s1 =	smul.u32 $0x939A85C5, s24  }
0x21c: {  	v62 =	vld [tilespmem:s10+$0x10];
	v10 =	vadd.s32 v10, v15;
	v13 =	vnsel vm9, $0xFFFFFFFF, v13;
	v15 =	vadd.s32 v11, v58;
	[tilespmem:s8+$0xFFFFFFD0] =	vst v24;
	s2 =	sadd.s32 s5, s23;
	s5 =	smul.u32 $0x939A85C5, s26;
	s28 =	spop (v2sf)  }
0x21d: {  	v63 =	vshrl.u32 v15, $0x1F;
	v15 =	vshra.s32 v15, $0x6;
	[tilespmem:s6+$0xFFFFFFC0] =	vst v53;
	s29 =	ssub.s32 s25, s21;
	v59 =	vmov s2;
	s30 =	smulhi.u32 $0x939A85C5, s28;
	s31 =	sshra.s32 s28, $0x1F  }
0x21e: {  	v58 =	vmov s14;
	v15 =	vadd.s32 v63, v15;
	v35 =	vpop (erf);
	[tilespmem:s6+$0xFFFFFFD0] =	vst v20;
	s1 =	sadd.s32 s1, s4;
	v19 =	vnsel vm3, $0x0, v59;
	s11 =	spop (v2sf);
	s3 =	smul.u32 $0x939A85C5, s31  }
0x21f: {  	v10 =	vsel vm9, v10, v4;
	v33 =	vmul.u32 $0x6F, v15;
	[tilespmem:s7+$0xFFFFFFE0] =	vst v35;
	v19 =	vsel vm0, s1, v19;
	s1 =	sadd.s32 s5, s29;
	s13 =	smulhi.u32 $0x939A85C5, s11;
	s16 =	sshra.s32 s11, $0x1F  }
0x220: {  	v13 =	vcvt.s32.f32 v13;
	v15 =	vshll.u32 v15, $0xE;
	v43 =	vsub.f32 v39, v0;
	[tilespmem:s9+$0xFFFFFFC0] =	vst v17;
	s12 =	ssub.s32 s30, s28;
	s4 =	smul.u32 $0x939A85C5, s16;
	s17 =	spop (v2sf)  }
0x221: {  	v38 =	vperm.xlane v40, v3;
	v37 =	vsub.s32 v62, v33;
	[tilespmem:s9+$0xFFFFFFD0] =	vst v22;
	v19 =	vsel vm1, s1, v19;
	s1 =	sadd.s32 s3, s12;
	s19 =	smulhi.u32 $0x939A85C5, s17;
	s20 =	sshra.s32 s17, $0x1F  }
0x222: {  	v11 =	vsub.s32 v11, v33;
	v16 =	vmul.f32 $1.442695020e+00, v43;
	v15 =	vadd.s32 v15, v37;
	v40 =	vpop (erf);
	[tilespmem:s8+$0xFFFFFFE0] =	vst v23;
	s18 =	ssub.s32 s13, s11;
	s21 =	spop (v2sf);
	s5 =	smul.u32 $0x939A85C5, s20  }
0x223: {  	v11 =	vshll.u32 v11, $0x7;
	v9 =	vsel vm8, v38, v9;
	[tilespmem:s7+$0xFFFFFFF0] =	vst v40;
	v19 =	vsel vm2, s1, v19;
	s1 =	sadd.s32 s4, s18;
	s23 =	smulhi.u32 $0x939A85C5, s21;
	s24 =	sshra.s32 s21, $0x1F  }
0x224: {  	v11 =	vadd.s32 v11, v15;
	v9 =	vadd.s32 v12, v9;
	(erf) = vpow2.f32 v16;
	[tilespmem:s6+$0xFFFFFFE0] =	vst v18;
	s25 =	spop (v2sf);
	s22 =	ssub.s32 s19, s17;
	s3 =	smul.u32 $0x939A85C5, s24  }
0x225: {  	v47 =	vld [tilespmem:s10+$0x20];
	v44 =	vshrl.u32 v9, $0x1F;
	v9 =	vshra.s32 v9, $0x6;
	[tilespmem:s8+$0xFFFFFFF0] =	vst v45;
	v19 =	vsel vm4, s1, v19;
	s26 =	smulhi.u32 $0x939A85C5, s25;
	s28 =	sshra.s32 s25, $0x1F;
	s1 =	sadd.s32 s5, s22  }
0x226: {  	[tilespmem:s6+$0xFFFFFFF0] =	vst v8;
	v8 =	vadd.s32 v44, v9;
	v21 =	vsel vm2, s0, v52;
	s0 =	sadd.s32 $0xFFFFFFE0, s14;
	s2 =	ssub.s32 s23, s21;
	v19 =	vsel vm5, s1, v19;
	s1 =	smul.u32 $0x939A85C5, s28  }
0x227: {  	[tilespmem:s9+$0xFFFFFFE0] =	vst v6;
	v50 =	vmul.u32 $0x6F, v8;
	v60 =	vmov s0;
	v41 =	vor.u32 s0, v1;
	s2 =	sadd.s32 s3, s2;
	s0 =	ssub.s32 s26, s25  }
0x228: {  	[tilespmem:s9+$0xFFFFFFF0] =	vst v46;
	v46 =	vpop (erf);
	v8 =	vshll.u32 v8, $0xE;
	v6 =	vcombine.low v21, v30;
	v45 =	vsel vm6, s2, v19;
	s0 =	sadd.s32 s1, s0  }
0x229: {  	[tilespmem:s7+$0x0] =	vst v46;
	vm9 =	vlt.u32 v60, $0x1BC00;
	v12 =	vsub.s32 v12, v50;
	v18 =	vsel vm7, s0, v45  }
0x22a: {  	s29 =	sadd.s32 $0xFFFFFFF0, s14;
	[tilespmem:s8+$0x0] =	vst v10;
	v14 =	vsub.s32 v47, v50;
	v6 =	vperm.xlane v6, v2;
	v18 =	vperm.xlane v18, v3  }
0x22b: {  	v52 =	vpop (erf);
	v42 =	vnsel vm9, $0xFFFFFFFF, v41;
	v11 =	vsel vm9, v11, v4;
	v48 =	vmov s29;
	[tilespmem:s6+$0x0] =	vst v13  }
0x22c: {  	v49 =	vsel vm9, v62, v5;
	v53 =	vor.u32 s29, v1;
	[tilespmem:s7+$0x10] =	vst v52;
	v6 =	vsel vm8, v18, v6  }
0x22d: {  	v54 =	vld [tilespmem:s10+$0x30];
	v12 =	vshll.u32 v12, $0x7;
	v8 =	vadd.s32 v8, v14;
	[tilespmem:s9+$0x0] =	vst v56;
	v6 =	vadd.s32 v7, v6  }
0x22e: {  	v57 =	vpop (erf);
	v51 =	vcvt.s32.f32 v42;
	[tilespmem:s8+$0x10] =	vst v11;
	v55 =	vshrl.u32 v6, $0x1F;
	v6 =	vshra.s32 v6, $0x6  }
0x22f: {  	vm9 =	vlt.u32 v48, $0x1BC00;
	v8 =	vadd.s32 v12, v8;
	[tilespmem:s7+$0x20] =	vst v57;
	v6 =	vadd.s32 v55, v6  }
0x230: {  	v56 =	vnsel vm9, $0xFFFFFFFF, v53;
	v8 =	vsel vm9, v8, v4;
	[tilespmem:s6+$0x10] =	vst v51;
	v59 =	vmul.u32 $0x6F, v6  }
0x231: {  	v62 =	vor.u32 s14, v1;
	s30 =	rddreg [dreg:$0x18];
	v9 =	vsel vm9, v47, v5;
	v63 =	vpop (erf);
	v60 =	vcvt.s32.f32 v56;
	[tilespmem:s8+$0x20] =	vst v8  }
0x232: {  	[tilespmem:s7+$0x30] =	vst v63;
	s0 =	sadd.s32 $0x8, s30;
	v6 =	vshll.u32 v6, $0xE;
	v7 =	vsub.s32 v7, v59;
	v61 =	vsub.s32 v54, v59  }
0x233: {  	vm9 =	vlt.u32 v58, $0x1BC00;
	[tilespmem:s9+$0x10] =	vst v49;
	p1 =	slt.u32 s0, $0x1B8;
	v7 =	vshll.u32 v7, $0x7;
	v6 =	vadd.s32 v6, v61  }
.Ltmp1:
0x234: {  	[tilespmem:s6+$0x20] =	vst v60;
	v6 =	vadd.s32 v7, v6;
	v7 =	vnsel vm9, $0xFFFFFFFF, v62;
	(pc) =	sbr.rel @p1 .LBB2_3-.Ltmp1, $4  }
0x235: {  	s10 =	sadd.s32 $0x80, s10;
	[tilespmem:s9+$0x20] =	vst v9;
	v6 =	vsel vm9, v6, v4;
	v7 =	vcvt.s32.f32 v7  }
0x236: {  	s15 =	sadd.s32 $0x80, s15;
	s14 =	sadd.s32 $0x80, s14;
	s31 =	rddreg [dreg:$0x19];
	[tilespmem:s8+$0x30] =	vst v6  }
0x237: {  	[dreg:$0x17] =	wrdreg s14;
	s7 =	sadd.s32 $0x80, s7;
	s1 =	sadd.s32 $0x80, s31;
	v6 =	vsel vm9, v54, v5;
	[tilespmem:s6+$0x30] =	vst v7  }
0x238: {  	s8 =	sadd.s32 $0x80, s8;
	s6 =	sadd.s32 $0x80, s6;
	[tilespmem:s9+$0x30] =	vst v6;
	s9 =	sadd.s32 $0x80, s9  }
0x239: {  	[bflag:$0x0] =	sbarrier.arrive $0xFFFF;
	s0 =	simm.s32 $0x1C00;
	s1 =	simm.s32 $0x10CE8  }
0x23a: {  	s2 =	simm.s32 $0xD4E8;
	s26 =	simm.s32 $0x2;
	s5 =	rddreg [dreg:$0x3]  }
0x23b: {  	[spmem:s5] =	stream.indirect.scatter.add.f32 [tilespmem:s2], [sflag:$0x2], $0x1, s1, s0, $0xb8;
	[tilespmem:$0x1E168] =	vst v63  }
0x23c: {  	_ =	swait.ge [sflag:s26], $0x1C00  }
0x23d: {  	[sflag:s26] =	ssyncset.done $0x0  }
0x23e: {  	s28 =	simm.s32 $0xF0E8;
	[sflag:s26] =	ssyncadd.s32 $0xFFFFE400  }
0x23f: {  	s29 =	simm.s32 $0x1B4E8;
	s30 =	simm.s32 $0x1;
	s10 =	rddreg [dreg:$0x2]  }
0x240: {  	[spmem:s10] =	stream.indirect.scatter [tilespmem:s29], [sflag:$0x1], $0x1, s28, s0, $0xb8;
	[tilespmem:$0x1E168] =	vst v63  }
0x241: {  	_ =	swait.ge [sflag:s30], $0x1C00  }
0x242: {  	[sflag:s30] =	ssyncset.done $0x0  }
0x243: {  	[sflag:s30] =	ssyncadd.s32 $0xFFFFE400  }
0x244: {  	s3 =	simm.s32 $0x128E8;
	[bflag:$0x0] =	sbarrier.arrive $0xFFFF  }
0x245: {  	[tilespmem:s3], [sflag:$0x1] =	stream.indirect.gather [spmem:s10], $0x1, s28, s0, $0xb8;
	[tilespmem:$0x1E168] =	vst v63  }
0x246: {  	_ =	swait.ge [sflag:s30], $0x1C00  }
0x247: {  	[sflag:s30] =	ssyncset.done $0x0  }
0x248: {  	[sflag:s30] =	ssyncadd.s32 $0xFFFFE400  }
0x249: {  	s31 =	simm.s32 $0x1B528;
	[bflag:$0x0] =	sbarrier.arrive $0xFFFF  }
0x24a: {  	s0 =	simm.s32 $0x12928;
	v0 =	vld [tilespmem:s31+$0x30]  }
0x24b: {  	s1 =	simm.s32 $0xF128;
	v1 =	vld [tilespmem:s0+$0x30]  }
0x24c: {  	v2 =	vld [tilespmem:s1+$0x30]  }
0x24d: {  	v4 =	vld [tilespmem:s0+$0xFFFFFFC0]  }
0x24e: {  	v5 =	vld [tilespmem:s31+$0xFFFFFFD0]  }
0x24f: {  	v6 =	vld [tilespmem:s0+$0xFFFFFFD0]  }
0x250: {  	v7 =	vld [tilespmem:s31+$0xFFFFFFE0]  }
0x251: {  	v8 =	vld [tilespmem:s0+$0xFFFFFFE0]  }
0x252: {  	v9 =	vld [tilespmem:s31+$0xFFFFFFF0]  }
0x253: {  	v10 =	vld [tilespmem:s0+$0xFFFFFFF0]  }
0x254: {  	v11 =	vld [tilespmem:s31+$0x0]  }
0x255: {  	v12 =	vld [tilespmem:s0+$0x0]  }
0x256: {  	v13 =	vld [tilespmem:s31+$0x10]  }
0x257: {  	v14 =	vld [tilespmem:s0+$0x10]  }
0x258: {  	v15 =	vld [tilespmem:s31+$0x20]  }
0x259: {  	v16 =	vld [tilespmem:s0+$0x20]  }
0x25a: {  	v17 =	vld [tilespmem:s31+$0xFFFFFFC0]  }
0x25b: {  	v18 =	vld [tilespmem:s1+$0xFFFFFFC0]  }
0x25c: {  	v19 =	vld [tilespmem:s1+$0xFFFFFFD0]  }
0x25d: {  	v20 =	vlaneseq.u32;
	v3 =	vld [tilespmem:s1+$0xFFFFFFE0]  }
0x25e: {  	vm1 =	vgt.f32 v0, v1;
	vm5 =	vgt.f32 v5, v6;
	v0 =	vor.u32 $0x80000, v20;
	v1 =	vld [tilespmem:s1+$0xFFFFFFF0]  }
0x25f: {  	s2 =	simm.s32 $0x16128;
	vm0 =	vgt.f32 v7, v8;
	vm3 =	vgt.f32 v17, v4;
	v4 =	vsel vm1, v2, v0;
	v2 =	vld [tilespmem:s1+$0x0]  }
0x260: {  	vm2 =	vgt.f32 v9, v10;
	vm4 =	vgt.f32 v15, v16;
	v5 =	vsel vm3, v18, v0;
	[tilespmem:s2+$0x30] =	vst v4;
	v4 =	vld [tilespmem:s1+$0x10]  }
0x261: {  	s4 =	simm.s32 $0x1B5A8;
	s3 =	simm.s32 $0x0;
	vm1 =	vgt.f32 v11, v12;
	vm3 =	vgt.f32 v13, v14;
	v6 =	vsel vm5, v19, v0;
	[tilespmem:s2+$0xFFFFFFC0] =	vst v5;
	v5 =	vld [tilespmem:s1+$0x20]  }
.LBB2_5:
0x262: {  	v7 =	vld [tilespmem:s4+$0x30];
	[tilespmem:s2+$0xFFFFFFD0] =	vst v6;
	v3 =	vsel vm0, v3, v0;
	s0 =	sadd.s32 $0x80, s0  }
0x263: {  	s3 =	sadd.s32 $0x8, s3;
	s1 =	sadd.s32 $0x80, s1;
	v6 =	vld [tilespmem:s0+$0x30];
	[tilespmem:s2+$0xFFFFFFE0] =	vst v3;
	v1 =	vsel vm2, v1, v0  }
0x264: {  	p1 =	slt.u32 s3, $0x1B8;
	v3 =	vld [tilespmem:s1+$0x30];
	[tilespmem:s2+$0xFFFFFFF0] =	vst v1;
	v1 =	vsel vm1, v2, v0  }
0x265: {  	v2 =	vld [tilespmem:s0+$0xFFFFFFC0];
	[tilespmem:s2+$0x0] =	vst v1;
	v1 =	vsel vm3, v4, v0  }
0x266: {  	v4 =	vld [tilespmem:s4+$0xFFFFFFD0];
	[tilespmem:s2+$0x10] =	vst v1;
	v1 =	vsel vm4, v5, v0  }
0x267: {  	v5 =	vld [tilespmem:s0+$0xFFFFFFD0];
	[tilespmem:s2+$0x20] =	vst v1  }
0x268: {  	v1 =	vld [tilespmem:s4+$0xFFFFFFE0];
	vm0 =	vgt.f32 v7, v6  }
0x269: {  	s2 =	sadd.s32 $0x80, s2;
	v6 =	vld [tilespmem:s0+$0xFFFFFFE0];
	v3 =	vsel vm0, v3, v0  }
0x26a: {  	v7 =	vld [tilespmem:s4+$0xFFFFFFF0];
	[tilespmem:s2+$0x30] =	vst v3  }
0x26b: {  	v3 =	vld [tilespmem:s0+$0xFFFFFFF0]  }
0x26c: {  	vm5 =	vgt.f32 v4, v5;
	v4 =	vld [tilespmem:s4+$0x0]  }
0x26d: {  	v5 =	vld [tilespmem:s0+$0x0]  }
0x26e: {  	vm0 =	vgt.f32 v1, v6;
	v1 =	vld [tilespmem:s4+$0x10]  }
0x26f: {  	v6 =	vld [tilespmem:s0+$0x10]  }
0x270: {  	vm2 =	vgt.f32 v7, v3;
	v7 =	vld [tilespmem:s4+$0x20]  }
0x271: {  	v8 =	vld [tilespmem:s0+$0x20]  }
0x272: {  	v9 =	vld [tilespmem:s4+$0xFFFFFFC0];
	vm1 =	vgt.f32 v4, v5  }
0x273: {  	v4 =	vld [tilespmem:s1+$0xFFFFFFC0]  }
0x274: {  	v5 =	vld [tilespmem:s1+$0xFFFFFFD0];
	vm3 =	vgt.f32 v1, v6  }
.Ltmp2:
0x275: {  	v3 =	vld [tilespmem:s1+$0xFFFFFFE0];
	(pc) =	sbr.rel @p1 .LBB2_5-.Ltmp2, $4  }
0x276: {  	v1 =	vld [tilespmem:s1+$0xFFFFFFF0];
	vm4 =	vgt.f32 v7, v8  }
0x277: {  	vm6 =	vgt.f32 v9, v2;
	v2 =	vld [tilespmem:s1+$0x0]  }
0x278: {  	v6 =	vsel vm6, v4, v0;
	v4 =	vld [tilespmem:s1+$0x10]  }
0x279: {  	s4 =	sadd.s32 $0x80, s4;
	[tilespmem:s2+$0xFFFFFFC0] =	vst v6;
	v6 =	vsel vm5, v5, v0;
	v5 =	vld [tilespmem:s1+$0x20]  }
0x27a: {  	[tilespmem:s2+$0xFFFFFFD0] =	vst v6;
	v3 =	vsel vm0, v3, v0  }
0x27b: {  	[tilespmem:s2+$0xFFFFFFE0] =	vst v3;
	v1 =	vsel vm2, v1, v0  }
0x27c: {  	[tilespmem:s2+$0xFFFFFFF0] =	vst v1;
	v1 =	vsel vm1, v2, v0  }
0x27d: {  	[tilespmem:s2+$0x0] =	vst v1;
	v1 =	vsel vm3, v4, v0  }
0x27e: {  	s0 =	simm.s32 $0x1C00;
	[tilespmem:s2+$0x10] =	vst v1;
	v0 =	vsel vm4, v5, v0  }
0x27f: {  	s1 =	simm.s32 $0x160E8;
	s28 =	simm.s32 $0x1B4E8;
	s29 =	simm.s32 $0x1;
	[tilespmem:s2+$0x20] =	vst v0  }
0x280: {  	[spmem:s10] =	stream.indirect.scatter [tilespmem:s28], [sflag:$0x1], $0x1, s1, s0, $0xb8;
	[tilespmem:$0x1E168] =	vst v63  }
0x281: {  	_ =	swait.ge [sflag:s29], $0x1C00  }
0x282: {  	[sflag:s29] =	ssyncset.done $0x0  }
0x283: {  	[sflag:s29] =	ssyncadd.s32 $0xFFFFE400  }
0x284: {  	s30 =	simm.s32 $0xF0E8;
	s3 =	simm.s32 $0x128E8;
	[bflag:$0x0] =	sbarrier.arrive $0xFFFF  }
0x285: {  	[tilespmem:s3], [sflag:$0x1] =	stream.indirect.gather [spmem:s10], $0x1, s30, s0, $0xb8;
	[tilespmem:$0x1E168] =	vst v63  }
0x286: {  	_ =	swait.ge [sflag:s29], $0x1C00  }
0x287: {  	[sflag:s29] =	ssyncset.done $0x0  }
0x288: {  	[sflag:s29] =	ssyncadd.s32 $0xFFFFE400  }
0x289: {  	s31 =	simm.s32 $0x1B528;
	[bflag:$0x0] =	sbarrier.arrive $0xFFFF  }
0x28a: {  	s0 =	simm.s32 $0x12928;
	v0 =	vld [tilespmem:s31+$0x30]  }
0x28b: {  	s1 =	simm.s32 $0xF128;
	v1 =	vld [tilespmem:s0+$0x30]  }
0x28c: {  	v2 =	vld [tilespmem:s1+$0x30]  }
0x28d: {  	v4 =	vld [tilespmem:s0+$0xFFFFFFC0]  }
0x28e: {  	v5 =	vld [tilespmem:s31+$0xFFFFFFD0]  }
0x28f: {  	v6 =	vld [tilespmem:s0+$0xFFFFFFD0]  }
0x290: {  	v7 =	vld [tilespmem:s31+$0xFFFFFFE0]  }
0x291: {  	v8 =	vld [tilespmem:s0+$0xFFFFFFE0]  }
0x292: {  	v9 =	vld [tilespmem:s31+$0xFFFFFFF0]  }
0x293: {  	v10 =	vld [tilespmem:s0+$0xFFFFFFF0]  }
0x294: {  	v11 =	vld [tilespmem:s31+$0x0]  }
0x295: {  	v12 =	vld [tilespmem:s0+$0x0]  }
0x296: {  	v13 =	vld [tilespmem:s31+$0x10]  }
0x297: {  	v14 =	vld [tilespmem:s0+$0x10]  }
0x298: {  	v15 =	vld [tilespmem:s31+$0x20]  }
0x299: {  	v16 =	vld [tilespmem:s0+$0x20]  }
0x29a: {  	v17 =	vld [tilespmem:s31+$0xFFFFFFC0]  }
0x29b: {  	v18 =	vld [tilespmem:s1+$0xFFFFFFC0]  }
0x29c: {  	v19 =	vld [tilespmem:s1+$0xFFFFFFD0]  }
0x29d: {  	v20 =	vlaneseq.u32;
	v3 =	vld [tilespmem:s1+$0xFFFFFFE0]  }
0x29e: {  	vm1 =	vgt.f32 v0, v1;
	vm5 =	vgt.f32 v5, v6;
	v0 =	vor.u32 $0x80000, v20;
	v1 =	vld [tilespmem:s1+$0xFFFFFFF0]  }
0x29f: {  	s2 =	simm.s32 $0x16128;
	vm0 =	vgt.f32 v7, v8;
	vm3 =	vgt.f32 v17, v4;
	v4 =	vsel vm1, v2, v0;
	v2 =	vld [tilespmem:s1+$0x0]  }
0x2a0: {  	vm2 =	vgt.f32 v9, v10;
	vm4 =	vgt.f32 v15, v16;
	v5 =	vsel vm3, v18, v0;
	[tilespmem:s2+$0x30] =	vst v4;
	v4 =	vld [tilespmem:s1+$0x10]  }
0x2a1: {  	s4 =	simm.s32 $0x1B5A8;
	s3 =	simm.s32 $0x0;
	vm1 =	vgt.f32 v11, v12;
	vm3 =	vgt.f32 v13, v14;
	v6 =	vsel vm5, v19, v0;
	[tilespmem:s2+$0xFFFFFFC0] =	vst v5;
	v5 =	vld [tilespmem:s1+$0x20]  }
.LBB2_7:
0x2a2: {  	v7 =	vld [tilespmem:s4+$0x30];
	[tilespmem:s2+$0xFFFFFFD0] =	vst v6;
	v3 =	vsel vm0, v3, v0;
	s0 =	sadd.s32 $0x80, s0  }
0x2a3: {  	s3 =	sadd.s32 $0x8, s3;
	s1 =	sadd.s32 $0x80, s1;
	v6 =	vld [tilespmem:s0+$0x30];
	[tilespmem:s2+$0xFFFFFFE0] =	vst v3;
	v1 =	vsel vm2, v1, v0  }
0x2a4: {  	p1 =	slt.u32 s3, $0x1B8;
	v3 =	vld [tilespmem:s1+$0x30];
	[tilespmem:s2+$0xFFFFFFF0] =	vst v1;
	v1 =	vsel vm1, v2, v0  }
0x2a5: {  	v2 =	vld [tilespmem:s0+$0xFFFFFFC0];
	[tilespmem:s2+$0x0] =	vst v1;
	v1 =	vsel vm3, v4, v0  }
0x2a6: {  	v4 =	vld [tilespmem:s4+$0xFFFFFFD0];
	[tilespmem:s2+$0x10] =	vst v1;
	v1 =	vsel vm4, v5, v0  }
0x2a7: {  	v5 =	vld [tilespmem:s0+$0xFFFFFFD0];
	[tilespmem:s2+$0x20] =	vst v1  }
0x2a8: {  	v1 =	vld [tilespmem:s4+$0xFFFFFFE0];
	vm0 =	vgt.f32 v7, v6  }
0x2a9: {  	s2 =	sadd.s32 $0x80, s2;
	v6 =	vld [tilespmem:s0+$0xFFFFFFE0];
	v3 =	vsel vm0, v3, v0  }
0x2aa: {  	v7 =	vld [tilespmem:s4+$0xFFFFFFF0];
	[tilespmem:s2+$0x30] =	vst v3  }
0x2ab: {  	v3 =	vld [tilespmem:s0+$0xFFFFFFF0]  }
0x2ac: {  	vm5 =	vgt.f32 v4, v5;
	v4 =	vld [tilespmem:s4+$0x0]  }
0x2ad: {  	v5 =	vld [tilespmem:s0+$0x0]  }
0x2ae: {  	vm0 =	vgt.f32 v1, v6;
	v1 =	vld [tilespmem:s4+$0x10]  }
0x2af: {  	v6 =	vld [tilespmem:s0+$0x10]  }
0x2b0: {  	vm2 =	vgt.f32 v7, v3;
	v7 =	vld [tilespmem:s4+$0x20]  }
0x2b1: {  	v8 =	vld [tilespmem:s0+$0x20]  }
0x2b2: {  	v9 =	vld [tilespmem:s4+$0xFFFFFFC0];
	vm1 =	vgt.f32 v4, v5  }
0x2b3: {  	v4 =	vld [tilespmem:s1+$0xFFFFFFC0]  }
0x2b4: {  	v5 =	vld [tilespmem:s1+$0xFFFFFFD0];
	vm3 =	vgt.f32 v1, v6  }
.Ltmp3:
0x2b5: {  	v3 =	vld [tilespmem:s1+$0xFFFFFFE0];
	(pc) =	sbr.rel @p1 .LBB2_7-.Ltmp3, $4  }
0x2b6: {  	v1 =	vld [tilespmem:s1+$0xFFFFFFF0];
	vm4 =	vgt.f32 v7, v8  }
0x2b7: {  	vm6 =	vgt.f32 v9, v2;
	v2 =	vld [tilespmem:s1+$0x0]  }
0x2b8: {  	v6 =	vsel vm6, v4, v0;
	v4 =	vld [tilespmem:s1+$0x10]  }
0x2b9: {  	s4 =	sadd.s32 $0x80, s4;
	[tilespmem:s2+$0xFFFFFFC0] =	vst v6;
	v6 =	vsel vm5, v5, v0;
	v5 =	vld [tilespmem:s1+$0x20]  }
0x2ba: {  	[tilespmem:s2+$0xFFFFFFD0] =	vst v6;
	v3 =	vsel vm0, v3, v0  }
0x2bb: {  	[tilespmem:s2+$0xFFFFFFE0] =	vst v3;
	v1 =	vsel vm2, v1, v0  }
0x2bc: {  	[tilespmem:s2+$0xFFFFFFF0] =	vst v1;
	v1 =	vsel vm1, v2, v0  }
0x2bd: {  	[tilespmem:s2+$0x0] =	vst v1;
	v1 =	vsel vm3, v4, v0  }
0x2be: {  	s0 =	simm.s32 $0x1C00;
	[tilespmem:s2+$0x10] =	vst v1;
	v0 =	vsel vm4, v5, v0  }
0x2bf: {  	s1 =	simm.s32 $0x160E8;
	s28 =	simm.s32 $0x1B4E8;
	s29 =	simm.s32 $0x1;
	[tilespmem:s2+$0x20] =	vst v0  }
0x2c0: {  	[spmem:s10] =	stream.indirect.scatter [tilespmem:s28], [sflag:$0x1], $0x1, s1, s0, $0xb8;
	[tilespmem:$0x1E168] =	vst v63  }
0x2c1: {  	_ =	swait.ge [sflag:s29], $0x1C00  }
0x2c2: {  	[sflag:s29] =	ssyncset.done $0x0  }
0x2c3: {  	[sflag:s29] =	ssyncadd.s32 $0xFFFFE400  }
0x2c4: {  	s30 =	simm.s32 $0xF0E8;
	s3 =	simm.s32 $0x128E8;
	[bflag:$0x0] =	sbarrier.arrive $0xFFFF  }
0x2c5: {  	[tilespmem:s3], [sflag:$0x1] =	stream.indirect.gather [spmem:s10], $0x1, s30, s0, $0xb8;
	[tilespmem:$0x1E168] =	vst v63  }
0x2c6: {  	_ =	swait.ge [sflag:s29], $0x1C00  }
0x2c7: {  	[sflag:s29] =	ssyncset.done $0x0  }
0x2c8: {  	[sflag:s29] =	ssyncadd.s32 $0xFFFFE400  }
0x2c9: {  	s31 =	simm.s32 $0x1B528;
	[bflag:$0x0] =	sbarrier.arrive $0xFFFF  }
0x2ca: {  	s0 =	simm.s32 $0x12928;
	v0 =	vld [tilespmem:s31+$0x30]  }
0x2cb: {  	s1 =	simm.s32 $0xF128;
	v1 =	vld [tilespmem:s0+$0x30]  }
0x2cc: {  	v2 =	vld [tilespmem:s1+$0x30]  }
0x2cd: {  	v4 =	vld [tilespmem:s0+$0xFFFFFFC0]  }
0x2ce: {  	v5 =	vld [tilespmem:s31+$0xFFFFFFD0]  }
0x2cf: {  	v6 =	vld [tilespmem:s0+$0xFFFFFFD0]  }
0x2d0: {  	v7 =	vld [tilespmem:s31+$0xFFFFFFE0]  }
0x2d1: {  	v8 =	vld [tilespmem:s0+$0xFFFFFFE0]  }
0x2d2: {  	v9 =	vld [tilespmem:s31+$0xFFFFFFF0]  }
0x2d3: {  	v10 =	vld [tilespmem:s0+$0xFFFFFFF0]  }
0x2d4: {  	v11 =	vld [tilespmem:s31+$0x0]  }
0x2d5: {  	v12 =	vld [tilespmem:s0+$0x0]  }
0x2d6: {  	v13 =	vld [tilespmem:s31+$0x10]  }
0x2d7: {  	v14 =	vld [tilespmem:s0+$0x10]  }
0x2d8: {  	v15 =	vld [tilespmem:s31+$0x20]  }
0x2d9: {  	v16 =	vld [tilespmem:s0+$0x20]  }
0x2da: {  	v17 =	vld [tilespmem:s31+$0xFFFFFFC0]  }
0x2db: {  	v18 =	vld [tilespmem:s1+$0xFFFFFFC0]  }
0x2dc: {  	v19 =	vld [tilespmem:s1+$0xFFFFFFD0]  }
0x2dd: {  	v20 =	vlaneseq.u32;
	v3 =	vld [tilespmem:s1+$0xFFFFFFE0]  }
0x2de: {  	vm1 =	vgt.f32 v0, v1;
	vm5 =	vgt.f32 v5, v6;
	v0 =	vor.u32 $0x80000, v20;
	v1 =	vld [tilespmem:s1+$0xFFFFFFF0]  }
0x2df: {  	s2 =	simm.s32 $0x16128;
	vm0 =	vgt.f32 v7, v8;
	vm3 =	vgt.f32 v17, v4;
	v4 =	vsel vm1, v2, v0;
	v2 =	vld [tilespmem:s1+$0x0]  }
0x2e0: {  	vm2 =	vgt.f32 v9, v10;
	vm4 =	vgt.f32 v15, v16;
	v5 =	vsel vm3, v18, v0;
	[tilespmem:s2+$0x30] =	vst v4;
	v4 =	vld [tilespmem:s1+$0x10]  }
0x2e1: {  	s4 =	simm.s32 $0x1B5A8;
	s3 =	simm.s32 $0x0;
	vm1 =	vgt.f32 v11, v12;
	vm3 =	vgt.f32 v13, v14;
	v6 =	vsel vm5, v19, v0;
	[tilespmem:s2+$0xFFFFFFC0] =	vst v5;
	v5 =	vld [tilespmem:s1+$0x20]  }
.LBB2_9:
0x2e2: {  	v7 =	vld [tilespmem:s4+$0x30];
	[tilespmem:s2+$0xFFFFFFD0] =	vst v6;
	v3 =	vsel vm0, v3, v0;
	s0 =	sadd.s32 $0x80, s0  }
0x2e3: {  	s3 =	sadd.s32 $0x8, s3;
	s1 =	sadd.s32 $0x80, s1;
	v6 =	vld [tilespmem:s0+$0x30];
	[tilespmem:s2+$0xFFFFFFE0] =	vst v3;
	v1 =	vsel vm2, v1, v0  }
0x2e4: {  	p1 =	slt.u32 s3, $0x1B8;
	v3 =	vld [tilespmem:s1+$0x30];
	[tilespmem:s2+$0xFFFFFFF0] =	vst v1;
	v1 =	vsel vm1, v2, v0  }
0x2e5: {  	v2 =	vld [tilespmem:s0+$0xFFFFFFC0];
	[tilespmem:s2+$0x0] =	vst v1;
	v1 =	vsel vm3, v4, v0  }
0x2e6: {  	v4 =	vld [tilespmem:s4+$0xFFFFFFD0];
	[tilespmem:s2+$0x10] =	vst v1;
	v1 =	vsel vm4, v5, v0  }
0x2e7: {  	v5 =	vld [tilespmem:s0+$0xFFFFFFD0];
	[tilespmem:s2+$0x20] =	vst v1  }
0x2e8: {  	v1 =	vld [tilespmem:s4+$0xFFFFFFE0];
	vm0 =	vgt.f32 v7, v6  }
0x2e9: {  	s2 =	sadd.s32 $0x80, s2;
	v6 =	vld [tilespmem:s0+$0xFFFFFFE0];
	v3 =	vsel vm0, v3, v0  }
0x2ea: {  	v7 =	vld [tilespmem:s4+$0xFFFFFFF0];
	[tilespmem:s2+$0x30] =	vst v3  }
0x2eb: {  	v3 =	vld [tilespmem:s0+$0xFFFFFFF0]  }
0x2ec: {  	vm5 =	vgt.f32 v4, v5;
	v4 =	vld [tilespmem:s4+$0x0]  }
0x2ed: {  	v5 =	vld [tilespmem:s0+$0x0]  }
0x2ee: {  	vm0 =	vgt.f32 v1, v6;
	v1 =	vld [tilespmem:s4+$0x10]  }
0x2ef: {  	v6 =	vld [tilespmem:s0+$0x10]  }
0x2f0: {  	vm2 =	vgt.f32 v7, v3;
	v7 =	vld [tilespmem:s4+$0x20]  }
0x2f1: {  	v8 =	vld [tilespmem:s0+$0x20]  }
0x2f2: {  	v9 =	vld [tilespmem:s4+$0xFFFFFFC0];
	vm1 =	vgt.f32 v4, v5  }
0x2f3: {  	v4 =	vld [tilespmem:s1+$0xFFFFFFC0]  }
0x2f4: {  	v5 =	vld [tilespmem:s1+$0xFFFFFFD0];
	vm3 =	vgt.f32 v1, v6  }
.Ltmp4:
0x2f5: {  	v3 =	vld [tilespmem:s1+$0xFFFFFFE0];
	(pc) =	sbr.rel @p1 .LBB2_9-.Ltmp4, $4  }
0x2f6: {  	v1 =	vld [tilespmem:s1+$0xFFFFFFF0];
	vm4 =	vgt.f32 v7, v8  }
0x2f7: {  	vm6 =	vgt.f32 v9, v2;
	v2 =	vld [tilespmem:s1+$0x0]  }
0x2f8: {  	v6 =	vsel vm6, v4, v0;
	v4 =	vld [tilespmem:s1+$0x10]  }
0x2f9: {  	s4 =	sadd.s32 $0x80, s4;
	[tilespmem:s2+$0xFFFFFFC0] =	vst v6;
	v6 =	vsel vm5, v5, v0;
	v5 =	vld [tilespmem:s1+$0x20]  }
0x2fa: {  	[tilespmem:s2+$0xFFFFFFD0] =	vst v6;
	v3 =	vsel vm0, v3, v0  }
0x2fb: {  	[tilespmem:s2+$0xFFFFFFE0] =	vst v3;
	v1 =	vsel vm2, v1, v0  }
0x2fc: {  	[tilespmem:s2+$0xFFFFFFF0] =	vst v1;
	v1 =	vsel vm1, v2, v0  }
0x2fd: {  	[tilespmem:s2+$0x0] =	vst v1;
	v1 =	vsel vm3, v4, v0  }
0x2fe: {  	s0 =	simm.s32 $0x1C00;
	[tilespmem:s2+$0x10] =	vst v1;
	v0 =	vsel vm4, v5, v0  }
0x2ff: {  	s1 =	simm.s32 $0x160E8;
	s28 =	simm.s32 $0x1B4E8;
	s29 =	simm.s32 $0x1;
	[tilespmem:s2+$0x20] =	vst v0  }
0x300: {  	[spmem:s10] =	stream.indirect.scatter [tilespmem:s28], [sflag:$0x1], $0x1, s1, s0, $0xb8;
	[tilespmem:$0x1E168] =	vst v63  }
0x301: {  	_ =	swait.ge [sflag:s29], $0x1C00  }
0x302: {  	[sflag:s29] =	ssyncset.done $0x0  }
0x303: {  	[sflag:s29] =	ssyncadd.s32 $0xFFFFE400  }
0x304: {  	s30 =	simm.s32 $0xF0E8;
	s3 =	simm.s32 $0x128E8;
	[bflag:$0x0] =	sbarrier.arrive $0xFFFF  }
0x305: {  	[tilespmem:s3], [sflag:$0x1] =	stream.indirect.gather [spmem:s10], $0x1, s30, s0, $0xb8;
	[tilespmem:$0x1E168] =	vst v63  }
0x306: {  	_ =	swait.ge [sflag:s29], $0x1C00  }
0x307: {  	[sflag:s29] =	ssyncset.done $0x0  }
0x308: {  	[sflag:s29] =	ssyncadd.s32 $0xFFFFE400  }
0x309: {  	s31 =	simm.s32 $0x1B528;
	[bflag:$0x0] =	sbarrier.arrive $0xFFFF  }
0x30a: {  	s0 =	simm.s32 $0x12928;
	v0 =	vld [tilespmem:s31+$0x30]  }
0x30b: {  	s1 =	simm.s32 $0xF128;
	v1 =	vld [tilespmem:s0+$0x30]  }
0x30c: {  	v2 =	vld [tilespmem:s1+$0x30]  }
0x30d: {  	v4 =	vld [tilespmem:s0+$0xFFFFFFC0]  }
0x30e: {  	v5 =	vld [tilespmem:s31+$0xFFFFFFD0]  }
0x30f: {  	v6 =	vld [tilespmem:s0+$0xFFFFFFD0]  }
0x310: {  	v7 =	vld [tilespmem:s31+$0xFFFFFFE0]  }
0x311: {  	v8 =	vld [tilespmem:s0+$0xFFFFFFE0]  }
0x312: {  	v9 =	vld [tilespmem:s31+$0xFFFFFFF0]  }
0x313: {  	v10 =	vld [tilespmem:s0+$0xFFFFFFF0]  }
0x314: {  	v11 =	vld [tilespmem:s31+$0x0]  }
0x315: {  	v12 =	vld [tilespmem:s0+$0x0]  }
0x316: {  	v13 =	vld [tilespmem:s31+$0x10]  }
0x317: {  	v14 =	vld [tilespmem:s0+$0x10]  }
0x318: {  	v15 =	vld [tilespmem:s31+$0x20]  }
0x319: {  	v16 =	vld [tilespmem:s0+$0x20]  }
0x31a: {  	v17 =	vld [tilespmem:s31+$0xFFFFFFC0]  }
0x31b: {  	v18 =	vld [tilespmem:s1+$0xFFFFFFC0]  }
0x31c: {  	v19 =	vld [tilespmem:s1+$0xFFFFFFD0]  }
0x31d: {  	v20 =	vlaneseq.u32;
	v3 =	vld [tilespmem:s1+$0xFFFFFFE0]  }
0x31e: {  	vm1 =	vgt.f32 v0, v1;
	vm5 =	vgt.f32 v5, v6;
	v0 =	vor.u32 $0x80000, v20;
	v1 =	vld [tilespmem:s1+$0xFFFFFFF0]  }
0x31f: {  	s2 =	simm.s32 $0x16128;
	vm0 =	vgt.f32 v7, v8;
	vm3 =	vgt.f32 v17, v4;
	v4 =	vsel vm1, v2, v0;
	v2 =	vld [tilespmem:s1+$0x0]  }
0x320: {  	vm2 =	vgt.f32 v9, v10;
	vm4 =	vgt.f32 v15, v16;
	v5 =	vsel vm3, v18, v0;
	[tilespmem:s2+$0x30] =	vst v4;
	v4 =	vld [tilespmem:s1+$0x10]  }
0x321: {  	s4 =	simm.s32 $0x1B5A8;
	s3 =	simm.s32 $0x0;
	vm1 =	vgt.f32 v11, v12;
	vm3 =	vgt.f32 v13, v14;
	v6 =	vsel vm5, v19, v0;
	[tilespmem:s2+$0xFFFFFFC0] =	vst v5;
	v5 =	vld [tilespmem:s1+$0x20]  }
.LBB2_11:
0x322: {  	v7 =	vld [tilespmem:s4+$0x30];
	[tilespmem:s2+$0xFFFFFFD0] =	vst v6;
	v3 =	vsel vm0, v3, v0;
	s0 =	sadd.s32 $0x80, s0  }
0x323: {  	s3 =	sadd.s32 $0x8, s3;
	s1 =	sadd.s32 $0x80, s1;
	v6 =	vld [tilespmem:s0+$0x30];
	[tilespmem:s2+$0xFFFFFFE0] =	vst v3;
	v1 =	vsel vm2, v1, v0  }
0x324: {  	p1 =	slt.u32 s3, $0x1B8;
	v3 =	vld [tilespmem:s1+$0x30];
	[tilespmem:s2+$0xFFFFFFF0] =	vst v1;
	v1 =	vsel vm1, v2, v0  }
0x325: {  	v2 =	vld [tilespmem:s0+$0xFFFFFFC0];
	[tilespmem:s2+$0x0] =	vst v1;
	v1 =	vsel vm3, v4, v0  }
0x326: {  	v4 =	vld [tilespmem:s4+$0xFFFFFFD0];
	[tilespmem:s2+$0x10] =	vst v1;
	v1 =	vsel vm4, v5, v0  }
0x327: {  	v5 =	vld [tilespmem:s0+$0xFFFFFFD0];
	[tilespmem:s2+$0x20] =	vst v1  }
0x328: {  	v1 =	vld [tilespmem:s4+$0xFFFFFFE0];
	vm0 =	vgt.f32 v7, v6  }
0x329: {  	s2 =	sadd.s32 $0x80, s2;
	v6 =	vld [tilespmem:s0+$0xFFFFFFE0];
	v3 =	vsel vm0, v3, v0  }
0x32a: {  	v7 =	vld [tilespmem:s4+$0xFFFFFFF0];
	[tilespmem:s2+$0x30] =	vst v3  }
0x32b: {  	v3 =	vld [tilespmem:s0+$0xFFFFFFF0]  }
0x32c: {  	vm5 =	vgt.f32 v4, v5;
	v4 =	vld [tilespmem:s4+$0x0]  }
0x32d: {  	v5 =	vld [tilespmem:s0+$0x0]  }
0x32e: {  	vm0 =	vgt.f32 v1, v6;
	v1 =	vld [tilespmem:s4+$0x10]  }
0x32f: {  	v6 =	vld [tilespmem:s0+$0x10]  }
0x330: {  	vm2 =	vgt.f32 v7, v3;
	v7 =	vld [tilespmem:s4+$0x20]  }
0x331: {  	v8 =	vld [tilespmem:s0+$0x20]  }
0x332: {  	v9 =	vld [tilespmem:s4+$0xFFFFFFC0];
	vm1 =	vgt.f32 v4, v5  }
0x333: {  	v4 =	vld [tilespmem:s1+$0xFFFFFFC0]  }
0x334: {  	v5 =	vld [tilespmem:s1+$0xFFFFFFD0];
	vm3 =	vgt.f32 v1, v6  }
.Ltmp5:
0x335: {  	v3 =	vld [tilespmem:s1+$0xFFFFFFE0];
	(pc) =	sbr.rel @p1 .LBB2_11-.Ltmp5, $4  }
0x336: {  	v1 =	vld [tilespmem:s1+$0xFFFFFFF0];
	vm4 =	vgt.f32 v7, v8  }
0x337: {  	vm6 =	vgt.f32 v9, v2;
	v2 =	vld [tilespmem:s1+$0x0]  }
0x338: {  	v6 =	vsel vm6, v4, v0;
	v4 =	vld [tilespmem:s1+$0x10]  }
0x339: {  	s4 =	sadd.s32 $0x80, s4;
	[tilespmem:s2+$0xFFFFFFC0] =	vst v6;
	v6 =	vsel vm5, v5, v0;
	v5 =	vld [tilespmem:s1+$0x20]  }
0x33a: {  	[tilespmem:s2+$0xFFFFFFD0] =	vst v6;
	v3 =	vsel vm0, v3, v0  }
0x33b: {  	[tilespmem:s2+$0xFFFFFFE0] =	vst v3;
	v1 =	vsel vm2, v1, v0  }
0x33c: {  	[tilespmem:s2+$0xFFFFFFF0] =	vst v1;
	v1 =	vsel vm1, v2, v0  }
0x33d: {  	[tilespmem:s2+$0x0] =	vst v1;
	v1 =	vsel vm3, v4, v0  }
0x33e: {  	s0 =	simm.s32 $0x1C00;
	[tilespmem:s2+$0x10] =	vst v1;
	v0 =	vsel vm4, v5, v0  }
0x33f: {  	s1 =	simm.s32 $0x160E8;
	s28 =	simm.s32 $0x1B4E8;
	s29 =	simm.s32 $0x1;
	[tilespmem:s2+$0x20] =	vst v0  }
0x340: {  	[spmem:s10] =	stream.indirect.scatter [tilespmem:s28], [sflag:$0x1], $0x1, s1, s0, $0xb8;
	[tilespmem:$0x1E168] =	vst v63  }
0x341: {  	_ =	swait.ge [sflag:s29], $0x1C00  }
0x342: {  	[sflag:s29] =	ssyncset.done $0x0  }
0x343: {  	[sflag:s29] =	ssyncadd.s32 $0xFFFFE400  }
0x344: {  	s30 =	simm.s32 $0xF0E8;
	s3 =	simm.s32 $0x128E8;
	[bflag:$0x0] =	sbarrier.arrive $0xFFFF  }
0x345: {  	[tilespmem:s3], [sflag:$0x1] =	stream.indirect.gather [spmem:s10], $0x1, s30, s0, $0xb8;
	[tilespmem:$0x1E168] =	vst v63  }
0x346: {  	_ =	swait.ge [sflag:s29], $0x1C00  }
0x347: {  	[sflag:s29] =	ssyncset.done $0x0  }
0x348: {  	[sflag:s29] =	ssyncadd.s32 $0xFFFFE400  }
0x349: {  	s31 =	simm.s32 $0x1B528;
	[bflag:$0x0] =	sbarrier.arrive $0xFFFF  }
0x34a: {  	s0 =	simm.s32 $0x12928;
	v0 =	vld [tilespmem:s31+$0x30]  }
0x34b: {  	s1 =	simm.s32 $0xF128;
	v1 =	vld [tilespmem:s0+$0x30]  }
0x34c: {  	v2 =	vld [tilespmem:s1+$0x30]  }
0x34d: {  	v4 =	vld [tilespmem:s0+$0xFFFFFFC0]  }
0x34e: {  	v5 =	vld [tilespmem:s31+$0xFFFFFFD0]  }
0x34f: {  	v6 =	vld [tilespmem:s0+$0xFFFFFFD0]  }
0x350: {  	v7 =	vld [tilespmem:s31+$0xFFFFFFE0]  }
0x351: {  	v8 =	vld [tilespmem:s0+$0xFFFFFFE0]  }
0x352: {  	v9 =	vld [tilespmem:s31+$0xFFFFFFF0]  }
0x353: {  	v10 =	vld [tilespmem:s0+$0xFFFFFFF0]  }
0x354: {  	v11 =	vld [tilespmem:s31+$0x0]  }
0x355: {  	v12 =	vld [tilespmem:s0+$0x0]  }
0x356: {  	v13 =	vld [tilespmem:s31+$0x10]  }
0x357: {  	v14 =	vld [tilespmem:s0+$0x10]  }
0x358: {  	v15 =	vld [tilespmem:s31+$0x20]  }
0x359: {  	v16 =	vld [tilespmem:s0+$0x20]  }
0x35a: {  	v17 =	vld [tilespmem:s31+$0xFFFFFFC0]  }
0x35b: {  	v18 =	vld [tilespmem:s1+$0xFFFFFFC0]  }
0x35c: {  	v19 =	vld [tilespmem:s1+$0xFFFFFFD0]  }
0x35d: {  	v20 =	vlaneseq.u32;
	v3 =	vld [tilespmem:s1+$0xFFFFFFE0]  }
0x35e: {  	vm1 =	vgt.f32 v0, v1;
	vm5 =	vgt.f32 v5, v6;
	v0 =	vor.u32 $0x80000, v20;
	v1 =	vld [tilespmem:s1+$0xFFFFFFF0]  }
0x35f: {  	s2 =	simm.s32 $0x16128;
	vm0 =	vgt.f32 v7, v8;
	vm3 =	vgt.f32 v17, v4;
	v4 =	vsel vm1, v2, v0;
	v2 =	vld [tilespmem:s1+$0x0]  }
0x360: {  	vm2 =	vgt.f32 v9, v10;
	vm4 =	vgt.f32 v15, v16;
	v5 =	vsel vm3, v18, v0;
	[tilespmem:s2+$0x30] =	vst v4;
	v4 =	vld [tilespmem:s1+$0x10]  }
0x361: {  	s4 =	simm.s32 $0x1B5A8;
	s3 =	simm.s32 $0x0;
	vm1 =	vgt.f32 v11, v12;
	vm3 =	vgt.f32 v13, v14;
	v6 =	vsel vm5, v19, v0;
	[tilespmem:s2+$0xFFFFFFC0] =	vst v5;
	v5 =	vld [tilespmem:s1+$0x20]  }
.LBB2_13:
0x362: {  	v7 =	vld [tilespmem:s4+$0x30];
	[tilespmem:s2+$0xFFFFFFD0] =	vst v6;
	v3 =	vsel vm0, v3, v0;
	s0 =	sadd.s32 $0x80, s0  }
0x363: {  	s3 =	sadd.s32 $0x8, s3;
	s1 =	sadd.s32 $0x80, s1;
	v6 =	vld [tilespmem:s0+$0x30];
	[tilespmem:s2+$0xFFFFFFE0] =	vst v3;
	v1 =	vsel vm2, v1, v0  }
0x364: {  	p1 =	slt.u32 s3, $0x1B8;
	v3 =	vld [tilespmem:s1+$0x30];
	[tilespmem:s2+$0xFFFFFFF0] =	vst v1;
	v1 =	vsel vm1, v2, v0  }
0x365: {  	v2 =	vld [tilespmem:s0+$0xFFFFFFC0];
	[tilespmem:s2+$0x0] =	vst v1;
	v1 =	vsel vm3, v4, v0  }
0x366: {  	v4 =	vld [tilespmem:s4+$0xFFFFFFD0];
	[tilespmem:s2+$0x10] =	vst v1;
	v1 =	vsel vm4, v5, v0  }
0x367: {  	v5 =	vld [tilespmem:s0+$0xFFFFFFD0];
	[tilespmem:s2+$0x20] =	vst v1  }
0x368: {  	v1 =	vld [tilespmem:s4+$0xFFFFFFE0];
	vm0 =	vgt.f32 v7, v6  }
0x369: {  	s2 =	sadd.s32 $0x80, s2;
	v6 =	vld [tilespmem:s0+$0xFFFFFFE0];
	v3 =	vsel vm0, v3, v0  }
0x36a: {  	v7 =	vld [tilespmem:s4+$0xFFFFFFF0];
	[tilespmem:s2+$0x30] =	vst v3  }
0x36b: {  	v3 =	vld [tilespmem:s0+$0xFFFFFFF0]  }
0x36c: {  	vm5 =	vgt.f32 v4, v5;
	v4 =	vld [tilespmem:s4+$0x0]  }
0x36d: {  	v5 =	vld [tilespmem:s0+$0x0]  }
0x36e: {  	vm0 =	vgt.f32 v1, v6;
	v1 =	vld [tilespmem:s4+$0x10]  }
0x36f: {  	v6 =	vld [tilespmem:s0+$0x10]  }
0x370: {  	vm2 =	vgt.f32 v7, v3;
	v7 =	vld [tilespmem:s4+$0x20]  }
0x371: {  	v8 =	vld [tilespmem:s0+$0x20]  }
0x372: {  	v9 =	vld [tilespmem:s4+$0xFFFFFFC0];
	vm1 =	vgt.f32 v4, v5  }
0x373: {  	v4 =	vld [tilespmem:s1+$0xFFFFFFC0]  }
0x374: {  	v5 =	vld [tilespmem:s1+$0xFFFFFFD0];
	vm3 =	vgt.f32 v1, v6  }
.Ltmp6:
0x375: {  	v3 =	vld [tilespmem:s1+$0xFFFFFFE0];
	(pc) =	sbr.rel @p1 .LBB2_13-.Ltmp6, $4  }
0x376: {  	v1 =	vld [tilespmem:s1+$0xFFFFFFF0];
	vm4 =	vgt.f32 v7, v8  }
0x377: {  	vm6 =	vgt.f32 v9, v2;
	v2 =	vld [tilespmem:s1+$0x0]  }
0x378: {  	v6 =	vsel vm6, v4, v0;
	v4 =	vld [tilespmem:s1+$0x10]  }
0x379: {  	s4 =	sadd.s32 $0x80, s4;
	[tilespmem:s2+$0xFFFFFFC0] =	vst v6;
	v6 =	vsel vm5, v5, v0;
	v5 =	vld [tilespmem:s1+$0x20]  }
0x37a: {  	[tilespmem:s2+$0xFFFFFFD0] =	vst v6;
	v3 =	vsel vm0, v3, v0  }
0x37b: {  	[tilespmem:s2+$0xFFFFFFE0] =	vst v3;
	v1 =	vsel vm2, v1, v0  }
0x37c: {  	[tilespmem:s2+$0xFFFFFFF0] =	vst v1;
	v1 =	vsel vm1, v2, v0  }
0x37d: {  	[tilespmem:s2+$0x0] =	vst v1;
	v1 =	vsel vm3, v4, v0  }
0x37e: {  	s0 =	simm.s32 $0x1C00;
	[tilespmem:s2+$0x10] =	vst v1;
	v0 =	vsel vm4, v5, v0  }
0x37f: {  	s1 =	simm.s32 $0x160E8;
	s28 =	simm.s32 $0x1B4E8;
	s29 =	simm.s32 $0x1;
	[tilespmem:s2+$0x20] =	vst v0  }
0x380: {  	[spmem:s10] =	stream.indirect.scatter [tilespmem:s28], [sflag:$0x1], $0x1, s1, s0, $0xb8;
	[tilespmem:$0x1E168] =	vst v63  }
0x381: {  	_ =	swait.ge [sflag:s29], $0x1C00  }
0x382: {  	[sflag:s29] =	ssyncset.done $0x0  }
0x383: {  	[sflag:s29] =	ssyncadd.s32 $0xFFFFE400  }
0x384: {  	s30 =	simm.s32 $0xF0E8;
	s3 =	simm.s32 $0x128E8;
	[bflag:$0x0] =	sbarrier.arrive $0xFFFF  }
0x385: {  	[tilespmem:s3], [sflag:$0x1] =	stream.indirect.gather [spmem:s10], $0x1, s30, s0, $0xb8;
	[tilespmem:$0x1E168] =	vst v63  }
0x386: {  	_ =	swait.ge [sflag:s29], $0x1C00  }
0x387: {  	[sflag:s29] =	ssyncset.done $0x0  }
0x388: {  	[sflag:s29] =	ssyncadd.s32 $0xFFFFE400  }
0x389: {  	s31 =	simm.s32 $0x1B528;
	[bflag:$0x0] =	sbarrier.arrive $0xFFFF  }
0x38a: {  	s0 =	simm.s32 $0x12928;
	v0 =	vld [tilespmem:s31+$0x30]  }
0x38b: {  	s1 =	simm.s32 $0xF128;
	v1 =	vld [tilespmem:s0+$0x30]  }
0x38c: {  	v2 =	vld [tilespmem:s1+$0x30]  }
0x38d: {  	v4 =	vld [tilespmem:s0+$0xFFFFFFC0]  }
0x38e: {  	v5 =	vld [tilespmem:s31+$0xFFFFFFD0]  }
0x38f: {  	v6 =	vld [tilespmem:s0+$0xFFFFFFD0]  }
0x390: {  	v7 =	vld [tilespmem:s31+$0xFFFFFFE0]  }
0x391: {  	v8 =	vld [tilespmem:s0+$0xFFFFFFE0]  }
0x392: {  	v9 =	vld [tilespmem:s31+$0xFFFFFFF0]  }
0x393: {  	v10 =	vld [tilespmem:s0+$0xFFFFFFF0]  }
0x394: {  	v11 =	vld [tilespmem:s31+$0x0]  }
0x395: {  	v12 =	vld [tilespmem:s0+$0x0]  }
0x396: {  	v13 =	vld [tilespmem:s31+$0x10]  }
0x397: {  	v14 =	vld [tilespmem:s0+$0x10]  }
0x398: {  	v15 =	vld [tilespmem:s31+$0x20]  }
0x399: {  	v16 =	vld [tilespmem:s0+$0x20]  }
0x39a: {  	v17 =	vld [tilespmem:s31+$0xFFFFFFC0]  }
0x39b: {  	v18 =	vld [tilespmem:s1+$0xFFFFFFC0]  }
0x39c: {  	v19 =	vld [tilespmem:s1+$0xFFFFFFD0]  }
0x39d: {  	v20 =	vlaneseq.u32;
	v3 =	vld [tilespmem:s1+$0xFFFFFFE0]  }
0x39e: {  	vm1 =	vgt.f32 v0, v1;
	vm5 =	vgt.f32 v5, v6;
	v0 =	vor.u32 $0x80000, v20;
	v1 =	vld [tilespmem:s1+$0xFFFFFFF0]  }
0x39f: {  	s2 =	simm.s32 $0x16128;
	vm0 =	vgt.f32 v7, v8;
	vm3 =	vgt.f32 v17, v4;
	v4 =	vsel vm1, v2, v0;
	v2 =	vld [tilespmem:s1+$0x0]  }
0x3a0: {  	vm2 =	vgt.f32 v9, v10;
	vm4 =	vgt.f32 v15, v16;
	v5 =	vsel vm3, v18, v0;
	[tilespmem:s2+$0x30] =	vst v4;
	v4 =	vld [tilespmem:s1+$0x10]  }
0x3a1: {  	s4 =	simm.s32 $0x1B5A8;
	s3 =	simm.s32 $0x0;
	vm1 =	vgt.f32 v11, v12;
	vm3 =	vgt.f32 v13, v14;
	v6 =	vsel vm5, v19, v0;
	[tilespmem:s2+$0xFFFFFFC0] =	vst v5;
	v5 =	vld [tilespmem:s1+$0x20]  }
.LBB2_15:
0x3a2: {  	v7 =	vld [tilespmem:s4+$0x30];
	[tilespmem:s2+$0xFFFFFFD0] =	vst v6;
	v3 =	vsel vm0, v3, v0;
	s0 =	sadd.s32 $0x80, s0  }
0x3a3: {  	s3 =	sadd.s32 $0x8, s3;
	s1 =	sadd.s32 $0x80, s1;
	v6 =	vld [tilespmem:s0+$0x30];
	[tilespmem:s2+$0xFFFFFFE0] =	vst v3;
	v1 =	vsel vm2, v1, v0  }
0x3a4: {  	p1 =	slt.u32 s3, $0x1B8;
	v3 =	vld [tilespmem:s1+$0x30];
	[tilespmem:s2+$0xFFFFFFF0] =	vst v1;
	v1 =	vsel vm1, v2, v0  }
0x3a5: {  	v2 =	vld [tilespmem:s0+$0xFFFFFFC0];
	[tilespmem:s2+$0x0] =	vst v1;
	v1 =	vsel vm3, v4, v0  }
0x3a6: {  	v4 =	vld [tilespmem:s4+$0xFFFFFFD0];
	[tilespmem:s2+$0x10] =	vst v1;
	v1 =	vsel vm4, v5, v0  }
0x3a7: {  	v5 =	vld [tilespmem:s0+$0xFFFFFFD0];
	[tilespmem:s2+$0x20] =	vst v1  }
0x3a8: {  	v1 =	vld [tilespmem:s4+$0xFFFFFFE0];
	vm0 =	vgt.f32 v7, v6  }
0x3a9: {  	s2 =	sadd.s32 $0x80, s2;
	v6 =	vld [tilespmem:s0+$0xFFFFFFE0];
	v3 =	vsel vm0, v3, v0  }
0x3aa: {  	v7 =	vld [tilespmem:s4+$0xFFFFFFF0];
	[tilespmem:s2+$0x30] =	vst v3  }
0x3ab: {  	v3 =	vld [tilespmem:s0+$0xFFFFFFF0]  }
0x3ac: {  	vm5 =	vgt.f32 v4, v5;
	v4 =	vld [tilespmem:s4+$0x0]  }
0x3ad: {  	v5 =	vld [tilespmem:s0+$0x0]  }
0x3ae: {  	vm0 =	vgt.f32 v1, v6;
	v1 =	vld [tilespmem:s4+$0x10]  }
0x3af: {  	v6 =	vld [tilespmem:s0+$0x10]  }
0x3b0: {  	vm2 =	vgt.f32 v7, v3;
	v7 =	vld [tilespmem:s4+$0x20]  }
0x3b1: {  	v8 =	vld [tilespmem:s0+$0x20]  }
0x3b2: {  	v9 =	vld [tilespmem:s4+$0xFFFFFFC0];
	vm1 =	vgt.f32 v4, v5  }
0x3b3: {  	v4 =	vld [tilespmem:s1+$0xFFFFFFC0]  }
0x3b4: {  	v5 =	vld [tilespmem:s1+$0xFFFFFFD0];
	vm3 =	vgt.f32 v1, v6  }
.Ltmp7:
0x3b5: {  	v3 =	vld [tilespmem:s1+$0xFFFFFFE0];
	(pc) =	sbr.rel @p1 .LBB2_15-.Ltmp7, $4  }
0x3b6: {  	v1 =	vld [tilespmem:s1+$0xFFFFFFF0];
	vm4 =	vgt.f32 v7, v8  }
0x3b7: {  	vm6 =	vgt.f32 v9, v2;
	v2 =	vld [tilespmem:s1+$0x0]  }
0x3b8: {  	v6 =	vsel vm6, v4, v0;
	v4 =	vld [tilespmem:s1+$0x10]  }
0x3b9: {  	s4 =	sadd.s32 $0x80, s4;
	[tilespmem:s2+$0xFFFFFFC0] =	vst v6;
	v6 =	vsel vm5, v5, v0;
	v5 =	vld [tilespmem:s1+$0x20]  }
0x3ba: {  	[tilespmem:s2+$0xFFFFFFD0] =	vst v6;
	v3 =	vsel vm0, v3, v0  }
0x3bb: {  	[tilespmem:s2+$0xFFFFFFE0] =	vst v3;
	v1 =	vsel vm2, v1, v0  }
0x3bc: {  	[tilespmem:s2+$0xFFFFFFF0] =	vst v1;
	v1 =	vsel vm1, v2, v0  }
0x3bd: {  	[tilespmem:s2+$0x0] =	vst v1;
	v1 =	vsel vm3, v4, v0  }
0x3be: {  	s0 =	simm.s32 $0x1C00;
	[tilespmem:s2+$0x10] =	vst v1;
	v0 =	vsel vm4, v5, v0  }
0x3bf: {  	s1 =	simm.s32 $0x160E8;
	s28 =	simm.s32 $0x1B4E8;
	s29 =	simm.s32 $0x1;
	[tilespmem:s2+$0x20] =	vst v0  }
0x3c0: {  	[spmem:s10] =	stream.indirect.scatter [tilespmem:s28], [sflag:$0x1], $0x1, s1, s0, $0xb8;
	[tilespmem:$0x1E168] =	vst v63  }
0x3c1: {  	_ =	swait.ge [sflag:s29], $0x1C00  }
0x3c2: {  	[sflag:s29] =	ssyncset.done $0x0  }
0x3c3: {  	[sflag:s29] =	ssyncadd.s32 $0xFFFFE400  }
0x3c4: {  	s30 =	simm.s32 $0xF0E8;
	s3 =	simm.s32 $0x128E8;
	[bflag:$0x0] =	sbarrier.arrive $0xFFFF  }
0x3c5: {  	[tilespmem:s3], [sflag:$0x1] =	stream.indirect.gather [spmem:s10], $0x1, s30, s0, $0xb8;
	[tilespmem:$0x1E168] =	vst v63  }
0x3c6: {  	_ =	swait.ge [sflag:s29], $0x1C00  }
0x3c7: {  	[sflag:s29] =	ssyncset.done $0x0  }
0x3c8: {  	[sflag:s29] =	ssyncadd.s32 $0xFFFFE400  }
0x3c9: {  	s31 =	simm.s32 $0x1B528;
	[bflag:$0x0] =	sbarrier.arrive $0xFFFF  }
0x3ca: {  	s0 =	simm.s32 $0x12928;
	v0 =	vld [tilespmem:s31+$0x30]  }
0x3cb: {  	s1 =	simm.s32 $0xF128;
	v1 =	vld [tilespmem:s0+$0x30]  }
0x3cc: {  	v2 =	vld [tilespmem:s1+$0x30]  }
0x3cd: {  	v4 =	vld [tilespmem:s0+$0xFFFFFFC0]  }
0x3ce: {  	v5 =	vld [tilespmem:s31+$0xFFFFFFD0]  }
0x3cf: {  	v6 =	vld [tilespmem:s0+$0xFFFFFFD0]  }
0x3d0: {  	v7 =	vld [tilespmem:s31+$0xFFFFFFE0]  }
0x3d1: {  	v8 =	vld [tilespmem:s0+$0xFFFFFFE0]  }
0x3d2: {  	v9 =	vld [tilespmem:s31+$0xFFFFFFF0]  }
0x3d3: {  	v10 =	vld [tilespmem:s0+$0xFFFFFFF0]  }
0x3d4: {  	v11 =	vld [tilespmem:s31+$0x0]  }
0x3d5: {  	v12 =	vld [tilespmem:s0+$0x0]  }
0x3d6: {  	v13 =	vld [tilespmem:s31+$0x10]  }
0x3d7: {  	v14 =	vld [tilespmem:s0+$0x10]  }
0x3d8: {  	v15 =	vld [tilespmem:s31+$0x20]  }
0x3d9: {  	v16 =	vld [tilespmem:s0+$0x20]  }
0x3da: {  	v17 =	vld [tilespmem:s31+$0xFFFFFFC0]  }
0x3db: {  	v18 =	vld [tilespmem:s1+$0xFFFFFFC0]  }
0x3dc: {  	v19 =	vld [tilespmem:s1+$0xFFFFFFD0]  }
0x3dd: {  	v20 =	vlaneseq.u32;
	v3 =	vld [tilespmem:s1+$0xFFFFFFE0]  }
0x3de: {  	vm1 =	vgt.f32 v0, v1;
	vm5 =	vgt.f32 v5, v6;
	v0 =	vor.u32 $0x80000, v20;
	v1 =	vld [tilespmem:s1+$0xFFFFFFF0]  }
0x3df: {  	s2 =	simm.s32 $0x16128;
	vm0 =	vgt.f32 v7, v8;
	vm3 =	vgt.f32 v17, v4;
	v4 =	vsel vm1, v2, v0;
	v2 =	vld [tilespmem:s1+$0x0]  }
0x3e0: {  	vm2 =	vgt.f32 v9, v10;
	vm4 =	vgt.f32 v15, v16;
	v5 =	vsel vm3, v18, v0;
	[tilespmem:s2+$0x30] =	vst v4;
	v4 =	vld [tilespmem:s1+$0x10]  }
0x3e1: {  	s4 =	simm.s32 $0x1B5A8;
	s3 =	simm.s32 $0x0;
	vm1 =	vgt.f32 v11, v12;
	vm3 =	vgt.f32 v13, v14;
	v6 =	vsel vm5, v19, v0;
	[tilespmem:s2+$0xFFFFFFC0] =	vst v5;
	v5 =	vld [tilespmem:s1+$0x20]  }
.LBB2_17:
0x3e2: {  	v7 =	vld [tilespmem:s4+$0x30];
	[tilespmem:s2+$0xFFFFFFD0] =	vst v6;
	v3 =	vsel vm0, v3, v0;
	s0 =	sadd.s32 $0x80, s0  }
0x3e3: {  	s3 =	sadd.s32 $0x8, s3;
	s1 =	sadd.s32 $0x80, s1;
	v6 =	vld [tilespmem:s0+$0x30];
	[tilespmem:s2+$0xFFFFFFE0] =	vst v3;
	v1 =	vsel vm2, v1, v0  }
0x3e4: {  	p1 =	slt.u32 s3, $0x1B8;
	v3 =	vld [tilespmem:s1+$0x30];
	[tilespmem:s2+$0xFFFFFFF0] =	vst v1;
	v1 =	vsel vm1, v2, v0  }
0x3e5: {  	v2 =	vld [tilespmem:s0+$0xFFFFFFC0];
	[tilespmem:s2+$0x0] =	vst v1;
	v1 =	vsel vm3, v4, v0  }
0x3e6: {  	v4 =	vld [tilespmem:s4+$0xFFFFFFD0];
	[tilespmem:s2+$0x10] =	vst v1;
	v1 =	vsel vm4, v5, v0  }
0x3e7: {  	v5 =	vld [tilespmem:s0+$0xFFFFFFD0];
	[tilespmem:s2+$0x20] =	vst v1  }
0x3e8: {  	v1 =	vld [tilespmem:s4+$0xFFFFFFE0];
	vm0 =	vgt.f32 v7, v6  }
0x3e9: {  	s2 =	sadd.s32 $0x80, s2;
	v6 =	vld [tilespmem:s0+$0xFFFFFFE0];
	v3 =	vsel vm0, v3, v0  }
0x3ea: {  	v7 =	vld [tilespmem:s4+$0xFFFFFFF0];
	[tilespmem:s2+$0x30] =	vst v3  }
0x3eb: {  	v3 =	vld [tilespmem:s0+$0xFFFFFFF0]  }
0x3ec: {  	vm5 =	vgt.f32 v4, v5;
	v4 =	vld [tilespmem:s4+$0x0]  }
0x3ed: {  	v5 =	vld [tilespmem:s0+$0x0]  }
0x3ee: {  	vm0 =	vgt.f32 v1, v6;
	v1 =	vld [tilespmem:s4+$0x10]  }
0x3ef: {  	v6 =	vld [tilespmem:s0+$0x10]  }
0x3f0: {  	vm2 =	vgt.f32 v7, v3;
	v7 =	vld [tilespmem:s4+$0x20]  }
0x3f1: {  	v8 =	vld [tilespmem:s0+$0x20]  }
0x3f2: {  	v9 =	vld [tilespmem:s4+$0xFFFFFFC0];
	vm1 =	vgt.f32 v4, v5  }
0x3f3: {  	v4 =	vld [tilespmem:s1+$0xFFFFFFC0]  }
0x3f4: {  	v5 =	vld [tilespmem:s1+$0xFFFFFFD0];
	vm3 =	vgt.f32 v1, v6  }
.Ltmp8:
0x3f5: {  	v3 =	vld [tilespmem:s1+$0xFFFFFFE0];
	(pc) =	sbr.rel @p1 .LBB2_17-.Ltmp8, $4  }
0x3f6: {  	v1 =	vld [tilespmem:s1+$0xFFFFFFF0];
	vm4 =	vgt.f32 v7, v8  }
0x3f7: {  	vm6 =	vgt.f32 v9, v2;
	v2 =	vld [tilespmem:s1+$0x0]  }
0x3f8: {  	v6 =	vsel vm6, v4, v0;
	v4 =	vld [tilespmem:s1+$0x10]  }
0x3f9: {  	s4 =	sadd.s32 $0x80, s4;
	[tilespmem:s2+$0xFFFFFFC0] =	vst v6;
	v6 =	vsel vm5, v5, v0;
	v5 =	vld [tilespmem:s1+$0x20]  }
0x3fa: {  	[tilespmem:s2+$0xFFFFFFD0] =	vst v6;
	v3 =	vsel vm0, v3, v0  }
0x3fb: {  	[tilespmem:s2+$0xFFFFFFE0] =	vst v3;
	v1 =	vsel vm2, v1, v0  }
0x3fc: {  	[tilespmem:s2+$0xFFFFFFF0] =	vst v1;
	v1 =	vsel vm1, v2, v0  }
0x3fd: {  	[tilespmem:s2+$0x0] =	vst v1;
	v1 =	vsel vm3, v4, v0  }
0x3fe: {  	s0 =	simm.s32 $0x1C00;
	[tilespmem:s2+$0x10] =	vst v1;
	v0 =	vsel vm4, v5, v0  }
0x3ff: {  	s1 =	simm.s32 $0x160E8;
	s24 =	simm.s32 $0x1B4E8;
	s25 =	simm.s32 $0x1;
	[tilespmem:s2+$0x20] =	vst v0  }
0x400: {  	[spmem:s10] =	stream.indirect.scatter [tilespmem:s24], [sflag:$0x1], $0x1, s1, s0, $0xb8;
	[tilespmem:$0x1E168] =	vst v63  }
0x401: {  	_ =	swait.ge [sflag:s25], $0x1C00  }
0x402: {  	[sflag:s25] =	ssyncset.done $0x0  }
0x403: {  	[sflag:s25] =	ssyncadd.s32 $0xFFFFE400  }
0x404: {  	s26 =	simm.s32 $0xF0E8;
	s3 =	simm.s32 $0x128E8;
	[bflag:$0x0] =	sbarrier.arrive $0xFFFF  }
0x405: {  	[tilespmem:s3], [sflag:$0x1] =	stream.indirect.gather [spmem:s10], $0x1, s26, s0, $0xb8;
	[tilespmem:$0x1E168] =	vst v63  }
0x406: {  	s28 =	simm.s32 $0x10CE8;
	s29 =	simm.s32 $0x144E8  }
0x407: {  	[tilespmem:s29], [sflag:$0x1] =	stream.indirect.gather [spmem:s5], $0x1, s28, s0, $0xb8;
	[tilespmem:$0x1E168] =	vst v63  }
0x408: {  	_ =	swait.ge [sflag:s25], $0x1C00  }
0x409: {  	[sflag:s25] =	ssyncset.done $0x0  }
0x40a: {  	[sflag:s25] =	ssyncadd.s32 $0xFFFFE400  }
0x40b: {  	_ =	swait.ge [sflag:s25], $0x1C00  }
0x40c: {  	[sflag:s25] =	ssyncset.done $0x0  }
0x40d: {  	s30 =	simm.s32 $0x12928;
	[sflag:s25] =	ssyncadd.s32 $0xFFFFE400  }
0x40e: {  	v0 =	vld [tilespmem:s30+$0xFFFFFFE0]  }
0x40f: {  	s31 =	simm.s32 $0x1B528;
	v5 =	vld [tilespmem:s30+$0x30]  }
0x410: {  	v6 =	vld [tilespmem:s31+$0x30]  }
0x411: {  	v7 =	vld [tilespmem:s31+$0x20]  }
0x412: {  	s0 =	simm.s32 $0xD528;
	v3 =	vld [tilespmem:s31+$0xFFFFFFD0]  }
0x413: {  	v2 =	vld [tilespmem:s0+$0xFFFFFFC0]  }
0x414: {  	s1 =	simm.s32 $0x14528;
	v4 =	vld [tilespmem:s30+$0xFFFFFFD0]  }
0x415: {  	v1 =	vld [tilespmem:s1+$0xFFFFFFC0]  }
0x416: {  	v8 =	vld [tilespmem:s1+$0xFFFFFFD0]  }
0x417: {  	v10 =	vld [tilespmem:s1+$0xFFFFFFF0]  }
0x418: {  	v9 =	vld [tilespmem:s1+$0xFFFFFFE0]  }
0x419: {  	v13 =	vld [tilespmem:s1+$0x20]  }
0x41a: {  	v11 =	vld [tilespmem:s1+$0x0]  }
0x41b: {  	v12 =	vld [tilespmem:s1+$0x10]  }
0x41c: {  	v14 =	vld [tilespmem:s1+$0x30];
	v10 =	vadd.f32 $9.999999710e-10, v10  }
0x41d: {  	v15 =	vld [tilespmem:s31+$0x10];
	v9 =	vadd.f32 $9.999999710e-10, v9  }
0x41e: {  	v16 =	vld [tilespmem:s31+$0x0];
	v13 =	vadd.f32 $9.999999710e-10, v13;
	(erf) = vrcp.f32 v10  }
0x41f: {  	v17 =	vld [tilespmem:s31+$0xFFFFFFF0];
	v8 =	vadd.f32 $9.999999710e-10, v8;
	(erf) = vrcp.f32 v9  }
0x420: {  	v18 =	vld [tilespmem:s31+$0xFFFFFFE0];
	(erf) = vrcp.f32 v13  }
0x421: {  	v58 =	vld [tilespmem:s0+$0x10];
	v1 =	vadd.f32 $9.999999710e-10, v1;
	(erf) = vrcp.f32 v8  }
0x422: {  	v59 =	vld [tilespmem:s0+$0xFFFFFFE0]  }
0x423: {  	v57 =	vadd.f32 $9.999999710e-10, v14;
	(erf) = vrcp.f32 v1;
	v1 =	vld [tilespmem:s0+$0xFFFFFFF0]  }
0x424: {  	v60 =	vld [tilespmem:s30+$0x20];
	v8 =	vadd.f32 $9.999999710e-10, v11  }
0x425: {  	v19 =	vld [tilespmem:s30+$0x10];
	(erf) = vrcp.f32 v57  }
0x426: {  	v12 =	vadd.f32 $9.999999710e-10, v12;
	(erf) = vrcp.f32 v8;
	v8 =	vld [tilespmem:s0+$0xFFFFFFD0]  }
0x427: {  	v21 =	vld [tilespmem:s30+$0x0];
	v20 =	vpop (erf)  }
0x428: {  	v22 =	vld [tilespmem:s30+$0xFFFFFFF0];
	(erf) = vrcp.f32 v12;
	v20 =	vmul.f32 v20, v1;
	v1 =	vpop (erf)  }
0x429: {  	v10 =	vld [tilespmem:s0+$0x30];
	v23 =	vpop (erf)  }
0x42a: {  	v9 =	vld [tilespmem:s0+$0x20];
	v61 =	vpop (erf)  }
0x42b: {  	s4 =	simm.s32 $0x17D28;
	v11 =	vld [tilespmem:s0+$0x0];
	v13 =	vmul.f32 v1, v59;
	v8 =	vmul.f32 v61, v8  }
0x42c: {  	s6 =	simm.s32 $0xF128;
	v1 =	vld [tilespmem:s31+$0xFFFFFFC0];
	[tilespmem:s4+$0xFFFFFFF0] =	vst v20  }
0x42d: {  	[tilespmem:s4+$0xFFFFFFE0] =	vst v13;
	v62 =	vld [tilespmem:s6+$0xFFFFFFF0];
	v63 =	vpop (erf)  }
0x42e: {  	v20 =	vmul.f32 v63, v2;
	v24 =	vld [tilespmem:s6+$0xFFFFFFE0];
	v25 =	vpop (erf)  }
0x42f: {  	v9 =	vmul.f32 v23, v9;
	v2 =	vld [tilespmem:s30+$0xFFFFFFC0];
	[tilespmem:s4+$0xFFFFFFD0] =	vst v8;
	v8 =	vpop (erf)  }
0x430: {  	[tilespmem:s4+$0xFFFFFFC0] =	vst v20;
	v8 =	vmul.f32 v8, v11;
	v11 =	vld [tilespmem:s6+$0xFFFFFFD0]  }
0x431: {  	vm1 =	veq.f32 v4, v3;
	[tilespmem:s4+$0x20] =	vst v9;
	v9 =	vmul.f32 v25, v10;
	v3 =	vld [tilespmem:s6+$0xFFFFFFC0];
	v4 =	vpop (erf)  }
0x432: {  	vm4 =	veq.f32 v0, v18;
	v0 =	vlaneseq.u32;
	v10 =	vmul.f32 v4, v58;
	v4 =	vld [tilespmem:s6+$0x20];
	[tilespmem:s4+$0x0] =	vst v8  }
0x433: {  	s7 =	simm.s32 $0x1B5A8;
	vm0 =	veq.f32 v5, v6;
	vm3 =	veq.f32 v60, v7;
	v0 =	vor.u32 $0x80000, v0;
	[tilespmem:s4+$0x30] =	vst v9;
	v6 =	vld [tilespmem:s6+$0x0]  }
0x434: {  	s8 =	simm.s32 $0x17DA8;
	s2 =	simm.s32 $0x19928;
	s3 =	simm.s32 $0x0;
	vm2 =	veq.f32 v19, v15;
	vm5 =	veq.f32 v22, v17;
	v5 =	vld [tilespmem:s6+$0x30];
	v7 =	vsel vm4, v24, v0;
	[tilespmem:s4+$0x10] =	vst v10  }
0x435: {  	s5 =	simm.s32 $0x199A8;
	vm4 =	veq.f32 v21, v16;
	v8 =	vsel vm5, v62, v0;
	[tilespmem:s2+$0xFFFFFFE0] =	vst v7;
	s4 =	simm.s32 $0xF1A8;
	v7 =	vld [tilespmem:s6+$0x10];
	s6 =	simm.s32 $0x129A8;
	v9 =	vsel vm1, v11, v0  }
.LBB2_19:
0x436: {  	v10 =	vld [tilespmem:s6+$0xFFFFFFE0];
	s3 =	sadd.s32 $0x8, s3;
	[tilespmem:s2+$0xFFFFFFD0] =	vst v9;
	s0 =	sadd.s32 $0x80, s0;
	s1 =	sadd.s32 $0x80, s1  }
0x437: {  	s9 =	smov.u32 s4;
	v9 =	vld [tilespmem:s6+$0x30];
	p1 =	slt.u32 s3, $0x1B8;
	[tilespmem:s2+$0xFFFFFFF0] =	vst v8;
	v4 =	vsel vm3, v4, v0  }
0x438: {  	vm1 =	veq.f32 v2, v1;
	v8 =	vld [tilespmem:s7+$0x30];
	v1 =	vsel vm4, v6, v0;
	[tilespmem:s2+$0x20] =	vst v4  }
0x439: {  	v3 =	vsel vm1, v3, v0;
	v2 =	vld [tilespmem:s7+$0x20];
	[tilespmem:s2+$0x0] =	vst v1;
	v1 =	vsel vm0, v5, v0  }
0x43a: {  	v4 =	vld [tilespmem:s7+$0xFFFFFFD0];
	[tilespmem:s2+$0xFFFFFFC0] =	vst v3;
	v3 =	vsel vm2, v7, v0  }
0x43b: {  	v5 =	vld [tilespmem:s0+$0xFFFFFFC0];
	[tilespmem:s2+$0x10] =	vst v3  }
0x43c: {  	v3 =	vld [tilespmem:s6+$0xFFFFFFD0];
	[tilespmem:s2+$0x30] =	vst v1;
	s2 =	smov.u32 s5  }
0x43d: {  	v1 =	vld [tilespmem:s1+$0xFFFFFFC0]  }
0x43e: {  	v6 =	vld [tilespmem:s1+$0xFFFFFFD0]  }
0x43f: {  	v7 =	vld [tilespmem:s1+$0xFFFFFFE0]  }
0x440: {  	v11 =	vld [tilespmem:s1+$0xFFFFFFF0]  }
0x441: {  	vm1 =	veq.f32 v3, v4;
	v3 =	vld [tilespmem:s1+$0x0]  }
0x442: {  	v4 =	vld [tilespmem:s1+$0x10]  }
0x443: {  	v12 =	vld [tilespmem:s1+$0x20]  }
0x444: {  	v13 =	vld [tilespmem:s1+$0x30]  }
0x445: {  	v14 =	vld [tilespmem:s7+$0x10]  }
0x446: {  	v11 =	vadd.f32 $9.999999710e-10, v11;
	v3 =	vadd.f32 $9.999999710e-10, v3;
	v15 =	vld [tilespmem:s7+$0x0]  }
0x447: {  	v7 =	vadd.f32 $9.999999710e-10, v7;
	v16 =	vld [tilespmem:s7+$0xFFFFFFF0];
	v4 =	vadd.f32 $9.999999710e-10, v4  }
0x448: {  	v6 =	vadd.f32 $9.999999710e-10, v6;
	v17 =	vld [tilespmem:s7+$0xFFFFFFE0];
	v12 =	vadd.f32 $9.999999710e-10, v12;
	(erf) = vrcp.f32 v11  }
0x449: {  	v1 =	vadd.f32 $9.999999710e-10, v1;
	v11 =	vld [tilespmem:s0+$0x30];
	v13 =	vadd.f32 $9.999999710e-10, v13;
	(erf) = vrcp.f32 v7  }
0x44a: {  	v7 =	vld [tilespmem:s0+$0x20];
	(erf) = vrcp.f32 v12  }
0x44b: {  	v12 =	vld [tilespmem:s0+$0x10];
	(erf) = vrcp.f32 v6  }
0x44c: {  	v6 =	vld [tilespmem:s0+$0x0];
	(erf) = vrcp.f32 v1  }
0x44d: {  	vm0 =	veq.f32 v9, v8;
	vm5 =	veq.f32 v10, v17;
	v1 =	vld [tilespmem:s0+$0xFFFFFFF0];
	(erf) = vrcp.f32 v13  }
0x44e: {  	v8 =	vld [tilespmem:s0+$0xFFFFFFE0];
	(erf) = vrcp.f32 v3  }
0x44f: {  	v3 =	vld [tilespmem:s0+$0xFFFFFFD0];
	(erf) = vrcp.f32 v4  }
0x450: {  	v4 =	vld [tilespmem:s6+$0x20]  }
0x451: {  	v9 =	vld [tilespmem:s6+$0x10];
	v10 =	vpop (erf)  }
0x452: {  	v19 =	vmul.f32 v10, v1;
	v13 =	vld [tilespmem:s6+$0x0];
	v1 =	vpop (erf)  }
0x453: {  	v8 =	vmul.f32 v1, v8;
	v17 =	vld [tilespmem:s6+$0xFFFFFFF0];
	v18 =	vpop (erf)  }
0x454: {  	v1 =	vld [tilespmem:s7+$0xFFFFFFC0];
	[tilespmem:s8+$0xFFFFFFF0] =	vst v19;
	v18 =	vmul.f32 v18, v7;
	v10 =	vpop (erf)  }
0x455: {  	v10 =	vmul.f32 v10, v3;
	[tilespmem:s8+$0xFFFFFFE0] =	vst v8;
	v8 =	vld [tilespmem:s4+$0xFFFFFFF0];
	vm3 =	veq.f32 v4, v2;
	v2 =	vpop (erf)  }
0x456: {  	v4 =	vmul.f32 v2, v5;
	v5 =	vld [tilespmem:s4+$0xFFFFFFE0];
	vm2 =	veq.f32 v9, v14;
	[tilespmem:s8+$0x20] =	vst v18;
	v7 =	vpop (erf)  }
0x457: {  	v2 =	vld [tilespmem:s6+$0xFFFFFFC0];
	[tilespmem:s8+$0xFFFFFFD0] =	vst v10;
	vm4 =	veq.f32 v13, v15;
	v7 =	vmul.f32 v7, v11;
	v3 =	vpop (erf)  }
0x458: {  	[tilespmem:s8+$0xFFFFFFC0] =	vst v4;
	v9 =	vld [tilespmem:s4+$0xFFFFFFD0];
	vm6 =	veq.f32 v17, v16;
	v4 =	vmul.f32 v3, v6;
	v6 =	vpop (erf)  }
.Ltmp9:
0x459: {  	v3 =	vld [tilespmem:s4+$0xFFFFFFC0];
	v10 =	vmul.f32 v6, v12;
	[tilespmem:s8+$0x30] =	vst v7;
	(pc) =	sbr.rel @p1 .LBB2_19-.Ltmp9, $4  }
0x45a: {  	v8 =	vsel vm6, v8, v0;
	[tilespmem:s8+$0x0] =	vst v4;
	v4 =	vld [tilespmem:s4+$0x20]  }
0x45b: {  	v5 =	vsel vm5, v5, v0;
	v6 =	vld [tilespmem:s4+$0x0];
	[tilespmem:s8+$0x10] =	vst v10  }
0x45c: {  	s5 =	sadd.s32 $0x80, s5;
	s4 =	sadd.s32 $0x80, s4;
	[tilespmem:s2+$0xFFFFFFE0] =	vst v5;
	v5 =	vld [tilespmem:s9+$0x30]  }
0x45d: {  	s7 =	sadd.s32 $0x80, s7;
	s6 =	sadd.s32 $0x80, s6;
	s8 =	sadd.s32 $0x80, s8;
	v9 =	vsel vm1, v9, v0;
	v7 =	vld [tilespmem:s9+$0x10]  }
0x45e: {  	[tilespmem:s2+$0xFFFFFFD0] =	vst v9  }
0x45f: {  	[tilespmem:s2+$0xFFFFFFF0] =	vst v8;
	vm1 =	veq.f32 v2, v1;
	v4 =	vsel vm3, v4, v0  }
0x460: {  	v2 =	vsel vm1, v3, v0;
	[tilespmem:s2+$0x20] =	vst v4  }
0x461: {  	v61 =	vsel vm4, v6, v0;
	[tilespmem:s2+$0xFFFFFFC0] =	vst v2  }
0x462: {  	[tilespmem:s2+$0x0] =	vst v61;
	v63 =	vsel vm0, v5, v0  }
0x463: {  	v62 =	vsel vm2, v7, v0;
	[tilespmem:s2+$0x30] =	vst v63  }
0x464: {  	[tilespmem:s2+$0x10] =	vst v62  }
0x465: {  	[bflag:$0x0] =	sbarrier.arrive $0xFFFF  }
0x466: {  	s1 =	simm.s32 $0x1D0E8;
	s0 =	simm.s32 $0x2;
	s4 =	rddreg [dreg:$0x5]  }
0x467: {  	[spmem:s4] =	stream.linear.scatter [tilespmem:s1], [sflag:$0x2], $0x800, $0x38;
	[tilespmem:$0x1E168] =	vst v63  }
0x468: {  	_ =	swait.ge [sflag:s0], $0x800  }
0x469: {  	[sflag:s0] =	ssyncset.done $0x0  }
0x46a: {  	s9 =	rddreg [dreg:$0x6];
	[sflag:s0] =	ssyncadd.s32 $0xFFFFF800  }
0x46b: {  	[spmem:s9] =	stream.linear.scatter [tilespmem:s1], [sflag:$0x2], $0x800, $0x38;
	[tilespmem:$0x1E168] =	vst v63  }
0x46c: {  	_ =	swait.ge [sflag:s0], $0x800  }
0x46d: {  	[sflag:s0] =	ssyncset.done $0x0  }
0x46e: {  	s11 =	rddreg [dreg:$0x7];
	[sflag:s0] =	ssyncadd.s32 $0xFFFFF800  }
0x46f: {  	[spmem:s11] =	stream.linear.scatter [tilespmem:s1], [sflag:$0x2], $0x800, $0x38;
	[tilespmem:$0x1E168] =	vst v63  }
0x470: {  	_ =	swait.ge [sflag:s0], $0x800  }
0x471: {  	[sflag:s0] =	ssyncset.done $0x0  }
0x472: {  	s12 =	rddreg [dreg:$0x8];
	[sflag:s0] =	ssyncadd.s32 $0xFFFFF800  }
0x473: {  	[spmem:s12] =	stream.linear.scatter [tilespmem:s1], [sflag:$0x2], $0x800, $0x38;
	[tilespmem:$0x1E168] =	vst v63  }
0x474: {  	_ =	swait.ge [sflag:s0], $0x800  }
0x475: {  	[sflag:s0] =	ssyncset.done $0x0  }
0x476: {  	s13 =	rddreg [dreg:$0x9];
	[sflag:s0] =	ssyncadd.s32 $0xFFFFF800  }
0x477: {  	[spmem:s13] =	stream.linear.scatter [tilespmem:s1], [sflag:$0x2], $0x800, $0x38;
	[tilespmem:$0x1E168] =	vst v63  }
0x478: {  	_ =	swait.ge [sflag:s0], $0x800  }
0x479: {  	[sflag:s0] =	ssyncset.done $0x0  }
0x47a: {  	s14 =	rddreg [dreg:$0xa];
	[sflag:s0] =	ssyncadd.s32 $0xFFFFF800  }
0x47b: {  	[spmem:s14] =	stream.linear.scatter [tilespmem:s1], [sflag:$0x2], $0x800, $0x38;
	[tilespmem:$0x1E168] =	vst v63  }
0x47c: {  	_ =	swait.ge [sflag:s0], $0x800  }
0x47d: {  	[sflag:s0] =	ssyncset.done $0x0  }
0x47e: {  	s15 =	rddreg [dreg:$0xb];
	[sflag:s0] =	ssyncadd.s32 $0xFFFFF800  }
0x47f: {  	[spmem:s15] =	stream.linear.scatter [tilespmem:s1], [sflag:$0x2], $0x800, $0x38;
	[tilespmem:$0x1E168] =	vst v63  }
0x480: {  	_ =	swait.ge [sflag:s0], $0x800  }
0x481: {  	[sflag:s0] =	ssyncset.done $0x0  }
0x482: {  	s16 =	rddreg [dreg:$0xc];
	[sflag:s0] =	ssyncadd.s32 $0xFFFFF800  }
0x483: {  	[spmem:s16] =	stream.linear.scatter [tilespmem:s1], [sflag:$0x2], $0x800, $0x38;
	[tilespmem:$0x1E168] =	vst v63  }
0x484: {  	_ =	swait.ge [sflag:s0], $0x800  }
0x485: {  	[sflag:s0] =	ssyncset.done $0x0  }
0x486: {  	s17 =	rddreg [dreg:$0xd];
	[sflag:s0] =	ssyncadd.s32 $0xFFFFF800  }
0x487: {  	[spmem:s17] =	stream.linear.scatter [tilespmem:s1], [sflag:$0x2], $0x800, $0x38;
	[tilespmem:$0x1E168] =	vst v63  }
0x488: {  	_ =	swait.ge [sflag:s0], $0x800  }
0x489: {  	[sflag:s0] =	ssyncset.done $0x0  }
0x48a: {  	s18 =	rddreg [dreg:$0xe];
	[sflag:s0] =	ssyncadd.s32 $0xFFFFF800  }
0x48b: {  	[spmem:s18] =	stream.linear.scatter [tilespmem:s1], [sflag:$0x2], $0x800, $0x38;
	[tilespmem:$0x1E168] =	vst v63  }
0x48c: {  	_ =	swait.ge [sflag:s0], $0x800  }
0x48d: {  	[sflag:s0] =	ssyncset.done $0x0  }
0x48e: {  	s19 =	rddreg [dreg:$0xf];
	[sflag:s0] =	ssyncadd.s32 $0xFFFFF800  }
0x48f: {  	[spmem:s19] =	stream.linear.scatter [tilespmem:s1], [sflag:$0x2], $0x800, $0x38;
	[tilespmem:$0x1E168] =	vst v63  }
0x490: {  	_ =	swait.ge [sflag:s0], $0x800  }
0x491: {  	[sflag:s0] =	ssyncset.done $0x0  }
0x492: {  	s20 =	rddreg [dreg:$0x10];
	[sflag:s0] =	ssyncadd.s32 $0xFFFFF800  }
0x493: {  	[spmem:s20] =	stream.linear.scatter [tilespmem:s1], [sflag:$0x2], $0x800, $0x38;
	[tilespmem:$0x1E168] =	vst v63  }
0x494: {  	_ =	swait.ge [sflag:s0], $0x800  }
0x495: {  	[sflag:s0] =	ssyncset.done $0x0  }
0x496: {  	s21 =	rddreg [dreg:$0x11];
	[sflag:s0] =	ssyncadd.s32 $0xFFFFF800  }
0x497: {  	[spmem:s21] =	stream.linear.scatter [tilespmem:s1], [sflag:$0x2], $0x800, $0x38;
	[tilespmem:$0x1E168] =	vst v63  }
0x498: {  	_ =	swait.ge [sflag:s0], $0x800  }
0x499: {  	[sflag:s0] =	ssyncset.done $0x0  }
0x49a: {  	s22 =	rddreg [dreg:$0x12];
	[sflag:s0] =	ssyncadd.s32 $0xFFFFF800  }
0x49b: {  	[spmem:s22] =	stream.linear.scatter [tilespmem:s1], [sflag:$0x2], $0x800, $0x38;
	[tilespmem:$0x1E168] =	vst v63  }
0x49c: {  	_ =	swait.ge [sflag:s0], $0x800  }
0x49d: {  	[sflag:s0] =	ssyncset.done $0x0  }
0x49e: {  	s23 =	rddreg [dreg:$0x13];
	[sflag:s0] =	ssyncadd.s32 $0xFFFFF800  }
0x49f: {  	[spmem:s23] =	stream.linear.scatter [tilespmem:s1], [sflag:$0x2], $0x800, $0x38;
	[tilespmem:$0x1E168] =	vst v63  }
0x4a0: {  	_ =	swait.ge [sflag:s0], $0x800  }
0x4a1: {  	[sflag:s0] =	ssyncset.done $0x0  }
0x4a2: {  	s24 =	rddreg [dreg:$0x14];
	[sflag:s0] =	ssyncadd.s32 $0xFFFFF800  }
0x4a3: {  	[spmem:s24] =	stream.linear.scatter [tilespmem:s1], [sflag:$0x2], $0x800, $0x38;
	[tilespmem:$0x1E168] =	vst v63  }
0x4a4: {  	_ =	swait.ge [sflag:s0], $0x800  }
0x4a5: {  	[sflag:s0] =	ssyncset.done $0x0  }
0x4a6: {  	s1 =	simm.s32 @!p0 $0x1D0E8;
	s2 =	rddreg [dreg:$0x15];
	[sflag:s0] =	ssyncadd.s32 $0xFFFFF800  }
0x4a7: {  	[spmem:s2] =	stream.linear.scatter @!p0 [tilespmem:s1], [sflag:$0x2], $0x80, $0x38;
	[tilespmem:$0x1E168] =	vst v63  }
0x4a8: {  	s1 =	simm.s32 @!p0 $0x2  }
0x4a9: {  	_ =	swait.ge @!p0 [sflag:s1], $0x80  }
0x4aa: {  	[sflag:s1] =	ssyncset.done @!p0 $0x0  }
0x4ab: {  	s25 =	simm.s32 $0x1C00;
	s26 =	simm.s32 $0x198E8;
	[sflag:s1] =	ssyncadd.s32 @!p0 $0xFFFFFF80  }
0x4ac: {  	s3 =	simm.s32 $0x17CE8;
	s28 =	simm.s32 $0x1;
	[bflag:$0x0] =	sbarrier.arrive $0xFFFF  }
0x4ad: {  	[spmem:s10] =	stream.indirect.scatter [tilespmem:s3], [sflag:$0x1], $0x1, s26, s25, $0xb8;
	[tilespmem:$0x1E168] =	vst v63  }
0x4ae: {  	_ =	swait.ge [sflag:s28], $0x1C00  }
0x4af: {  	[sflag:s28] =	ssyncset.done $0x0  }
0x4b0: {  	s29 =	stileid.u32;
	[sflag:s28] =	ssyncadd.s32 $0xFFFFE400  }
0x4b1: {  	s1 =	sshll.u32 s29, $0x6;
	[bflag:$0x0] =	sbarrier.arrive $0xFFFF  }
0x4b2: {  	s30 =	sshrl.u32 s4, $0x3;
	s1 =	sor.u32 $0x1C02, s1;
	s31 =	rddreg [dreg:$0x16]  }
0x4b3: {  	[hbm:s31], [sflag:s1] =	dma.local [spmem:s30], $0x1000  }
0x4b4: {  	_ =	swait.ge [sflag:s0], $0x1000  }
0x4b5: {  	[sflag:s0] =	ssyncset.done $0x0  }
0x4b6: {  	[sflag:s0] =	ssyncadd.s32 $0xFFFFF000  }
0x4b7: {  	_ =	sfence.sel $0x180000  }
0x4b8: {  	[bflag:$0x0] =	sbarrier.arrive $0xFFFF  }
0x4b9: {  	_ =	strace $0x90000047  }
0x4ba: {  	[bflag:$0x2] =	sbarrier.arrive $0xFFFF  }
0x4bb: {  	s0 =	rddreg [dreg:$0x4]  }
0x4bc: {  	s0 =	sadd.s32 @!p0 $0x100000, s0  }
0x4bd: {  	[sflag:s0] =	ssyncadd.tile.s32 @!p0 $0x1;
	_ =	shalt  }
.Lfunc_end2:
_tile_overlayer_lowered:
.L_overlay_start_2:
0x4be: {  	(tag) =	ssettag $0x2  }
0x4bf: {  	s0 =	rddreg [dreg:$0x0];
	s2 =	stileid.u32  }
0x4c0: {  	s1 =	rddreg [dreg:$0x1];
	p0 =	sne.s32 s2, $0x0  }
0x4c1: {  	s3 =	rddreg [dreg:$0x2];
	[bflag:$0x3] =	sbarrier.arrive $0xFFFF;
	s2 =	simm.s32 @!p0 $0x1C02  }
0x4c2: {  	[timem:s3], [sflag:s2] =	dma.local @!p0 [hbm:s0], s1  }
0x4c3: {  	s0 =	simm.s32 @!p0 $0x2  }
0x4c4: {  	_ =	swait.ge @!p0 [sflag:s0], s1  }
0x4c5: {  	s1 =	ssub.s32 @!p0 $0x0, s1;
	[sflag:s0] =	ssyncset.done @!p0 $0x0  }
0x4c6: {  	[sflag:s0] =	ssyncadd.s32 @!p0 s1  }
0x4c7: {  	[bflag:$0x3] =	sbarrier.arrive $0xFFFF  }
0x4c8: {  	_ =	shalt  }

</sc_bundles>
